<compile_context>
chip_gen: v7x
topology: tpu7x:2x2x1
jax: 0.10.2.dev20260603
libtpu: 0.0.44.dev20260713+nightly
codegen_flags: <defaults>
</compile_context>

<pallas_src>
import functools

import jax
import jax.numpy as jnp
from jax import lax
from jax.experimental import pallas as pl
from jax.experimental.pallas import tpu as pltpu
from jax.experimental.pallas import tpu_sc as plsc

V = 260000
D = 128
B = 4096
L = 200
TOK = B * L

ROWS_BLK = 16384
VPAD = 262144
GRID1 = VPAD // ROWS_BLK

NC, NS = 2, 16
NW = NC * NS
CH = 128
ROWS_W = TOK // (NW * CH)
IDS_ROWS = TOK // CH



def _proj_body(x_ref, w_ref, s_ref, t_ref):
    x = x_ref[...]
    d = lax.dot_general(w_ref[...], x, (((1,), (1,)), ((), ())),
                        preferred_element_type=jnp.float32)
    s_ref[...] = d[0]
    t_ref[...] = d[1]


def _proj(table, w2t):
    return pl.pallas_call(
        _proj_body,
        grid=(GRID1,),
        in_specs=[
            pl.BlockSpec((ROWS_BLK, D), lambda i: (i, 0)),
            pl.BlockSpec((2, D), lambda i: (0, 0)),
        ],
        out_specs=[
            pl.BlockSpec((ROWS_BLK,), lambda i: (i,)),
            pl.BlockSpec((ROWS_BLK,), lambda i: (i,)),
        ],
        out_shape=[
            jax.ShapeDtypeStruct((VPAD,), jnp.float32),
            jax.ShapeDtypeStruct((VPAD,), jnp.float32),
        ],
    )(table, w2t)



ROWS_B = B // NW
GROUPS = ROWS_B // 16


@functools.lru_cache(maxsize=1)
def _make_gather_pool():
    mesh = plsc.VectorSubcoreMesh(core_axis_name="c", subcore_axis_name="s")

    @functools.partial(
        pl.kernel,
        mesh=mesh,
        out_type=jax.ShapeDtypeStruct((B,), jnp.float32),
        scratch_types=[
            pltpu.VMEM((L, ROWS_B), jnp.int32),
            pltpu.VMEM((L * ROWS_B,), jnp.float32),
            pltpu.VMEM((L * ROWS_B,), jnp.float32),
            pltpu.VMEM((ROWS_B,), jnp.float32),
            pltpu.VMEM_SHARED((VPAD,), jnp.float32),
            pltpu.VMEM_SHARED((VPAD,), jnp.float32),
            pltpu.SemaphoreType.DMA,
            pltpu.SemaphoreType.DMA,
        ],
    )
    def _gather_pool(s_hbm, t_hbm, ids_hbm, out_hbm,
                     idx_v, sg_v, tg_v, res_v, s_spm, t_spm, sem_s, sem_t):
        wid = lax.axis_index("s") * NC + lax.axis_index("c")
        pltpu.sync_copy(ids_hbm.at[pl.ds(wid * L, L)], idx_v)

        sid = lax.axis_index("s")
        slc = VPAD // NS
        pltpu.sync_copy(s_hbm.at[pl.ds(sid * slc, slc)],
                        s_spm.at[pl.ds(sid * slc, slc)])
        pltpu.sync_copy(t_hbm.at[pl.ds(sid * slc, slc)],
                        t_spm.at[pl.ds(sid * slc, slc)])
        plsc.subcore_barrier()

        unroll = 8

        def chunk(k, carry):
            ms, nums, dens = carry
            cps = []
            for i in range(unroll):
                j = k * unroll + i
                cps.append(pltpu.async_copy(
                    s_spm.at[idx_v.at[j]], sg_v.at[pl.ds(j * ROWS_B, ROWS_B)], sem_s))
                cps.append(pltpu.async_copy(
                    t_spm.at[idx_v.at[j]], tg_v.at[pl.ds(j * ROWS_B, ROWS_B)], sem_t))
            for c in cps:
                c.wait()
            ms, nums, dens = list(ms), list(nums), list(dens)
            for i in range(unroll):
                j = k * unroll + i
                for g in range(GROUPS):
                    off = j * ROWS_B + g * 16
                    s = sg_v[pl.ds(off, 16)]
                    t = tg_v[pl.ds(off, 16)]
                    m_new = jnp.maximum(ms[g], s)
                    scale = jnp.exp(ms[g] - m_new)
                    e = jnp.exp(s - m_new)
                    nums[g] = nums[g] * scale + e * t
                    dens[g] = dens[g] * scale + e
                    ms[g] = m_new
            return tuple(ms), tuple(nums), tuple(dens)

        neg_inf = jnp.full((16,), -jnp.inf, jnp.float32)
        zero = jnp.zeros((16,), jnp.float32)
        ms, nums, dens = lax.fori_loop(
            0, L // unroll, chunk,
            (tuple(neg_inf for _ in range(GROUPS)),
             tuple(zero for _ in range(GROUPS)),
             tuple(zero for _ in range(GROUPS))))
        for g in range(GROUPS):
            res_v[pl.ds(g * 16, 16)] = nums[g] / dens[g]

        pltpu.sync_copy(res_v, out_hbm.at[pl.ds(wid * ROWS_B, ROWS_B)])

    return _gather_pool



def kernel(input_word_ids, emb_table, att_w, dense_w, dense_b):
    w2t = jnp.concatenate([att_w, dense_w], axis=1).T
    s_words, t_words = _proj(emb_table, w2t)
    ids_pm = (input_word_ids.astype(jnp.int32)
              .reshape(NW, ROWS_B, L)
              .transpose(0, 2, 1)
              .reshape(NW * L, ROWS_B))
    out = _make_gather_pool()(s_words, t_words, ids_pm)
    return out[:, None] + dense_b[None, :]

# --- scband reference (transcript-rebuilt; emitter-appended) ---
"""Pipeline reference for scband-bow-att-model-72404558676716 (READ-ONLY COPY).

The authoritative reference and input builder live on the scoring server;
editing this copy changes nothing except your own understanding.
"""

import jax, jax.numpy as jnp
import numpy as np

NUM_WORDS = 260000
EMB_DIM = 128
ODIM = 1
BATCH = 4096
SEQ = 200

def setup_inputs(seed: int = 0) -> dict:
    key = jax.random.key(seed)
    k1, k2, k3, k4, k5 = jax.random.split(key, 5)
    input_word_ids = jax.random.randint(k1, (BATCH, SEQ), 0, NUM_WORDS, dtype=jnp.int64 if jax.config.jax_enable_x64 else jnp.int32)
    emb_table = jax.random.normal(k2, (NUM_WORDS, EMB_DIM), dtype=jnp.float32) * 0.02
    att_w = jax.random.normal(k3, (EMB_DIM, 1), dtype=jnp.float32) * 0.05
    dense_w = jax.random.normal(k4, (EMB_DIM, ODIM), dtype=jnp.float32) * 0.05
    dense_b = jnp.zeros((ODIM,), dtype=jnp.float32)
    return {"input_word_ids": input_word_ids, "emb_table": emb_table, "att_w": att_w, "dense_w": dense_w, "dense_b": dense_b}

def reference(input_word_ids, emb_table, att_w, dense_w, dense_b):
    # Embedding lookup: gather rows from the table
    x = jnp.take(emb_table, input_word_ids, axis=0)          # [B, L, D]
    # Attention pooling ('att'): learned scalar score per token, softmax over seq, weighted sum
    scores = jnp.einsum('bld,do->blo', x, att_w)             # [B, L, 1]
    alpha = jax.nn.softmax(scores, axis=1)                   # [B, L, 1]
    pooled = jnp.sum(alpha * x, axis=1)                      # [B, D]
    # Dense head (no activation)
    out = pooled @ dense_w + dense_b                         # [B, ODIM]
    return out

if __name__ == "__main__":
    import jax
    _d = setup_inputs()
    print(jax.jit(kernel)(*tuple(_d.values())))

</pallas_src>

<mosaic_0001>
#map = affine_map<(d0, d1) -> (0)>
#map1 = affine_map<(d0, d1) -> (0, 0)>
module attributes {stable_mosaic.version = 14 : i64} {
  func.func @_gather_pool(%arg0: i32, %arg1: i32, %arg2: memref<262144xf32, #tpu.memory_space<hbm>>, %arg3: memref<262144xf32, #tpu.memory_space<hbm>>, %arg4: memref<6400x128xi32, #tpu.memory_space<hbm>>, %arg5: memref<4096xf32, #tpu.memory_space<hbm>>, %arg6: memref<200x128xi32, #tpu.memory_space<vmem>>, %arg7: memref<25600xf32, #tpu.memory_space<vmem>>, %arg8: memref<25600xf32, #tpu.memory_space<vmem>>, %arg9: memref<128xf32, #tpu.memory_space<vmem>>, %arg10: memref<262144xf32, #tpu.memory_space<vmem_shared>>, %arg11: memref<262144xf32, #tpu.memory_space<vmem_shared>>, %arg12: memref<!tpu.dma_semaphore, #tpu.memory_space<semaphore_mem>>, %arg13: memref<!tpu.dma_semaphore, #tpu.memory_space<semaphore_mem>>) attributes {dimension_semantics = [#tpu.dimension_semantics<core_parallel>, #tpu.dimension_semantics<subcore_parallel>], iteration_bounds = array<i64: 2, 16>, scalar_prefetch = 0 : i64, scratch_operands = 8 : i64, tpu.core_type = #tpu.core_type<sc_vector_subcore>, window_params = [{transform_indices = #map}, {transform_indices = #map}, {transform_indices = #map1}, {transform_indices = #map}]} {
    %mul3A = arith.constant 2 : i32
    %mul3A_0 = arith.muli %arg1, %mul3A : i32
    %add3A = arith.addi %mul3A_0, %arg0 : i32
    %mul3A_1 = arith.constant 200 : i32
    %mul3A_2 = arith.muli %add3A, %mul3A_1 : i32
    "tpu.region"() ({
      %run_scoped3A = tpu.sem_alloc : memref<!tpu.dma_semaphore, #tpu.memory_space<semaphore_mem>>
      %dma_start3A = arith.constant 0 : i32
      %dma_start3A_59 = tpu.memref_slice %arg4[%mul3A_2, %dma_start3A] : memref<6400x128xi32, #tpu.memory_space<hbm>> -> memref<200x128xi32, #tpu.memory_space<hbm>>
      %dma_start3A_60 = arith.constant 0 : i32
      %dma_start3A_61 = tpu.memref_slice %arg4[%mul3A_2, %dma_start3A_60] : memref<6400x128xi32, #tpu.memory_space<hbm>> -> memref<200x128xi32, #tpu.memory_space<hbm>>
      tpu.enqueue_dma source(%dma_start3A_61 : memref<200x128xi32, #tpu.memory_space<hbm>>) target(%arg6 : memref<200x128xi32, #tpu.memory_space<vmem>>) target_semaphore(%run_scoped3A : memref<!tpu.dma_semaphore, #tpu.memory_space<semaphore_mem>>)
      %dma_wait3A = arith.constant 0 : i32
      %dma_wait3A_62 = tpu.memref_slice %arg4[%mul3A_2, %dma_wait3A] : memref<6400x128xi32, #tpu.memory_space<hbm>> -> memref<200x128xi32, #tpu.memory_space<hbm>>
      %dma_wait3A_63 = arith.constant 0 : i32
      %dma_wait3A_64 = tpu.memref_slice %arg4[%mul3A_2, %dma_wait3A_63] : memref<6400x128xi32, #tpu.memory_space<hbm>> -> memref<200x128xi32, #tpu.memory_space<hbm>>
      tpu.wait_dma2 semaphore(%run_scoped3A : memref<!tpu.dma_semaphore, #tpu.memory_space<semaphore_mem>>) src(%dma_wait3A_64 : memref<200x128xi32, #tpu.memory_space<hbm>>) dst(%arg6 : memref<200x128xi32, #tpu.memory_space<vmem>>)
      tpu.yield
    }) : () -> ()
    %mul3A_3 = arith.constant 16384 : i32
    %mul3A_4 = arith.muli %arg1, %mul3A_3 : i32
    %mul3A_5 = arith.constant 16384 : i32
    %mul3A_6 = arith.muli %arg1, %mul3A_5 : i32
    "tpu.region"() ({
      %run_scoped3A = tpu.sem_alloc : memref<!tpu.dma_semaphore, #tpu.memory_space<semaphore_mem>>
      %dma_start3A = tpu.memref_slice %arg10[%mul3A_6] : memref<262144xf32, #tpu.memory_space<vmem_shared>> -> memref<16384xf32, #tpu.memory_space<vmem_shared>>
      %dma_start3A_59 = tpu.memref_slice %arg2[%mul3A_4] : memref<262144xf32, #tpu.memory_space<hbm>> -> memref<16384xf32, #tpu.memory_space<hbm>>
      tpu.enqueue_dma source(%dma_start3A_59 : memref<16384xf32, #tpu.memory_space<hbm>>) target(%dma_start3A : memref<16384xf32, #tpu.memory_space<vmem_shared>>) target_semaphore(%run_scoped3A : memref<!tpu.dma_semaphore, #tpu.memory_space<semaphore_mem>>)
      %dma_wait3A = tpu.memref_slice %arg10[%mul3A_6] : memref<262144xf32, #tpu.memory_space<vmem_shared>> -> memref<16384xf32, #tpu.memory_space<vmem_shared>>
      %dma_wait3A_60 = tpu.memref_slice %arg2[%mul3A_4] : memref<262144xf32, #tpu.memory_space<hbm>> -> memref<16384xf32, #tpu.memory_space<hbm>>
      tpu.wait_dma2 semaphore(%run_scoped3A : memref<!tpu.dma_semaphore, #tpu.memory_space<semaphore_mem>>) src(%dma_wait3A_60 : memref<16384xf32, #tpu.memory_space<hbm>>) dst(%dma_wait3A : memref<16384xf32, #tpu.memory_space<vmem_shared>>)
      tpu.yield
    }) : () -> ()
    %mul3A_7 = arith.constant 16384 : i32
    %mul3A_8 = arith.muli %arg1, %mul3A_7 : i32
    %mul3A_9 = arith.constant 16384 : i32
    %mul3A_10 = arith.muli %arg1, %mul3A_9 : i32
    "tpu.region"() ({
      %run_scoped3A = tpu.sem_alloc : memref<!tpu.dma_semaphore, #tpu.memory_space<semaphore_mem>>
      %dma_start3A = tpu.memref_slice %arg11[%mul3A_10] : memref<262144xf32, #tpu.memory_space<vmem_shared>> -> memref<16384xf32, #tpu.memory_space<vmem_shared>>
      %dma_start3A_59 = tpu.memref_slice %arg3[%mul3A_8] : memref<262144xf32, #tpu.memory_space<hbm>> -> memref<16384xf32, #tpu.memory_space<hbm>>
      tpu.enqueue_dma source(%dma_start3A_59 : memref<16384xf32, #tpu.memory_space<hbm>>) target(%dma_start3A : memref<16384xf32, #tpu.memory_space<vmem_shared>>) target_semaphore(%run_scoped3A : memref<!tpu.dma_semaphore, #tpu.memory_space<semaphore_mem>>)
      %dma_wait3A = tpu.memref_slice %arg11[%mul3A_10] : memref<262144xf32, #tpu.memory_space<vmem_shared>> -> memref<16384xf32, #tpu.memory_space<vmem_shared>>
      %dma_wait3A_60 = tpu.memref_slice %arg3[%mul3A_8] : memref<262144xf32, #tpu.memory_space<hbm>> -> memref<16384xf32, #tpu.memory_space<hbm>>
      tpu.wait_dma2 semaphore(%run_scoped3A : memref<!tpu.dma_semaphore, #tpu.memory_space<semaphore_mem>>) src(%dma_wait3A_60 : memref<16384xf32, #tpu.memory_space<hbm>>) dst(%dma_wait3A : memref<16384xf32, #tpu.memory_space<vmem_shared>>)
      tpu.yield
    }) : () -> ()
    %barrier3A = arith.constant 0 : index
    tpu.barrier barrier_id(%barrier3A)
    %broadcast_in_dim3A = arith.constant 0xFF800000 : f32
    %broadcast_in_dim3A_11 = vector.broadcast %broadcast_in_dim3A : f32 to vector<16xf32>
    %broadcast_in_dim3A_12 = arith.constant 0.000000e+00 : f32
    %broadcast_in_dim3A_13 = vector.broadcast %broadcast_in_dim3A_12 : f32 to vector<16xf32>
    %scan3A = arith.constant 0 : i32
    %scan3A_14 = arith.constant 25 : i32
    %scan3A_15 = arith.addi %scan3A, %scan3A_14 : i32
    %scan3A_16 = arith.constant 1 : i32
    %scan3A_17:24 = scf.for %scan3A_59 = %scan3A to %scan3A_15 step %scan3A_16 iter_args(%scan3A_60 = %broadcast_in_dim3A_11, %scan3A_61 = %broadcast_in_dim3A_11, %scan3A_62 = %broadcast_in_dim3A_11, %scan3A_63 = %broadcast_in_dim3A_11, %scan3A_64 = %broadcast_in_dim3A_11, %scan3A_65 = %broadcast_in_dim3A_11, %scan3A_66 = %broadcast_in_dim3A_11, %scan3A_67 = %broadcast_in_dim3A_11, %scan3A_68 = %broadcast_in_dim3A_13, %scan3A_69 = %broadcast_in_dim3A_13, %scan3A_70 = %broadcast_in_dim3A_13, %scan3A_71 = %broadcast_in_dim3A_13, %scan3A_72 = %broadcast_in_dim3A_13, %scan3A_73 = %broadcast_in_dim3A_13, %scan3A_74 = %broadcast_in_dim3A_13, %scan3A_75 = %broadcast_in_dim3A_13, %scan3A_76 = %broadcast_in_dim3A_13, %scan3A_77 = %broadcast_in_dim3A_13, %scan3A_78 = %broadcast_in_dim3A_13, %scan3A_79 = %broadcast_in_dim3A_13, %scan3A_80 = %broadcast_in_dim3A_13, %scan3A_81 = %broadcast_in_dim3A_13, %scan3A_82 = %broadcast_in_dim3A_13, %scan3A_83 = %broadcast_in_dim3A_13) -> (vector<16xf32>, vector<16xf32>, vector<16xf32>, vector<16xf32>, vector<16xf32>, vector<16xf32>, vector<16xf32>, vector<16xf32>, vector<16xf32>, vector<16xf32>, vector<16xf32>, vector<16xf32>, vector<16xf32>, vector<16xf32>, vector<16xf32>, vector<16xf32>, vector<16xf32>, vector<16xf32>, vector<16xf32>, vector<16xf32>, vector<16xf32>, vector<16xf32>, vector<16xf32>, vector<16xf32>)  : i32 {
      %mul3A_84 = arith.constant 8 : i32
      %mul3A_85 = arith.muli %scan3A_59, %mul3A_84 : i32
      %add3A_86 = arith.constant 0 : i32
      %add3A_87 = arith.addi %mul3A_85, %add3A_86 : i32
      %mul3A_88 = arith.constant 128 : i32
      %mul3A_89 = arith.muli %add3A_87, %mul3A_88 : i32
      %dma_start3A = tpu.memref_slice %arg7[%mul3A_89] : memref<25600xf32, #tpu.memory_space<vmem>> -> memref<128xf32, #tpu.memory_space<vmem>>
      %dma_start3A_90 = arith.constant 0 : i32
      %dma_start3A_91 = tpu.memref_slice %arg6[%add3A_87, %dma_start3A_90] : memref<200x128xi32, #tpu.memory_space<vmem>> -> memref<1x128xi32, #tpu.memory_space<vmem>>
      %dma_start3A_92 = tpu.memref_squeeze %dma_start3A_91 : memref<1x128xi32, #tpu.memory_space<vmem>> -> memref<128xi32, #tpu.memory_space<vmem>>
      %dma_start3A_93 = arith.constant 0 : i32
      %dma_start3A_94 = tpu.memref_slice %arg10[%dma_start3A_93] : memref<262144xf32, #tpu.memory_space<vmem_shared>> -> memref<262144xf32, #tpu.memory_space<vmem_shared>>
      tpu.enqueue_indirect_dma source(%dma_start3A_94 : memref<262144xf32, #tpu.memory_space<vmem_shared>>) target(%dma_start3A : memref<128xf32, #tpu.memory_space<vmem>>) offsets(%dma_start3A_92 : memref<128xi32, #tpu.memory_space<vmem>>) semaphore(%arg12 : memref<!tpu.dma_semaphore, #tpu.memory_space<semaphore_mem>>)
      %mul3A_95 = arith.constant 128 : i32
      %mul3A_96 = arith.muli %add3A_87, %mul3A_95 : i32
      %dma_start3A_97 = tpu.memref_slice %arg8[%mul3A_96] : memref<25600xf32, #tpu.memory_space<vmem>> -> memref<128xf32, #tpu.memory_space<vmem>>
      %dma_start3A_98 = arith.constant 0 : i32
      %dma_start3A_99 = tpu.memref_slice %arg6[%add3A_87, %dma_start3A_98] : memref<200x128xi32, #tpu.memory_space<vmem>> -> memref<1x128xi32, #tpu.memory_space<vmem>>
      %dma_start3A_100 = tpu.memref_squeeze %dma_start3A_99 : memref<1x128xi32, #tpu.memory_space<vmem>> -> memref<128xi32, #tpu.memory_space<vmem>>
      %dma_start3A_101 = arith.constant 0 : i32
      %dma_start3A_102 = tpu.memref_slice %arg11[%dma_start3A_101] : memref<262144xf32, #tpu.memory_space<vmem_shared>> -> memref<262144xf32, #tpu.memory_space<vmem_shared>>
      tpu.enqueue_indirect_dma source(%dma_start3A_102 : memref<262144xf32, #tpu.memory_space<vmem_shared>>) target(%dma_start3A_97 : memref<128xf32, #tpu.memory_space<vmem>>) offsets(%dma_start3A_100 : memref<128xi32, #tpu.memory_space<vmem>>) semaphore(%arg13 : memref<!tpu.dma_semaphore, #tpu.memory_space<semaphore_mem>>)
      %mul3A_103 = arith.constant 8 : i32
      %mul3A_104 = arith.muli %scan3A_59, %mul3A_103 : i32
      %add3A_105 = arith.constant 1 : i32
      %add3A_106 = arith.addi %mul3A_104, %add3A_105 : i32
      %mul3A_107 = arith.constant 128 : i32
      %mul3A_108 = arith.muli %add3A_106, %mul3A_107 : i32
      %dma_start3A_109 = tpu.memref_slice %arg7[%mul3A_108] : memref<25600xf32, #tpu.memory_space<vmem>> -> memref<128xf32, #tpu.memory_space<vmem>>
      %dma_start3A_110 = arith.constant 0 : i32
      %dma_start3A_111 = tpu.memref_slice %arg6[%add3A_106, %dma_start3A_110] : memref<200x128xi32, #tpu.memory_space<vmem>> -> memref<1x128xi32, #tpu.memory_space<vmem>>
      %dma_start3A_112 = tpu.memref_squeeze %dma_start3A_111 : memref<1x128xi32, #tpu.memory_space<vmem>> -> memref<128xi32, #tpu.memory_space<vmem>>
      %dma_start3A_113 = arith.constant 0 : i32
      %dma_start3A_114 = tpu.memref_slice %arg10[%dma_start3A_113] : memref<262144xf32, #tpu.memory_space<vmem_shared>> -> memref<262144xf32, #tpu.memory_space<vmem_shared>>
      tpu.enqueue_indirect_dma source(%dma_start3A_114 : memref<262144xf32, #tpu.memory_space<vmem_shared>>) target(%dma_start3A_109 : memref<128xf32, #tpu.memory_space<vmem>>) offsets(%dma_start3A_112 : memref<128xi32, #tpu.memory_space<vmem>>) semaphore(%arg12 : memref<!tpu.dma_semaphore, #tpu.memory_space<semaphore_mem>>)
      %mul3A_115 = arith.constant 128 : i32
      %mul3A_116 = arith.muli %add3A_106, %mul3A_115 : i32
      %dma_start3A_117 = tpu.memref_slice %arg8[%mul3A_116] : memref<25600xf32, #tpu.memory_space<vmem>> -> memref<128xf32, #tpu.memory_space<vmem>>
      %dma_start3A_118 = arith.constant 0 : i32
      %dma_start3A_119 = tpu.memref_slice %arg6[%add3A_106, %dma_start3A_118] : memref<200x128xi32, #tpu.memory_space<vmem>> -> memref<1x128xi32, #tpu.memory_space<vmem>>
      %dma_start3A_120 = tpu.memref_squeeze %dma_start3A_119 : memref<1x128xi32, #tpu.memory_space<vmem>> -> memref<128xi32, #tpu.memory_space<vmem>>
      %dma_start3A_121 = arith.constant 0 : i32
      %dma_start3A_122 = tpu.memref_slice %arg11[%dma_start3A_121] : memref<262144xf32, #tpu.memory_space<vmem_shared>> -> memref<262144xf32, #tpu.memory_space<vmem_shared>>
      tpu.enqueue_indirect_dma source(%dma_start3A_122 : memref<262144xf32, #tpu.memory_space<vmem_shared>>) target(%dma_start3A_117 : memref<128xf32, #tpu.memory_space<vmem>>) offsets(%dma_start3A_120 : memref<128xi32, #tpu.memory_space<vmem>>) semaphore(%arg13 : memref<!tpu.dma_semaphore, #tpu.memory_space<semaphore_mem>>)
      %mul3A_123 = arith.constant 8 : i32
      %mul3A_124 = arith.muli %scan3A_59, %mul3A_123 : i32
      %add3A_125 = arith.constant 2 : i32
      %add3A_126 = arith.addi %mul3A_124, %add3A_125 : i32
      %mul3A_127 = arith.constant 128 : i32
      %mul3A_128 = arith.muli %add3A_126, %mul3A_127 : i32
      %dma_start3A_129 = tpu.memref_slice %arg7[%mul3A_128] : memref<25600xf32, #tpu.memory_space<vmem>> -> memref<128xf32, #tpu.memory_space<vmem>>
      %dma_start3A_130 = arith.constant 0 : i32
      %dma_start3A_131 = tpu.memref_slice %arg6[%add3A_126, %dma_start3A_130] : memref<200x128xi32, #tpu.memory_space<vmem>> -> memref<1x128xi32, #tpu.memory_space<vmem>>
      %dma_start3A_132 = tpu.memref_squeeze %dma_start3A_131 : memref<1x128xi32, #tpu.memory_space<vmem>> -> memref<128xi32, #tpu.memory_space<vmem>>
      %dma_start3A_133 = arith.constant 0 : i32
      %dma_start3A_134 = tpu.memref_slice %arg10[%dma_start3A_133] : memref<262144xf32, #tpu.memory_space<vmem_shared>> -> memref<262144xf32, #tpu.memory_space<vmem_shared>>
      tpu.enqueue_indirect_dma source(%dma_start3A_134 : memref<262144xf32, #tpu.memory_space<vmem_shared>>) target(%dma_start3A_129 : memref<128xf32, #tpu.memory_space<vmem>>) offsets(%dma_start3A_132 : memref<128xi32, #tpu.memory_space<vmem>>) semaphore(%arg12 : memref<!tpu.dma_semaphore, #tpu.memory_space<semaphore_mem>>)
      %mul3A_135 = arith.constant 128 : i32
      %mul3A_136 = arith.muli %add3A_126, %mul3A_135 : i32
      %dma_start3A_137 = tpu.memref_slice %arg8[%mul3A_136] : memref<25600xf32, #tpu.memory_space<vmem>> -> memref<128xf32, #tpu.memory_space<vmem>>
      %dma_start3A_138 = arith.constant 0 : i32
      %dma_start3A_139 = tpu.memref_slice %arg6[%add3A_126, %dma_start3A_138] : memref<200x128xi32, #tpu.memory_space<vmem>> -> memref<1x128xi32, #tpu.memory_space<vmem>>
      %dma_start3A_140 = tpu.memref_squeeze %dma_start3A_139 : memref<1x128xi32, #tpu.memory_space<vmem>> -> memref<128xi32, #tpu.memory_space<vmem>>
      %dma_start3A_141 = arith.constant 0 : i32
      %dma_start3A_142 = tpu.memref_slice %arg11[%dma_start3A_141] : memref<262144xf32, #tpu.memory_space<vmem_shared>> -> memref<262144xf32, #tpu.memory_space<vmem_shared>>
      tpu.enqueue_indirect_dma source(%dma_start3A_142 : memref<262144xf32, #tpu.memory_space<vmem_shared>>) target(%dma_start3A_137 : memref<128xf32, #tpu.memory_space<vmem>>) offsets(%dma_start3A_140 : memref<128xi32, #tpu.memory_space<vmem>>) semaphore(%arg13 : memref<!tpu.dma_semaphore, #tpu.memory_space<semaphore_mem>>)
      %mul3A_143 = arith.constant 8 : i32
      %mul3A_144 = arith.muli %scan3A_59, %mul3A_143 : i32
      %add3A_145 = arith.constant 3 : i32
      %add3A_146 = arith.addi %mul3A_144, %add3A_145 : i32
      %mul3A_147 = arith.constant 128 : i32
      %mul3A_148 = arith.muli %add3A_146, %mul3A_147 : i32
      %dma_start3A_149 = tpu.memref_slice %arg7[%mul3A_148] : memref<25600xf32, #tpu.memory_space<vmem>> -> memref<128xf32, #tpu.memory_space<vmem>>
      %dma_start3A_150 = arith.constant 0 : i32
      %dma_start3A_151 = tpu.memref_slice %arg6[%add3A_146, %dma_start3A_150] : memref<200x128xi32, #tpu.memory_space<vmem>> -> memref<1x128xi32, #tpu.memory_space<vmem>>
      %dma_start3A_152 = tpu.memref_squeeze %dma_start3A_151 : memref<1x128xi32, #tpu.memory_space<vmem>> -> memref<128xi32, #tpu.memory_space<vmem>>
      %dma_start3A_153 = arith.constant 0 : i32
      %dma_start3A_154 = tpu.memref_slice %arg10[%dma_start3A_153] : memref<262144xf32, #tpu.memory_space<vmem_shared>> -> memref<262144xf32, #tpu.memory_space<vmem_shared>>
      tpu.enqueue_indirect_dma source(%dma_start3A_154 : memref<262144xf32, #tpu.memory_space<vmem_shared>>) target(%dma_start3A_149 : memref<128xf32, #tpu.memory_space<vmem>>) offsets(%dma_start3A_152 : memref<128xi32, #tpu.memory_space<vmem>>) semaphore(%arg12 : memref<!tpu.dma_semaphore, #tpu.memory_space<semaphore_mem>>)
      %mul3A_155 = arith.constant 128 : i32
      %mul3A_156 = arith.muli %add3A_146, %mul3A_155 : i32
      %dma_start3A_157 = tpu.memref_slice %arg8[%mul3A_156] : memref<25600xf32, #tpu.memory_space<vmem>> -> memref<128xf32, #tpu.memory_space<vmem>>
      %dma_start3A_158 = arith.constant 0 : i32
      %dma_start3A_159 = tpu.memref_slice %arg6[%add3A_146, %dma_start3A_158] : memref<200x128xi32, #tpu.memory_space<vmem>> -> memref<1x128xi32, #tpu.memory_space<vmem>>
      %dma_start3A_160 = tpu.memref_squeeze %dma_start3A_159 : memref<1x128xi32, #tpu.memory_space<vmem>> -> memref<128xi32, #tpu.memory_space<vmem>>
      %dma_start3A_161 = arith.constant 0 : i32
      %dma_start3A_162 = tpu.memref_slice %arg11[%dma_start3A_161] : memref<262144xf32, #tpu.memory_space<vmem_shared>> -> memref<262144xf32, #tpu.memory_space<vmem_shared>>
      tpu.enqueue_indirect_dma source(%dma_start3A_162 : memref<262144xf32, #tpu.memory_space<vmem_shared>>) target(%dma_start3A_157 : memref<128xf32, #tpu.memory_space<vmem>>) offsets(%dma_start3A_160 : memref<128xi32, #tpu.memory_space<vmem>>) semaphore(%arg13 : memref<!tpu.dma_semaphore, #tpu.memory_space<semaphore_mem>>)
      %mul3A_163 = arith.constant 8 : i32
      %mul3A_164 = arith.muli %scan3A_59, %mul3A_163 : i32
      %add3A_165 = arith.constant 4 : i32
      %add3A_166 = arith.addi %mul3A_164, %add3A_165 : i32
      %mul3A_167 = arith.constant 128 : i32
      %mul3A_168 = arith.muli %add3A_166, %mul3A_167 : i32
      %dma_start3A_169 = tpu.memref_slice %arg7[%mul3A_168] : memref<25600xf32, #tpu.memory_space<vmem>> -> memref<128xf32, #tpu.memory_space<vmem>>
      %dma_start3A_170 = arith.constant 0 : i32
      %dma_start3A_171 = tpu.memref_slice %arg6[%add3A_166, %dma_start3A_170] : memref<200x128xi32, #tpu.memory_space<vmem>> -> memref<1x128xi32, #tpu.memory_space<vmem>>
      %dma_start3A_172 = tpu.memref_squeeze %dma_start3A_171 : memref<1x128xi32, #tpu.memory_space<vmem>> -> memref<128xi32, #tpu.memory_space<vmem>>
      %dma_start3A_173 = arith.constant 0 : i32
      %dma_start3A_174 = tpu.memref_slice %arg10[%dma_start3A_173] : memref<262144xf32, #tpu.memory_space<vmem_shared>> -> memref<262144xf32, #tpu.memory_space<vmem_shared>>
      tpu.enqueue_indirect_dma source(%dma_start3A_174 : memref<262144xf32, #tpu.memory_space<vmem_shared>>) target(%dma_start3A_169 : memref<128xf32, #tpu.memory_space<vmem>>) offsets(%dma_start3A_172 : memref<128xi32, #tpu.memory_space<vmem>>) semaphore(%arg12 : memref<!tpu.dma_semaphore, #tpu.memory_space<semaphore_mem>>)
      %mul3A_175 = arith.constant 128 : i32
      %mul3A_176 = arith.muli %add3A_166, %mul3A_175 : i32
      %dma_start3A_177 = tpu.memref_slice %arg8[%mul3A_176] : memref<25600xf32, #tpu.memory_space<vmem>> -> memref<128xf32, #tpu.memory_space<vmem>>
      %dma_start3A_178 = arith.constant 0 : i32
      %dma_start3A_179 = tpu.memref_slice %arg6[%add3A_166, %dma_start3A_178] : memref<200x128xi32, #tpu.memory_space<vmem>> -> memref<1x128xi32, #tpu.memory_space<vmem>>
      %dma_start3A_180 = tpu.memref_squeeze %dma_start3A_179 : memref<1x128xi32, #tpu.memory_space<vmem>> -> memref<128xi32, #tpu.memory_space<vmem>>
      %dma_start3A_181 = arith.constant 0 : i32
      %dma_start3A_182 = tpu.memref_slice %arg11[%dma_start3A_181] : memref<262144xf32, #tpu.memory_space<vmem_shared>> -> memref<262144xf32, #tpu.memory_space<vmem_shared>>
      tpu.enqueue_indirect_dma source(%dma_start3A_182 : memref<262144xf32, #tpu.memory_space<vmem_shared>>) target(%dma_start3A_177 : memref<128xf32, #tpu.memory_space<vmem>>) offsets(%dma_start3A_180 : memref<128xi32, #tpu.memory_space<vmem>>) semaphore(%arg13 : memref<!tpu.dma_semaphore, #tpu.memory_space<semaphore_mem>>)
      %mul3A_183 = arith.constant 8 : i32
      %mul3A_184 = arith.muli %scan3A_59, %mul3A_183 : i32
      %add3A_185 = arith.constant 5 : i32
      %add3A_186 = arith.addi %mul3A_184, %add3A_185 : i32
      %mul3A_187 = arith.constant 128 : i32
      %mul3A_188 = arith.muli %add3A_186, %mul3A_187 : i32
      %dma_start3A_189 = tpu.memref_slice %arg7[%mul3A_188] : memref<25600xf32, #tpu.memory_space<vmem>> -> memref<128xf32, #tpu.memory_space<vmem>>
      %dma_start3A_190 = arith.constant 0 : i32
      %dma_start3A_191 = tpu.memref_slice %arg6[%add3A_186, %dma_start3A_190] : memref<200x128xi32, #tpu.memory_space<vmem>> -> memref<1x128xi32, #tpu.memory_space<vmem>>
      %dma_start3A_192 = tpu.memref_squeeze %dma_start3A_191 : memref<1x128xi32, #tpu.memory_space<vmem>> -> memref<128xi32, #tpu.memory_space<vmem>>
      %dma_start3A_193 = arith.constant 0 : i32
      %dma_start3A_194 = tpu.memref_slice %arg10[%dma_start3A_193] : memref<262144xf32, #tpu.memory_space<vmem_shared>> -> memref<262144xf32, #tpu.memory_space<vmem_shared>>
      tpu.enqueue_indirect_dma source(%dma_start3A_194 : memref<262144xf32, #tpu.memory_space<vmem_shared>>) target(%dma_start3A_189 : memref<128xf32, #tpu.memory_space<vmem>>) offsets(%dma_start3A_192 : memref<128xi32, #tpu.memory_space<vmem>>) semaphore(%arg12 : memref<!tpu.dma_semaphore, #tpu.memory_space<semaphore_mem>>)
      %mul3A_195 = arith.constant 128 : i32
      %mul3A_196 = arith.muli %add3A_186, %mul3A_195 : i32
      %dma_start3A_197 = tpu.memref_slice %arg8[%mul3A_196] : memref<25600xf32, #tpu.memory_space<vmem>> -> memref<128xf32, #tpu.memory_space<vmem>>
      %dma_start3A_198 = arith.constant 0 : i32
      %dma_start3A_199 = tpu.memref_slice %arg6[%add3A_186, %dma_start3A_198] : memref<200x128xi32, #tpu.memory_space<vmem>> -> memref<1x128xi32, #tpu.memory_space<vmem>>
      %dma_start3A_200 = tpu.memref_squeeze %dma_start3A_199 : memref<1x128xi32, #tpu.memory_space<vmem>> -> memref<128xi32, #tpu.memory_space<vmem>>
      %dma_start3A_201 = arith.constant 0 : i32
      %dma_start3A_202 = tpu.memref_slice %arg11[%dma_start3A_201] : memref<262144xf32, #tpu.memory_space<vmem_shared>> -> memref<262144xf32, #tpu.memory_space<vmem_shared>>
      tpu.enqueue_indirect_dma source(%dma_start3A_202 : memref<262144xf32, #tpu.memory_space<vmem_shared>>) target(%dma_start3A_197 : memref<128xf32, #tpu.memory_space<vmem>>) offsets(%dma_start3A_200 : memref<128xi32, #tpu.memory_space<vmem>>) semaphore(%arg13 : memref<!tpu.dma_semaphore, #tpu.memory_space<semaphore_mem>>)
      %mul3A_203 = arith.constant 8 : i32
      %mul3A_204 = arith.muli %scan3A_59, %mul3A_203 : i32
      %add3A_205 = arith.constant 6 : i32
      %add3A_206 = arith.addi %mul3A_204, %add3A_205 : i32
      %mul3A_207 = arith.constant 128 : i32
      %mul3A_208 = arith.muli %add3A_206, %mul3A_207 : i32
      %dma_start3A_209 = tpu.memref_slice %arg7[%mul3A_208] : memref<25600xf32, #tpu.memory_space<vmem>> -> memref<128xf32, #tpu.memory_space<vmem>>
      %dma_start3A_210 = arith.constant 0 : i32
      %dma_start3A_211 = tpu.memref_slice %arg6[%add3A_206, %dma_start3A_210] : memref<200x128xi32, #tpu.memory_space<vmem>> -> memref<1x128xi32, #tpu.memory_space<vmem>>
      %dma_start3A_212 = tpu.memref_squeeze %dma_start3A_211 : memref<1x128xi32, #tpu.memory_space<vmem>> -> memref<128xi32, #tpu.memory_space<vmem>>
      %dma_start3A_213 = arith.constant 0 : i32
      %dma_start3A_214 = tpu.memref_slice %arg10[%dma_start3A_213] : memref<262144xf32, #tpu.memory_space<vmem_shared>> -> memref<262144xf32, #tpu.memory_space<vmem_shared>>
      tpu.enqueue_indirect_dma source(%dma_start3A_214 : memref<262144xf32, #tpu.memory_space<vmem_shared>>) target(%dma_start3A_209 : memref<128xf32, #tpu.memory_space<vmem>>) offsets(%dma_start3A_212 : memref<128xi32, #tpu.memory_space<vmem>>) semaphore(%arg12 : memref<!tpu.dma_semaphore, #tpu.memory_space<semaphore_mem>>)
      %mul3A_215 = arith.constant 128 : i32
      %mul3A_216 = arith.muli %add3A_206, %mul3A_215 : i32
      %dma_start3A_217 = tpu.memref_slice %arg8[%mul3A_216] : memref<25600xf32, #tpu.memory_space<vmem>> -> memref<128xf32, #tpu.memory_space<vmem>>
      %dma_start3A_218 = arith.constant 0 : i32
      %dma_start3A_219 = tpu.memref_slice %arg6[%add3A_206, %dma_start3A_218] : memref<200x128xi32, #tpu.memory_space<vmem>> -> memref<1x128xi32, #tpu.memory_space<vmem>>
      %dma_start3A_220 = tpu.memref_squeeze %dma_start3A_219 : memref<1x128xi32, #tpu.memory_space<vmem>> -> memref<128xi32, #tpu.memory_space<vmem>>
      %dma_start3A_221 = arith.constant 0 : i32
      %dma_start3A_222 = tpu.memref_slice %arg11[%dma_start3A_221] : memref<262144xf32, #tpu.memory_space<vmem_shared>> -> memref<262144xf32, #tpu.memory_space<vmem_shared>>
      tpu.enqueue_indirect_dma source(%dma_start3A_222 : memref<262144xf32, #tpu.memory_space<vmem_shared>>) target(%dma_start3A_217 : memref<128xf32, #tpu.memory_space<vmem>>) offsets(%dma_start3A_220 : memref<128xi32, #tpu.memory_space<vmem>>) semaphore(%arg13 : memref<!tpu.dma_semaphore, #tpu.memory_space<semaphore_mem>>)
      %mul3A_223 = arith.constant 8 : i32
      %mul3A_224 = arith.muli %scan3A_59, %mul3A_223 : i32
      %add3A_225 = arith.constant 7 : i32
      %add3A_226 = arith.addi %mul3A_224, %add3A_225 : i32
      %mul3A_227 = arith.constant 128 : i32
      %mul3A_228 = arith.muli %add3A_226, %mul3A_227 : i32
      %dma_start3A_229 = tpu.memref_slice %arg7[%mul3A_228] : memref<25600xf32, #tpu.memory_space<vmem>> -> memref<128xf32, #tpu.memory_space<vmem>>
      %dma_start3A_230 = arith.constant 0 : i32
      %dma_start3A_231 = tpu.memref_slice %arg6[%add3A_226, %dma_start3A_230] : memref<200x128xi32, #tpu.memory_space<vmem>> -> memref<1x128xi32, #tpu.memory_space<vmem>>
      %dma_start3A_232 = tpu.memref_squeeze %dma_start3A_231 : memref<1x128xi32, #tpu.memory_space<vmem>> -> memref<128xi32, #tpu.memory_space<vmem>>
      %dma_start3A_233 = arith.constant 0 : i32
      %dma_start3A_234 = tpu.memref_slice %arg10[%dma_start3A_233] : memref<262144xf32, #tpu.memory_space<vmem_shared>> -> memref<262144xf32, #tpu.memory_space<vmem_shared>>
      tpu.enqueue_indirect_dma source(%dma_start3A_234 : memref<262144xf32, #tpu.memory_space<vmem_shared>>) target(%dma_start3A_229 : memref<128xf32, #tpu.memory_space<vmem>>) offsets(%dma_start3A_232 : memref<128xi32, #tpu.memory_space<vmem>>) semaphore(%arg12 : memref<!tpu.dma_semaphore, #tpu.memory_space<semaphore_mem>>)
      %mul3A_235 = arith.constant 128 : i32
      %mul3A_236 = arith.muli %add3A_226, %mul3A_235 : i32
      %dma_start3A_237 = tpu.memref_slice %arg8[%mul3A_236] : memref<25600xf32, #tpu.memory_space<vmem>> -> memref<128xf32, #tpu.memory_space<vmem>>
      %dma_start3A_238 = arith.constant 0 : i32
      %dma_start3A_239 = tpu.memref_slice %arg6[%add3A_226, %dma_start3A_238] : memref<200x128xi32, #tpu.memory_space<vmem>> -> memref<1x128xi32, #tpu.memory_space<vmem>>
      %dma_start3A_240 = tpu.memref_squeeze %dma_start3A_239 : memref<1x128xi32, #tpu.memory_space<vmem>> -> memref<128xi32, #tpu.memory_space<vmem>>
      %dma_start3A_241 = arith.constant 0 : i32
      %dma_start3A_242 = tpu.memref_slice %arg11[%dma_start3A_241] : memref<262144xf32, #tpu.memory_space<vmem_shared>> -> memref<262144xf32, #tpu.memory_space<vmem_shared>>
      tpu.enqueue_indirect_dma source(%dma_start3A_242 : memref<262144xf32, #tpu.memory_space<vmem_shared>>) target(%dma_start3A_237 : memref<128xf32, #tpu.memory_space<vmem>>) offsets(%dma_start3A_240 : memref<128xi32, #tpu.memory_space<vmem>>) semaphore(%arg13 : memref<!tpu.dma_semaphore, #tpu.memory_space<semaphore_mem>>)
      %dma_wait3A = tpu.memref_slice %arg7[%mul3A_89] : memref<25600xf32, #tpu.memory_space<vmem>> -> memref<128xf32, #tpu.memory_space<vmem>>
      %dma_wait3A_243 = arith.constant 0 : i32
      %dma_wait3A_244 = tpu.memref_slice %arg6[%add3A_87, %dma_wait3A_243] : memref<200x128xi32, #tpu.memory_space<vmem>> -> memref<1x128xi32, #tpu.memory_space<vmem>>
      %dma_wait3A_245 = tpu.memref_squeeze %dma_wait3A_244 : memref<1x128xi32, #tpu.memory_space<vmem>> -> memref<128xi32, #tpu.memory_space<vmem>>
      %dma_wait3A_246 = arith.constant 0 : i32
      %dma_wait3A_247 = tpu.memref_slice %arg10[%dma_wait3A_246] : memref<262144xf32, #tpu.memory_space<vmem_shared>> -> memref<262144xf32, #tpu.memory_space<vmem_shared>>
      tpu.wait_indirect_dma semaphore(%arg12 : memref<!tpu.dma_semaphore, #tpu.memory_space<semaphore_mem>>) src(%dma_wait3A_247 : memref<262144xf32, #tpu.memory_space<vmem_shared>>) dst(%dma_wait3A : memref<128xf32, #tpu.memory_space<vmem>>)
      %dma_wait3A_248 = tpu.memref_slice %arg8[%mul3A_96] : memref<25600xf32, #tpu.memory_space<vmem>> -> memref<128xf32, #tpu.memory_space<vmem>>
      %dma_wait3A_249 = arith.constant 0 : i32
      %dma_wait3A_250 = tpu.memref_slice %arg6[%add3A_87, %dma_wait3A_249] : memref<200x128xi32, #tpu.memory_space<vmem>> -> memref<1x128xi32, #tpu.memory_space<vmem>>
      %dma_wait3A_251 = tpu.memref_squeeze %dma_wait3A_250 : memref<1x128xi32, #tpu.memory_space<vmem>> -> memref<128xi32, #tpu.memory_space<vmem>>
      %dma_wait3A_252 = arith.constant 0 : i32
      %dma_wait3A_253 = tpu.memref_slice %arg11[%dma_wait3A_252] : memref<262144xf32, #tpu.memory_space<vmem_shared>> -> memref<262144xf32, #tpu.memory_space<vmem_shared>>
      tpu.wait_indirect_dma semaphore(%arg13 : memref<!tpu.dma_semaphore, #tpu.memory_space<semaphore_mem>>) src(%dma_wait3A_253 : memref<262144xf32, #tpu.memory_space<vmem_shared>>) dst(%dma_wait3A_248 : memref<128xf32, #tpu.memory_space<vmem>>)
      %dma_wait3A_254 = tpu.memref_slice %arg7[%mul3A_108] : memref<25600xf32, #tpu.memory_space<vmem>> -> memref<128xf32, #tpu.memory_space<vmem>>
      %dma_wait3A_255 = arith.constant 0 : i32
      %dma_wait3A_256 = tpu.memref_slice %arg6[%add3A_106, %dma_wait3A_255] : memref<200x128xi32, #tpu.memory_space<vmem>> -> memref<1x128xi32, #tpu.memory_space<vmem>>
      %dma_wait3A_257 = tpu.memref_squeeze %dma_wait3A_256 : memref<1x128xi32, #tpu.memory_space<vmem>> -> memref<128xi32, #tpu.memory_space<vmem>>
      %dma_wait3A_258 = arith.constant 0 : i32
      %dma_wait3A_259 = tpu.memref_slice %arg10[%dma_wait3A_258] : memref<262144xf32, #tpu.memory_space<vmem_shared>> -> memref<262144xf32, #tpu.memory_space<vmem_shared>>
      tpu.wait_indirect_dma semaphore(%arg12 : memref<!tpu.dma_semaphore, #tpu.memory_space<semaphore_mem>>) src(%dma_wait3A_259 : memref<262144xf32, #tpu.memory_space<vmem_shared>>) dst(%dma_wait3A_254 : memref<128xf32, #tpu.memory_space<vmem>>)
      %dma_wait3A_260 = tpu.memref_slice %arg8[%mul3A_116] : memref<25600xf32, #tpu.memory_space<vmem>> -> memref<128xf32, #tpu.memory_space<vmem>>
      %dma_wait3A_261 = arith.constant 0 : i32
      %dma_wait3A_262 = tpu.memref_slice %arg6[%add3A_106, %dma_wait3A_261] : memref<200x128xi32, #tpu.memory_space<vmem>> -> memref<1x128xi32, #tpu.memory_space<vmem>>
      %dma_wait3A_263 = tpu.memref_squeeze %dma_wait3A_262 : memref<1x128xi32, #tpu.memory_space<vmem>> -> memref<128xi32, #tpu.memory_space<vmem>>
      %dma_wait3A_264 = arith.constant 0 : i32
      %dma_wait3A_265 = tpu.memref_slice %arg11[%dma_wait3A_264] : memref<262144xf32, #tpu.memory_space<vmem_shared>> -> memref<262144xf32, #tpu.memory_space<vmem_shared>>
      tpu.wait_indirect_dma semaphore(%arg13 : memref<!tpu.dma_semaphore, #tpu.memory_space<semaphore_mem>>) src(%dma_wait3A_265 : memref<262144xf32, #tpu.memory_space<vmem_shared>>) dst(%dma_wait3A_260 : memref<128xf32, #tpu.memory_space<vmem>>)
      %dma_wait3A_266 = tpu.memref_slice %arg7[%mul3A_128] : memref<25600xf32, #tpu.memory_space<vmem>> -> memref<128xf32, #tpu.memory_space<vmem>>
      %dma_wait3A_267 = arith.constant 0 : i32
      %dma_wait3A_268 = tpu.memref_slice %arg6[%add3A_126, %dma_wait3A_267] : memref<200x128xi32, #tpu.memory_space<vmem>> -> memref<1x128xi32, #tpu.memory_space<vmem>>
      %dma_wait3A_269 = tpu.memref_squeeze %dma_wait3A_268 : memref<1x128xi32, #tpu.memory_space<vmem>> -> memref<128xi32, #tpu.memory_space<vmem>>
      %dma_wait3A_270 = arith.constant 0 : i32
      %dma_wait3A_271 = tpu.memref_slice %arg10[%dma_wait3A_270] : memref<262144xf32, #tpu.memory_space<vmem_shared>> -> memref<262144xf32, #tpu.memory_space<vmem_shared>>
      tpu.wait_indirect_dma semaphore(%arg12 : memref<!tpu.dma_semaphore, #tpu.memory_space<semaphore_mem>>) src(%dma_wait3A_271 : memref<262144xf32, #tpu.memory_space<vmem_shared>>) dst(%dma_wait3A_266 : memref<128xf32, #tpu.memory_space<vmem>>)
      %dma_wait3A_272 = tpu.memref_slice %arg8[%mul3A_136] : memref<25600xf32, #tpu.memory_space<vmem>> -> memref<128xf32, #tpu.memory_space<vmem>>
      %dma_wait3A_273 = arith.constant 0 : i32
      %dma_wait3A_274 = tpu.memref_slice %arg6[%add3A_126, %dma_wait3A_273] : memref<200x128xi32, #tpu.memory_space<vmem>> -> memref<1x128xi32, #tpu.memory_space<vmem>>
      %dma_wait3A_275 = tpu.memref_squeeze %dma_wait3A_274 : memref<1x128xi32, #tpu.memory_space<vmem>> -> memref<128xi32, #tpu.memory_space<vmem>>
      %dma_wait3A_276 = arith.constant 0 : i32
      %dma_wait3A_277 = tpu.memref_slice %arg11[%dma_wait3A_276] : memref<262144xf32, #tpu.memory_space<vmem_shared>> -> memref<262144xf32, #tpu.memory_space<vmem_shared>>
      tpu.wait_indirect_dma semaphore(%arg13 : memref<!tpu.dma_semaphore, #tpu.memory_space<semaphore_mem>>) src(%dma_wait3A_277 : memref<262144xf32, #tpu.memory_space<vmem_shared>>) dst(%dma_wait3A_272 : memref<128xf32, #tpu.memory_space<vmem>>)
      %dma_wait3A_278 = tpu.memref_slice %arg7[%mul3A_148] : memref<25600xf32, #tpu.memory_space<vmem>> -> memref<128xf32, #tpu.memory_space<vmem>>
      %dma_wait3A_279 = arith.constant 0 : i32
      %dma_wait3A_280 = tpu.memref_slice %arg6[%add3A_146, %dma_wait3A_279] : memref<200x128xi32, #tpu.memory_space<vmem>> -> memref<1x128xi32, #tpu.memory_space<vmem>>
      %dma_wait3A_281 = tpu.memref_squeeze %dma_wait3A_280 : memref<1x128xi32, #tpu.memory_space<vmem>> -> memref<128xi32, #tpu.memory_space<vmem>>
      %dma_wait3A_282 = arith.constant 0 : i32
      %dma_wait3A_283 = tpu.memref_slice %arg10[%dma_wait3A_282] : memref<262144xf32, #tpu.memory_space<vmem_shared>> -> memref<262144xf32, #tpu.memory_space<vmem_shared>>
      tpu.wait_indirect_dma semaphore(%arg12 : memref<!tpu.dma_semaphore, #tpu.memory_space<semaphore_mem>>) src(%dma_wait3A_283 : memref<262144xf32, #tpu.memory_space<vmem_shared>>) dst(%dma_wait3A_278 : memref<128xf32, #tpu.memory_space<vmem>>)
      %dma_wait3A_284 = tpu.memref_slice %arg8[%mul3A_156] : memref<25600xf32, #tpu.memory_space<vmem>> -> memref<128xf32, #tpu.memory_space<vmem>>
      %dma_wait3A_285 = arith.constant 0 : i32
      %dma_wait3A_286 = tpu.memref_slice %arg6[%add3A_146, %dma_wait3A_285] : memref<200x128xi32, #tpu.memory_space<vmem>> -> memref<1x128xi32, #tpu.memory_space<vmem>>
      %dma_wait3A_287 = tpu.memref_squeeze %dma_wait3A_286 : memref<1x128xi32, #tpu.memory_space<vmem>> -> memref<128xi32, #tpu.memory_space<vmem>>
      %dma_wait3A_288 = arith.constant 0 : i32
      %dma_wait3A_289 = tpu.memref_slice %arg11[%dma_wait3A_288] : memref<262144xf32, #tpu.memory_space<vmem_shared>> -> memref<262144xf32, #tpu.memory_space<vmem_shared>>
      tpu.wait_indirect_dma semaphore(%arg13 : memref<!tpu.dma_semaphore, #tpu.memory_space<semaphore_mem>>) src(%dma_wait3A_289 : memref<262144xf32, #tpu.memory_space<vmem_shared>>) dst(%dma_wait3A_284 : memref<128xf32, #tpu.memory_space<vmem>>)
      %dma_wait3A_290 = tpu.memref_slice %arg7[%mul3A_168] : memref<25600xf32, #tpu.memory_space<vmem>> -> memref<128xf32, #tpu.memory_space<vmem>>
      %dma_wait3A_291 = arith.constant 0 : i32
      %dma_wait3A_292 = tpu.memref_slice %arg6[%add3A_166, %dma_wait3A_291] : memref<200x128xi32, #tpu.memory_space<vmem>> -> memref<1x128xi32, #tpu.memory_space<vmem>>
      %dma_wait3A_293 = tpu.memref_squeeze %dma_wait3A_292 : memref<1x128xi32, #tpu.memory_space<vmem>> -> memref<128xi32, #tpu.memory_space<vmem>>
      %dma_wait3A_294 = arith.constant 0 : i32
      %dma_wait3A_295 = tpu.memref_slice %arg10[%dma_wait3A_294] : memref<262144xf32, #tpu.memory_space<vmem_shared>> -> memref<262144xf32, #tpu.memory_space<vmem_shared>>
      tpu.wait_indirect_dma semaphore(%arg12 : memref<!tpu.dma_semaphore, #tpu.memory_space<semaphore_mem>>) src(%dma_wait3A_295 : memref<262144xf32, #tpu.memory_space<vmem_shared>>) dst(%dma_wait3A_290 : memref<128xf32, #tpu.memory_space<vmem>>)
      %dma_wait3A_296 = tpu.memref_slice %arg8[%mul3A_176] : memref<25600xf32, #tpu.memory_space<vmem>> -> memref<128xf32, #tpu.memory_space<vmem>>
      %dma_wait3A_297 = arith.constant 0 : i32
      %dma_wait3A_298 = tpu.memref_slice %arg6[%add3A_166, %dma_wait3A_297] : memref<200x128xi32, #tpu.memory_space<vmem>> -> memref<1x128xi32, #tpu.memory_space<vmem>>
      %dma_wait3A_299 = tpu.memref_squeeze %dma_wait3A_298 : memref<1x128xi32, #tpu.memory_space<vmem>> -> memref<128xi32, #tpu.memory_space<vmem>>
      %dma_wait3A_300 = arith.constant 0 : i32
      %dma_wait3A_301 = tpu.memref_slice %arg11[%dma_wait3A_300] : memref<262144xf32, #tpu.memory_space<vmem_shared>> -> memref<262144xf32, #tpu.memory_space<vmem_shared>>
      tpu.wait_indirect_dma semaphore(%arg13 : memref<!tpu.dma_semaphore, #tpu.memory_space<semaphore_mem>>) src(%dma_wait3A_301 : memref<262144xf32, #tpu.memory_space<vmem_shared>>) dst(%dma_wait3A_296 : memref<128xf32, #tpu.memory_space<vmem>>)
      %dma_wait3A_302 = tpu.memref_slice %arg7[%mul3A_188] : memref<25600xf32, #tpu.memory_space<vmem>> -> memref<128xf32, #tpu.memory_space<vmem>>
      %dma_wait3A_303 = arith.constant 0 : i32
      %dma_wait3A_304 = tpu.memref_slice %arg6[%add3A_186, %dma_wait3A_303] : memref<200x128xi32, #tpu.memory_space<vmem>> -> memref<1x128xi32, #tpu.memory_space<vmem>>
      %dma_wait3A_305 = tpu.memref_squeeze %dma_wait3A_304 : memref<1x128xi32, #tpu.memory_space<vmem>> -> memref<128xi32, #tpu.memory_space<vmem>>
      %dma_wait3A_306 = arith.constant 0 : i32
      %dma_wait3A_307 = tpu.memref_slice %arg10[%dma_wait3A_306] : memref<262144xf32, #tpu.memory_space<vmem_shared>> -> memref<262144xf32, #tpu.memory_space<vmem_shared>>
      tpu.wait_indirect_dma semaphore(%arg12 : memref<!tpu.dma_semaphore, #tpu.memory_space<semaphore_mem>>) src(%dma_wait3A_307 : memref<262144xf32, #tpu.memory_space<vmem_shared>>) dst(%dma_wait3A_302 : memref<128xf32, #tpu.memory_space<vmem>>)
      %dma_wait3A_308 = tpu.memref_slice %arg8[%mul3A_196] : memref<25600xf32, #tpu.memory_space<vmem>> -> memref<128xf32, #tpu.memory_space<vmem>>
      %dma_wait3A_309 = arith.constant 0 : i32
      %dma_wait3A_310 = tpu.memref_slice %arg6[%add3A_186, %dma_wait3A_309] : memref<200x128xi32, #tpu.memory_space<vmem>> -> memref<1x128xi32, #tpu.memory_space<vmem>>
      %dma_wait3A_311 = tpu.memref_squeeze %dma_wait3A_310 : memref<1x128xi32, #tpu.memory_space<vmem>> -> memref<128xi32, #tpu.memory_space<vmem>>
      %dma_wait3A_312 = arith.constant 0 : i32
      %dma_wait3A_313 = tpu.memref_slice %arg11[%dma_wait3A_312] : memref<262144xf32, #tpu.memory_space<vmem_shared>> -> memref<262144xf32, #tpu.memory_space<vmem_shared>>
      tpu.wait_indirect_dma semaphore(%arg13 : memref<!tpu.dma_semaphore, #tpu.memory_space<semaphore_mem>>) src(%dma_wait3A_313 : memref<262144xf32, #tpu.memory_space<vmem_shared>>) dst(%dma_wait3A_308 : memref<128xf32, #tpu.memory_space<vmem>>)
      %dma_wait3A_314 = tpu.memref_slice %arg7[%mul3A_208] : memref<25600xf32, #tpu.memory_space<vmem>> -> memref<128xf32, #tpu.memory_space<vmem>>
      %dma_wait3A_315 = arith.constant 0 : i32
      %dma_wait3A_316 = tpu.memref_slice %arg6[%add3A_206, %dma_wait3A_315] : memref<200x128xi32, #tpu.memory_space<vmem>> -> memref<1x128xi32, #tpu.memory_space<vmem>>
      %dma_wait3A_317 = tpu.memref_squeeze %dma_wait3A_316 : memref<1x128xi32, #tpu.memory_space<vmem>> -> memref<128xi32, #tpu.memory_space<vmem>>
      %dma_wait3A_318 = arith.constant 0 : i32
      %dma_wait3A_319 = tpu.memref_slice %arg10[%dma_wait3A_318] : memref<262144xf32, #tpu.memory_space<vmem_shared>> -> memref<262144xf32, #tpu.memory_space<vmem_shared>>
      tpu.wait_indirect_dma semaphore(%arg12 : memref<!tpu.dma_semaphore, #tpu.memory_space<semaphore_mem>>) src(%dma_wait3A_319 : memref<262144xf32, #tpu.memory_space<vmem_shared>>) dst(%dma_wait3A_314 : memref<128xf32, #tpu.memory_space<vmem>>)
      %dma_wait3A_320 = tpu.memref_slice %arg8[%mul3A_216] : memref<25600xf32, #tpu.memory_space<vmem>> -> memref<128xf32, #tpu.memory_space<vmem>>
      %dma_wait3A_321 = arith.constant 0 : i32
      %dma_wait3A_322 = tpu.memref_slice %arg6[%add3A_206, %dma_wait3A_321] : memref<200x128xi32, #tpu.memory_space<vmem>> -> memref<1x128xi32, #tpu.memory_space<vmem>>
      %dma_wait3A_323 = tpu.memref_squeeze %dma_wait3A_322 : memref<1x128xi32, #tpu.memory_space<vmem>> -> memref<128xi32, #tpu.memory_space<vmem>>
      %dma_wait3A_324 = arith.constant 0 : i32
      %dma_wait3A_325 = tpu.memref_slice %arg11[%dma_wait3A_324] : memref<262144xf32, #tpu.memory_space<vmem_shared>> -> memref<262144xf32, #tpu.memory_space<vmem_shared>>
      tpu.wait_indirect_dma semaphore(%arg13 : memref<!tpu.dma_semaphore, #tpu.memory_space<semaphore_mem>>) src(%dma_wait3A_325 : memref<262144xf32, #tpu.memory_space<vmem_shared>>) dst(%dma_wait3A_320 : memref<128xf32, #tpu.memory_space<vmem>>)
      %dma_wait3A_326 = tpu.memref_slice %arg7[%mul3A_228] : memref<25600xf32, #tpu.memory_space<vmem>> -> memref<128xf32, #tpu.memory_space<vmem>>
      %dma_wait3A_327 = arith.constant 0 : i32
      %dma_wait3A_328 = tpu.memref_slice %arg6[%add3A_226, %dma_wait3A_327] : memref<200x128xi32, #tpu.memory_space<vmem>> -> memref<1x128xi32, #tpu.memory_space<vmem>>
      %dma_wait3A_329 = tpu.memref_squeeze %dma_wait3A_328 : memref<1x128xi32, #tpu.memory_space<vmem>> -> memref<128xi32, #tpu.memory_space<vmem>>
      %dma_wait3A_330 = arith.constant 0 : i32
      %dma_wait3A_331 = tpu.memref_slice %arg10[%dma_wait3A_330] : memref<262144xf32, #tpu.memory_space<vmem_shared>> -> memref<262144xf32, #tpu.memory_space<vmem_shared>>
      tpu.wait_indirect_dma semaphore(%arg12 : memref<!tpu.dma_semaphore, #tpu.memory_space<semaphore_mem>>) src(%dma_wait3A_331 : memref<262144xf32, #tpu.memory_space<vmem_shared>>) dst(%dma_wait3A_326 : memref<128xf32, #tpu.memory_space<vmem>>)
      %dma_wait3A_332 = tpu.memref_slice %arg8[%mul3A_236] : memref<25600xf32, #tpu.memory_space<vmem>> -> memref<128xf32, #tpu.memory_space<vmem>>
      %dma_wait3A_333 = arith.constant 0 : i32
      %dma_wait3A_334 = tpu.memref_slice %arg6[%add3A_226, %dma_wait3A_333] : memref<200x128xi32, #tpu.memory_space<vmem>> -> memref<1x128xi32, #tpu.memory_space<vmem>>
      %dma_wait3A_335 = tpu.memref_squeeze %dma_wait3A_334 : memref<1x128xi32, #tpu.memory_space<vmem>> -> memref<128xi32, #tpu.memory_space<vmem>>
      %dma_wait3A_336 = arith.constant 0 : i32
      %dma_wait3A_337 = tpu.memref_slice %arg11[%dma_wait3A_336] : memref<262144xf32, #tpu.memory_space<vmem_shared>> -> memref<262144xf32, #tpu.memory_space<vmem_shared>>
      tpu.wait_indirect_dma semaphore(%arg13 : memref<!tpu.dma_semaphore, #tpu.memory_space<semaphore_mem>>) src(%dma_wait3A_337 : memref<262144xf32, #tpu.memory_space<vmem_shared>>) dst(%dma_wait3A_332 : memref<128xf32, #tpu.memory_space<vmem>>)
      %mul3A_338 = arith.constant 8 : i32
      %mul3A_339 = arith.muli %scan3A_59, %mul3A_338 : i32
      %add3A_340 = arith.constant 0 : i32
      %add3A_341 = arith.addi %mul3A_339, %add3A_340 : i32
      %mul3A_342 = arith.constant 128 : i32
      %mul3A_343 = arith.muli %add3A_341, %mul3A_342 : i32
      %add3A_344 = arith.constant 0 : i32
      %add3A_345 = arith.addi %mul3A_343, %add3A_344 : i32
      %get3A = arith.index_cast %add3A_345 : i32 to index
      %get3A_346 = tpu.vector_load %arg7[%get3A] {strides = array<i32>} : memref<25600xf32, #tpu.memory_space<vmem>>, vector<16xf32>,
      %get3A_347 = vector.shape_cast %get3A_346 : vector<16xf32> to vector<16xf32>
      %get3A_348 = arith.index_cast %add3A_345 : i32 to index
      %get3A_349 = tpu.vector_load %arg8[%get3A_348] {strides = array<i32>} : memref<25600xf32, #tpu.memory_space<vmem>>, vector<16xf32>,
      %get3A_350 = vector.shape_cast %get3A_349 : vector<16xf32> to vector<16xf32>
      %max3A = arith.maximumf %scan3A_60, %get3A_347 : vector<16xf32>
      %sub3A = arith.subf %scan3A_60, %max3A : vector<16xf32>
      %exp3A = math.exp %sub3A : vector<16xf32>
      %sub3A_351 = arith.subf %get3A_347, %max3A : vector<16xf32>
      %exp3A_352 = math.exp %sub3A_351 : vector<16xf32>
      %mul3A_353 = arith.mulf %scan3A_68, %exp3A : vector<16xf32>
      %mul3A_354 = arith.mulf %exp3A_352, %get3A_350 : vector<16xf32>
      %add3A_355 = arith.addf %mul3A_353, %mul3A_354 : vector<16xf32>
      %mul3A_356 = arith.mulf %scan3A_76, %exp3A : vector<16xf32>
      %add3A_357 = arith.addf %mul3A_356, %exp3A_352 : vector<16xf32>
      %mul3A_358 = arith.constant 128 : i32
      %mul3A_359 = arith.muli %add3A_341, %mul3A_358 : i32
      %add3A_360 = arith.constant 16 : i32
      %add3A_361 = arith.addi %mul3A_359, %add3A_360 : i32
      %get3A_362 = arith.index_cast %add3A_361 : i32 to index
      %get3A_363 = tpu.vector_load %arg7[%get3A_362] {strides = array<i32>} : memref<25600xf32, #tpu.memory_space<vmem>>, vector<16xf32>,
      %get3A_364 = vector.shape_cast %get3A_363 : vector<16xf32> to vector<16xf32>
      %get3A_365 = arith.index_cast %add3A_361 : i32 to index
      %get3A_366 = tpu.vector_load %arg8[%get3A_365] {strides = array<i32>} : memref<25600xf32, #tpu.memory_space<vmem>>, vector<16xf32>,
      %get3A_367 = vector.shape_cast %get3A_366 : vector<16xf32> to vector<16xf32>
      %max3A_368 = arith.maximumf %scan3A_61, %get3A_364 : vector<16xf32>
      %sub3A_369 = arith.subf %scan3A_61, %max3A_368 : vector<16xf32>
      %exp3A_370 = math.exp %sub3A_369 : vector<16xf32>
      %sub3A_371 = arith.subf %get3A_364, %max3A_368 : vector<16xf32>
      %exp3A_372 = math.exp %sub3A_371 : vector<16xf32>
      %mul3A_373 = arith.mulf %scan3A_69, %exp3A_370 : vector<16xf32>
      %mul3A_374 = arith.mulf %exp3A_372, %get3A_367 : vector<16xf32>
      %add3A_375 = arith.addf %mul3A_373, %mul3A_374 : vector<16xf32>
      %mul3A_376 = arith.mulf %scan3A_77, %exp3A_370 : vector<16xf32>
      %add3A_377 = arith.addf %mul3A_376, %exp3A_372 : vector<16xf32>
      %mul3A_378 = arith.constant 128 : i32
      %mul3A_379 = arith.muli %add3A_341, %mul3A_378 : i32
      %add3A_380 = arith.constant 32 : i32
      %add3A_381 = arith.addi %mul3A_379, %add3A_380 : i32
      %get3A_382 = arith.index_cast %add3A_381 : i32 to index
      %get3A_383 = tpu.vector_load %arg7[%get3A_382] {strides = array<i32>} : memref<25600xf32, #tpu.memory_space<vmem>>, vector<16xf32>,
      %get3A_384 = vector.shape_cast %get3A_383 : vector<16xf32> to vector<16xf32>
      %get3A_385 = arith.index_cast %add3A_381 : i32 to index
      %get3A_386 = tpu.vector_load %arg8[%get3A_385] {strides = array<i32>} : memref<25600xf32, #tpu.memory_space<vmem>>, vector<16xf32>,
      %get3A_387 = vector.shape_cast %get3A_386 : vector<16xf32> to vector<16xf32>
      %max3A_388 = arith.maximumf %scan3A_62, %get3A_384 : vector<16xf32>
      %sub3A_389 = arith.subf %scan3A_62, %max3A_388 : vector<16xf32>
      %exp3A_390 = math.exp %sub3A_389 : vector<16xf32>
      %sub3A_391 = arith.subf %get3A_384, %max3A_388 : vector<16xf32>
      %exp3A_392 = math.exp %sub3A_391 : vector<16xf32>
      %mul3A_393 = arith.mulf %scan3A_70, %exp3A_390 : vector<16xf32>
      %mul3A_394 = arith.mulf %exp3A_392, %get3A_387 : vector<16xf32>
      %add3A_395 = arith.addf %mul3A_393, %mul3A_394 : vector<16xf32>
      %mul3A_396 = arith.mulf %scan3A_78, %exp3A_390 : vector<16xf32>
      %add3A_397 = arith.addf %mul3A_396, %exp3A_392 : vector<16xf32>
      %mul3A_398 = arith.constant 128 : i32
      %mul3A_399 = arith.muli %add3A_341, %mul3A_398 : i32
      %add3A_400 = arith.constant 48 : i32
      %add3A_401 = arith.addi %mul3A_399, %add3A_400 : i32
      %get3A_402 = arith.index_cast %add3A_401 : i32 to index
      %get3A_403 = tpu.vector_load %arg7[%get3A_402] {strides = array<i32>} : memref<25600xf32, #tpu.memory_space<vmem>>, vector<16xf32>,
      %get3A_404 = vector.shape_cast %get3A_403 : vector<16xf32> to vector<16xf32>
      %get3A_405 = arith.index_cast %add3A_401 : i32 to index
      %get3A_406 = tpu.vector_load %arg8[%get3A_405] {strides = array<i32>} : memref<25600xf32, #tpu.memory_space<vmem>>, vector<16xf32>,
      %get3A_407 = vector.shape_cast %get3A_406 : vector<16xf32> to vector<16xf32>
      %max3A_408 = arith.maximumf %scan3A_63, %get3A_404 : vector<16xf32>
      %sub3A_409 = arith.subf %scan3A_63, %max3A_408 : vector<16xf32>
      %exp3A_410 = math.exp %sub3A_409 : vector<16xf32>
      %sub3A_411 = arith.subf %get3A_404, %max3A_408 : vector<16xf32>
      %exp3A_412 = math.exp %sub3A_411 : vector<16xf32>
      %mul3A_413 = arith.mulf %scan3A_71, %exp3A_410 : vector<16xf32>
      %mul3A_414 = arith.mulf %exp3A_412, %get3A_407 : vector<16xf32>
      %add3A_415 = arith.addf %mul3A_413, %mul3A_414 : vector<16xf32>
      %mul3A_416 = arith.mulf %scan3A_79, %exp3A_410 : vector<16xf32>
      %add3A_417 = arith.addf %mul3A_416, %exp3A_412 : vector<16xf32>
      %mul3A_418 = arith.constant 128 : i32
      %mul3A_419 = arith.muli %add3A_341, %mul3A_418 : i32
      %add3A_420 = arith.constant 64 : i32
      %add3A_421 = arith.addi %mul3A_419, %add3A_420 : i32
      %get3A_422 = arith.index_cast %add3A_421 : i32 to index
      %get3A_423 = tpu.vector_load %arg7[%get3A_422] {strides = array<i32>} : memref<25600xf32, #tpu.memory_space<vmem>>, vector<16xf32>,
      %get3A_424 = vector.shape_cast %get3A_423 : vector<16xf32> to vector<16xf32>
      %get3A_425 = arith.index_cast %add3A_421 : i32 to index
      %get3A_426 = tpu.vector_load %arg8[%get3A_425] {strides = array<i32>} : memref<25600xf32, #tpu.memory_space<vmem>>, vector<16xf32>,
      %get3A_427 = vector.shape_cast %get3A_426 : vector<16xf32> to vector<16xf32>
      %max3A_428 = arith.maximumf %scan3A_64, %get3A_424 : vector<16xf32>
      %sub3A_429 = arith.subf %scan3A_64, %max3A_428 : vector<16xf32>
      %exp3A_430 = math.exp %sub3A_429 : vector<16xf32>
      %sub3A_431 = arith.subf %get3A_424, %max3A_428 : vector<16xf32>
      %exp3A_432 = math.exp %sub3A_431 : vector<16xf32>
      %mul3A_433 = arith.mulf %scan3A_72, %exp3A_430 : vector<16xf32>
      %mul3A_434 = arith.mulf %exp3A_432, %get3A_427 : vector<16xf32>
      %add3A_435 = arith.addf %mul3A_433, %mul3A_434 : vector<16xf32>
      %mul3A_436 = arith.mulf %scan3A_80, %exp3A_430 : vector<16xf32>
      %add3A_437 = arith.addf %mul3A_436, %exp3A_432 : vector<16xf32>
      %mul3A_438 = arith.constant 128 : i32
      %mul3A_439 = arith.muli %add3A_341, %mul3A_438 : i32
      %add3A_440 = arith.constant 80 : i32
      %add3A_441 = arith.addi %mul3A_439, %add3A_440 : i32
      %get3A_442 = arith.index_cast %add3A_441 : i32 to index
      %get3A_443 = tpu.vector_load %arg7[%get3A_442] {strides = array<i32>} : memref<25600xf32, #tpu.memory_space<vmem>>, vector<16xf32>,
      %get3A_444 = vector.shape_cast %get3A_443 : vector<16xf32> to vector<16xf32>
      %get3A_445 = arith.index_cast %add3A_441 : i32 to index
      %get3A_446 = tpu.vector_load %arg8[%get3A_445] {strides = array<i32>} : memref<25600xf32, #tpu.memory_space<vmem>>, vector<16xf32>,
      %get3A_447 = vector.shape_cast %get3A_446 : vector<16xf32> to vector<16xf32>
      %max3A_448 = arith.maximumf %scan3A_65, %get3A_444 : vector<16xf32>
      %sub3A_449 = arith.subf %scan3A_65, %max3A_448 : vector<16xf32>
      %exp3A_450 = math.exp %sub3A_449 : vector<16xf32>
      %sub3A_451 = arith.subf %get3A_444, %max3A_448 : vector<16xf32>
      %exp3A_452 = math.exp %sub3A_451 : vector<16xf32>
      %mul3A_453 = arith.mulf %scan3A_73, %exp3A_450 : vector<16xf32>
      %mul3A_454 = arith.mulf %exp3A_452, %get3A_447 : vector<16xf32>
      %add3A_455 = arith.addf %mul3A_453, %mul3A_454 : vector<16xf32>
      %mul3A_456 = arith.mulf %scan3A_81, %exp3A_450 : vector<16xf32>
      %add3A_457 = arith.addf %mul3A_456, %exp3A_452 : vector<16xf32>
      %mul3A_458 = arith.constant 128 : i32
      %mul3A_459 = arith.muli %add3A_341, %mul3A_458 : i32
      %add3A_460 = arith.constant 96 : i32
      %add3A_461 = arith.addi %mul3A_459, %add3A_460 : i32
      %get3A_462 = arith.index_cast %add3A_461 : i32 to index
      %get3A_463 = tpu.vector_load %arg7[%get3A_462] {strides = array<i32>} : memref<25600xf32, #tpu.memory_space<vmem>>, vector<16xf32>,
      %get3A_464 = vector.shape_cast %get3A_463 : vector<16xf32> to vector<16xf32>
      %get3A_465 = arith.index_cast %add3A_461 : i32 to index
      %get3A_466 = tpu.vector_load %arg8[%get3A_465] {strides = array<i32>} : memref<25600xf32, #tpu.memory_space<vmem>>, vector<16xf32>,
      %get3A_467 = vector.shape_cast %get3A_466 : vector<16xf32> to vector<16xf32>
      %max3A_468 = arith.maximumf %scan3A_66, %get3A_464 : vector<16xf32>
      %sub3A_469 = arith.subf %scan3A_66, %max3A_468 : vector<16xf32>
      %exp3A_470 = math.exp %sub3A_469 : vector<16xf32>
      %sub3A_471 = arith.subf %get3A_464, %max3A_468 : vector<16xf32>
      %exp3A_472 = math.exp %sub3A_471 : vector<16xf32>
      %mul3A_473 = arith.mulf %scan3A_74, %exp3A_470 : vector<16xf32>
      %mul3A_474 = arith.mulf %exp3A_472, %get3A_467 : vector<16xf32>
      %add3A_475 = arith.addf %mul3A_473, %mul3A_474 : vector<16xf32>
      %mul3A_476 = arith.mulf %scan3A_82, %exp3A_470 : vector<16xf32>
      %add3A_477 = arith.addf %mul3A_476, %exp3A_472 : vector<16xf32>
      %mul3A_478 = arith.constant 128 : i32
      %mul3A_479 = arith.muli %add3A_341, %mul3A_478 : i32
      %add3A_480 = arith.constant 112 : i32
      %add3A_481 = arith.addi %mul3A_479, %add3A_480 : i32
      %get3A_482 = arith.index_cast %add3A_481 : i32 to index
      %get3A_483 = tpu.vector_load %arg7[%get3A_482] {strides = array<i32>} : memref<25600xf32, #tpu.memory_space<vmem>>, vector<16xf32>,
      %get3A_484 = vector.shape_cast %get3A_483 : vector<16xf32> to vector<16xf32>
      %get3A_485 = arith.index_cast %add3A_481 : i32 to index
      %get3A_486 = tpu.vector_load %arg8[%get3A_485] {strides = array<i32>} : memref<25600xf32, #tpu.memory_space<vmem>>, vector<16xf32>,
      %get3A_487 = vector.shape_cast %get3A_486 : vector<16xf32> to vector<16xf32>
      %max3A_488 = arith.maximumf %scan3A_67, %get3A_484 : vector<16xf32>
      %sub3A_489 = arith.subf %scan3A_67, %max3A_488 : vector<16xf32>
      %exp3A_490 = math.exp %sub3A_489 : vector<16xf32>
      %sub3A_491 = arith.subf %get3A_484, %max3A_488 : vector<16xf32>
      %exp3A_492 = math.exp %sub3A_491 : vector<16xf32>
      %mul3A_493 = arith.mulf %scan3A_75, %exp3A_490 : vector<16xf32>
      %mul3A_494 = arith.mulf %exp3A_492, %get3A_487 : vector<16xf32>
      %add3A_495 = arith.addf %mul3A_493, %mul3A_494 : vector<16xf32>
      %mul3A_496 = arith.mulf %scan3A_83, %exp3A_490 : vector<16xf32>
      %add3A_497 = arith.addf %mul3A_496, %exp3A_492 : vector<16xf32>
      %mul3A_498 = arith.constant 8 : i32
      %mul3A_499 = arith.muli %scan3A_59, %mul3A_498 : i32
      %add3A_500 = arith.constant 1 : i32
      %add3A_501 = arith.addi %mul3A_499, %add3A_500 : i32
      %mul3A_502 = arith.constant 128 : i32
      %mul3A_503 = arith.muli %add3A_501, %mul3A_502 : i32
      %add3A_504 = arith.constant 0 : i32
      %add3A_505 = arith.addi %mul3A_503, %add3A_504 : i32
      %get3A_506 = arith.index_cast %add3A_505 : i32 to index
      %get3A_507 = tpu.vector_load %arg7[%get3A_506] {strides = array<i32>} : memref<25600xf32, #tpu.memory_space<vmem>>, vector<16xf32>,
      %get3A_508 = vector.shape_cast %get3A_507 : vector<16xf32> to vector<16xf32>
      %get3A_509 = arith.index_cast %add3A_505 : i32 to index
      %get3A_510 = tpu.vector_load %arg8[%get3A_509] {strides = array<i32>} : memref<25600xf32, #tpu.memory_space<vmem>>, vector<16xf32>,
      %get3A_511 = vector.shape_cast %get3A_510 : vector<16xf32> to vector<16xf32>
      %max3A_512 = arith.maximumf %max3A, %get3A_508 : vector<16xf32>
      %sub3A_513 = arith.subf %max3A, %max3A_512 : vector<16xf32>
      %exp3A_514 = math.exp %sub3A_513 : vector<16xf32>
      %sub3A_515 = arith.subf %get3A_508, %max3A_512 : vector<16xf32>
      %exp3A_516 = math.exp %sub3A_515 : vector<16xf32>
      %mul3A_517 = arith.mulf %add3A_355, %exp3A_514 : vector<16xf32>
      %mul3A_518 = arith.mulf %exp3A_516, %get3A_511 : vector<16xf32>
      %add3A_519 = arith.addf %mul3A_517, %mul3A_518 : vector<16xf32>
      %mul3A_520 = arith.mulf %add3A_357, %exp3A_514 : vector<16xf32>
      %add3A_521 = arith.addf %mul3A_520, %exp3A_516 : vector<16xf32>
      %mul3A_522 = arith.constant 128 : i32
      %mul3A_523 = arith.muli %add3A_501, %mul3A_522 : i32
      %add3A_524 = arith.constant 16 : i32
      %add3A_525 = arith.addi %mul3A_523, %add3A_524 : i32
      %get3A_526 = arith.index_cast %add3A_525 : i32 to index
      %get3A_527 = tpu.vector_load %arg7[%get3A_526] {strides = array<i32>} : memref<25600xf32, #tpu.memory_space<vmem>>, vector<16xf32>,
      %get3A_528 = vector.shape_cast %get3A_527 : vector<16xf32> to vector<16xf32>
      %get3A_529 = arith.index_cast %add3A_525 : i32 to index
      %get3A_530 = tpu.vector_load %arg8[%get3A_529] {strides = array<i32>} : memref<25600xf32, #tpu.memory_space<vmem>>, vector<16xf32>,
      %get3A_531 = vector.shape_cast %get3A_530 : vector<16xf32> to vector<16xf32>
      %max3A_532 = arith.maximumf %max3A_368, %get3A_528 : vector<16xf32>
      %sub3A_533 = arith.subf %max3A_368, %max3A_532 : vector<16xf32>
      %exp3A_534 = math.exp %sub3A_533 : vector<16xf32>
      %sub3A_535 = arith.subf %get3A_528, %max3A_532 : vector<16xf32>
      %exp3A_536 = math.exp %sub3A_535 : vector<16xf32>
      %mul3A_537 = arith.mulf %add3A_375, %exp3A_534 : vector<16xf32>
      %mul3A_538 = arith.mulf %exp3A_536, %get3A_531 : vector<16xf32>
      %add3A_539 = arith.addf %mul3A_537, %mul3A_538 : vector<16xf32>
      %mul3A_540 = arith.mulf %add3A_377, %exp3A_534 : vector<16xf32>
      %add3A_541 = arith.addf %mul3A_540, %exp3A_536 : vector<16xf32>
      %mul3A_542 = arith.constant 128 : i32
      %mul3A_543 = arith.muli %add3A_501, %mul3A_542 : i32
      %add3A_544 = arith.constant 32 : i32
      %add3A_545 = arith.addi %mul3A_543, %add3A_544 : i32
      %get3A_546 = arith.index_cast %add3A_545 : i32 to index
      %get3A_547 = tpu.vector_load %arg7[%get3A_546] {strides = array<i32>} : memref<25600xf32, #tpu.memory_space<vmem>>, vector<16xf32>,
      %get3A_548 = vector.shape_cast %get3A_547 : vector<16xf32> to vector<16xf32>
      %get3A_549 = arith.index_cast %add3A_545 : i32 to index
      %get3A_550 = tpu.vector_load %arg8[%get3A_549] {strides = array<i32>} : memref<25600xf32, #tpu.memory_space<vmem>>, vector<16xf32>,
      %get3A_551 = vector.shape_cast %get3A_550 : vector<16xf32> to vector<16xf32>
      %max3A_552 = arith.maximumf %max3A_388, %get3A_548 : vector<16xf32>
      %sub3A_553 = arith.subf %max3A_388, %max3A_552 : vector<16xf32>
      %exp3A_554 = math.exp %sub3A_553 : vector<16xf32>
      %sub3A_555 = arith.subf %get3A_548, %max3A_552 : vector<16xf32>
      %exp3A_556 = math.exp %sub3A_555 : vector<16xf32>
      %mul3A_557 = arith.mulf %add3A_395, %exp3A_554 : vector<16xf32>
      %mul3A_558 = arith.mulf %exp3A_556, %get3A_551 : vector<16xf32>
      %add3A_559 = arith.addf %mul3A_557, %mul3A_558 : vector<16xf32>
      %mul3A_560 = arith.mulf %add3A_397, %exp3A_554 : vector<16xf32>
      %add3A_561 = arith.addf %mul3A_560, %exp3A_556 : vector<16xf32>
      %mul3A_562 = arith.constant 128 : i32
      %mul3A_563 = arith.muli %add3A_501, %mul3A_562 : i32
      %add3A_564 = arith.constant 48 : i32
      %add3A_565 = arith.addi %mul3A_563, %add3A_564 : i32
      %get3A_566 = arith.index_cast %add3A_565 : i32 to index
      %get3A_567 = tpu.vector_load %arg7[%get3A_566] {strides = array<i32>} : memref<25600xf32, #tpu.memory_space<vmem>>, vector<16xf32>,
      %get3A_568 = vector.shape_cast %get3A_567 : vector<16xf32> to vector<16xf32>
      %get3A_569 = arith.index_cast %add3A_565 : i32 to index
      %get3A_570 = tpu.vector_load %arg8[%get3A_569] {strides = array<i32>} : memref<25600xf32, #tpu.memory_space<vmem>>, vector<16xf32>,
      %get3A_571 = vector.shape_cast %get3A_570 : vector<16xf32> to vector<16xf32>
      %max3A_572 = arith.maximumf %max3A_408, %get3A_568 : vector<16xf32>
      %sub3A_573 = arith.subf %max3A_408, %max3A_572 : vector<16xf32>
      %exp3A_574 = math.exp %sub3A_573 : vector<16xf32>
      %sub3A_575 = arith.subf %get3A_568, %max3A_572 : vector<16xf32>
      %exp3A_576 = math.exp %sub3A_575 : vector<16xf32>
      %mul3A_577 = arith.mulf %add3A_415, %exp3A_574 : vector<16xf32>
      %mul3A_578 = arith.mulf %exp3A_576, %get3A_571 : vector<16xf32>
      %add3A_579 = arith.addf %mul3A_577, %mul3A_578 : vector<16xf32>
      %mul3A_580 = arith.mulf %add3A_417, %exp3A_574 : vector<16xf32>
      %add3A_581 = arith.addf %mul3A_580, %exp3A_576 : vector<16xf32>
      %mul3A_582 = arith.constant 128 : i32
      %mul3A_583 = arith.muli %add3A_501, %mul3A_582 : i32
      %add3A_584 = arith.constant 64 : i32
      %add3A_585 = arith.addi %mul3A_583, %add3A_584 : i32
      %get3A_586 = arith.index_cast %add3A_585 : i32 to index
      %get3A_587 = tpu.vector_load %arg7[%get3A_586] {strides = array<i32>} : memref<25600xf32, #tpu.memory_space<vmem>>, vector<16xf32>,
      %get3A_588 = vector.shape_cast %get3A_587 : vector<16xf32> to vector<16xf32>
      %get3A_589 = arith.index_cast %add3A_585 : i32 to index
      %get3A_590 = tpu.vector_load %arg8[%get3A_589] {strides = array<i32>} : memref<25600xf32, #tpu.memory_space<vmem>>, vector<16xf32>,
      %get3A_591 = vector.shape_cast %get3A_590 : vector<16xf32> to vector<16xf32>
      %max3A_592 = arith.maximumf %max3A_428, %get3A_588 : vector<16xf32>
      %sub3A_593 = arith.subf %max3A_428, %max3A_592 : vector<16xf32>
      %exp3A_594 = math.exp %sub3A_593 : vector<16xf32>
      %sub3A_595 = arith.subf %get3A_588, %max3A_592 : vector<16xf32>
      %exp3A_596 = math.exp %sub3A_595 : vector<16xf32>
      %mul3A_597 = arith.mulf %add3A_435, %exp3A_594 : vector<16xf32>
      %mul3A_598 = arith.mulf %exp3A_596, %get3A_591 : vector<16xf32>
      %add3A_599 = arith.addf %mul3A_597, %mul3A_598 : vector<16xf32>
      %mul3A_600 = arith.mulf %add3A_437, %exp3A_594 : vector<16xf32>
      %add3A_601 = arith.addf %mul3A_600, %exp3A_596 : vector<16xf32>
      %mul3A_602 = arith.constant 128 : i32
      %mul3A_603 = arith.muli %add3A_501, %mul3A_602 : i32
      %add3A_604 = arith.constant 80 : i32
      %add3A_605 = arith.addi %mul3A_603, %add3A_604 : i32
      %get3A_606 = arith.index_cast %add3A_605 : i32 to index
      %get3A_607 = tpu.vector_load %arg7[%get3A_606] {strides = array<i32>} : memref<25600xf32, #tpu.memory_space<vmem>>, vector<16xf32>,
      %get3A_608 = vector.shape_cast %get3A_607 : vector<16xf32> to vector<16xf32>
      %get3A_609 = arith.index_cast %add3A_605 : i32 to index
      %get3A_610 = tpu.vector_load %arg8[%get3A_609] {strides = array<i32>} : memref<25600xf32, #tpu.memory_space<vmem>>, vector<16xf32>,
      %get3A_611 = vector.shape_cast %get3A_610 : vector<16xf32> to vector<16xf32>
      %max3A_612 = arith.maximumf %max3A_448, %get3A_608 : vector<16xf32>
      %sub3A_613 = arith.subf %max3A_448, %max3A_612 : vector<16xf32>
      %exp3A_614 = math.exp %sub3A_613 : vector<16xf32>
      %sub3A_615 = arith.subf %get3A_608, %max3A_612 : vector<16xf32>
      %exp3A_616 = math.exp %sub3A_615 : vector<16xf32>
      %mul3A_617 = arith.mulf %add3A_455, %exp3A_614 : vector<16xf32>
      %mul3A_618 = arith.mulf %exp3A_616, %get3A_611 : vector<16xf32>
      %add3A_619 = arith.addf %mul3A_617, %mul3A_618 : vector<16xf32>
      %mul3A_620 = arith.mulf %add3A_457, %exp3A_614 : vector<16xf32>
      %add3A_621 = arith.addf %mul3A_620, %exp3A_616 : vector<16xf32>
      %mul3A_622 = arith.constant 128 : i32
      %mul3A_623 = arith.muli %add3A_501, %mul3A_622 : i32
      %add3A_624 = arith.constant 96 : i32
      %add3A_625 = arith.addi %mul3A_623, %add3A_624 : i32
      %get3A_626 = arith.index_cast %add3A_625 : i32 to index
      %get3A_627 = tpu.vector_load %arg7[%get3A_626] {strides = array<i32>} : memref<25600xf32, #tpu.memory_space<vmem>>, vector<16xf32>,
      %get3A_628 = vector.shape_cast %get3A_627 : vector<16xf32> to vector<16xf32>
      %get3A_629 = arith.index_cast %add3A_625 : i32 to index
      %get3A_630 = tpu.vector_load %arg8[%get3A_629] {strides = array<i32>} : memref<25600xf32, #tpu.memory_space<vmem>>, vector<16xf32>,
      %get3A_631 = vector.shape_cast %get3A_630 : vector<16xf32> to vector<16xf32>
      %max3A_632 = arith.maximumf %max3A_468, %get3A_628 : vector<16xf32>
      %sub3A_633 = arith.subf %max3A_468, %max3A_632 : vector<16xf32>
      %exp3A_634 = math.exp %sub3A_633 : vector<16xf32>
      %sub3A_635 = arith.subf %get3A_628, %max3A_632 : vector<16xf32>
      %exp3A_636 = math.exp %sub3A_635 : vector<16xf32>
      %mul3A_637 = arith.mulf %add3A_475, %exp3A_634 : vector<16xf32>
      %mul3A_638 = arith.mulf %exp3A_636, %get3A_631 : vector<16xf32>
      %add3A_639 = arith.addf %mul3A_637, %mul3A_638 : vector<16xf32>
      %mul3A_640 = arith.mulf %add3A_477, %exp3A_634 : vector<16xf32>
      %add3A_641 = arith.addf %mul3A_640, %exp3A_636 : vector<16xf32>
      %mul3A_642 = arith.constant 128 : i32
      %mul3A_643 = arith.muli %add3A_501, %mul3A_642 : i32
      %add3A_644 = arith.constant 112 : i32
      %add3A_645 = arith.addi %mul3A_643, %add3A_644 : i32
      %get3A_646 = arith.index_cast %add3A_645 : i32 to index
      %get3A_647 = tpu.vector_load %arg7[%get3A_646] {strides = array<i32>} : memref<25600xf32, #tpu.memory_space<vmem>>, vector<16xf32>,
      %get3A_648 = vector.shape_cast %get3A_647 : vector<16xf32> to vector<16xf32>
      %get3A_649 = arith.index_cast %add3A_645 : i32 to index
      %get3A_650 = tpu.vector_load %arg8[%get3A_649] {strides = array<i32>} : memref<25600xf32, #tpu.memory_space<vmem>>, vector<16xf32>,
      %get3A_651 = vector.shape_cast %get3A_650 : vector<16xf32> to vector<16xf32>
      %max3A_652 = arith.maximumf %max3A_488, %get3A_648 : vector<16xf32>
      %sub3A_653 = arith.subf %max3A_488, %max3A_652 : vector<16xf32>
      %exp3A_654 = math.exp %sub3A_653 : vector<16xf32>
      %sub3A_655 = arith.subf %get3A_648, %max3A_652 : vector<16xf32>
      %exp3A_656 = math.exp %sub3A_655 : vector<16xf32>
      %mul3A_657 = arith.mulf %add3A_495, %exp3A_654 : vector<16xf32>
      %mul3A_658 = arith.mulf %exp3A_656, %get3A_651 : vector<16xf32>
      %add3A_659 = arith.addf %mul3A_657, %mul3A_658 : vector<16xf32>
      %mul3A_660 = arith.mulf %add3A_497, %exp3A_654 : vector<16xf32>
      %add3A_661 = arith.addf %mul3A_660, %exp3A_656 : vector<16xf32>
      %mul3A_662 = arith.constant 8 : i32
      %mul3A_663 = arith.muli %scan3A_59, %mul3A_662 : i32
      %add3A_664 = arith.constant 2 : i32
      %add3A_665 = arith.addi %mul3A_663, %add3A_664 : i32
      %mul3A_666 = arith.constant 128 : i32
      %mul3A_667 = arith.muli %add3A_665, %mul3A_666 : i32
      %add3A_668 = arith.constant 0 : i32
      %add3A_669 = arith.addi %mul3A_667, %add3A_668 : i32
      %get3A_670 = arith.index_cast %add3A_669 : i32 to index
      %get3A_671 = tpu.vector_load %arg7[%get3A_670] {strides = array<i32>} : memref<25600xf32, #tpu.memory_space<vmem>>, vector<16xf32>,
      %get3A_672 = vector.shape_cast %get3A_671 : vector<16xf32> to vector<16xf32>
      %get3A_673 = arith.index_cast %add3A_669 : i32 to index
      %get3A_674 = tpu.vector_load %arg8[%get3A_673] {strides = array<i32>} : memref<25600xf32, #tpu.memory_space<vmem>>, vector<16xf32>,
      %get3A_675 = vector.shape_cast %get3A_674 : vector<16xf32> to vector<16xf32>
      %max3A_676 = arith.maximumf %max3A_512, %get3A_672 : vector<16xf32>
      %sub3A_677 = arith.subf %max3A_512, %max3A_676 : vector<16xf32>
      %exp3A_678 = math.exp %sub3A_677 : vector<16xf32>
      %sub3A_679 = arith.subf %get3A_672, %max3A_676 : vector<16xf32>
      %exp3A_680 = math.exp %sub3A_679 : vector<16xf32>
      %mul3A_681 = arith.mulf %add3A_519, %exp3A_678 : vector<16xf32>
      %mul3A_682 = arith.mulf %exp3A_680, %get3A_675 : vector<16xf32>
      %add3A_683 = arith.addf %mul3A_681, %mul3A_682 : vector<16xf32>
      %mul3A_684 = arith.mulf %add3A_521, %exp3A_678 : vector<16xf32>
      %add3A_685 = arith.addf %mul3A_684, %exp3A_680 : vector<16xf32>
      %mul3A_686 = arith.constant 128 : i32
      %mul3A_687 = arith.muli %add3A_665, %mul3A_686 : i32
      %add3A_688 = arith.constant 16 : i32
      %add3A_689 = arith.addi %mul3A_687, %add3A_688 : i32
      %get3A_690 = arith.index_cast %add3A_689 : i32 to index
      %get3A_691 = tpu.vector_load %arg7[%get3A_690] {strides = array<i32>} : memref<25600xf32, #tpu.memory_space<vmem>>, vector<16xf32>,
      %get3A_692 = vector.shape_cast %get3A_691 : vector<16xf32> to vector<16xf32>
      %get3A_693 = arith.index_cast %add3A_689 : i32 to index
      %get3A_694 = tpu.vector_load %arg8[%get3A_693] {strides = array<i32>} : memref<25600xf32, #tpu.memory_space<vmem>>, vector<16xf32>,
      %get3A_695 = vector.shape_cast %get3A_694 : vector<16xf32> to vector<16xf32>
      %max3A_696 = arith.maximumf %max3A_532, %get3A_692 : vector<16xf32>
      %sub3A_697 = arith.subf %max3A_532, %max3A_696 : vector<16xf32>
      %exp3A_698 = math.exp %sub3A_697 : vector<16xf32>
      %sub3A_699 = arith.subf %get3A_692, %max3A_696 : vector<16xf32>
      %exp3A_700 = math.exp %sub3A_699 : vector<16xf32>
      %mul3A_701 = arith.mulf %add3A_539, %exp3A_698 : vector<16xf32>
      %mul3A_702 = arith.mulf %exp3A_700, %get3A_695 : vector<16xf32>
      %add3A_703 = arith.addf %mul3A_701, %mul3A_702 : vector<16xf32>
      %mul3A_704 = arith.mulf %add3A_541, %exp3A_698 : vector<16xf32>
      %add3A_705 = arith.addf %mul3A_704, %exp3A_700 : vector<16xf32>
      %mul3A_706 = arith.constant 128 : i32
      %mul3A_707 = arith.muli %add3A_665, %mul3A_706 : i32
      %add3A_708 = arith.constant 32 : i32
      %add3A_709 = arith.addi %mul3A_707, %add3A_708 : i32
      %get3A_710 = arith.index_cast %add3A_709 : i32 to index
      %get3A_711 = tpu.vector_load %arg7[%get3A_710] {strides = array<i32>} : memref<25600xf32, #tpu.memory_space<vmem>>, vector<16xf32>,
      %get3A_712 = vector.shape_cast %get3A_711 : vector<16xf32> to vector<16xf32>
      %get3A_713 = arith.index_cast %add3A_709 : i32 to index
      %get3A_714 = tpu.vector_load %arg8[%get3A_713] {strides = array<i32>} : memref<25600xf32, #tpu.memory_space<vmem>>, vector<16xf32>,
      %get3A_715 = vector.shape_cast %get3A_714 : vector<16xf32> to vector<16xf32>
      %max3A_716 = arith.maximumf %max3A_552, %get3A_712 : vector<16xf32>
      %sub3A_717 = arith.subf %max3A_552, %max3A_716 : vector<16xf32>
      %exp3A_718 = math.exp %sub3A_717 : vector<16xf32>
      %sub3A_719 = arith.subf %get3A_712, %max3A_716 : vector<16xf32>
      %exp3A_720 = math.exp %sub3A_719 : vector<16xf32>
      %mul3A_721 = arith.mulf %add3A_559, %exp3A_718 : vector<16xf32>
      %mul3A_722 = arith.mulf %exp3A_720, %get3A_715 : vector<16xf32>
      %add3A_723 = arith.addf %mul3A_721, %mul3A_722 : vector<16xf32>
      %mul3A_724 = arith.mulf %add3A_561, %exp3A_718 : vector<16xf32>
      %add3A_725 = arith.addf %mul3A_724, %exp3A_720 : vector<16xf32>
      %mul3A_726 = arith.constant 128 : i32
      %mul3A_727 = arith.muli %add3A_665, %mul3A_726 : i32
      %add3A_728 = arith.constant 48 : i32
      %add3A_729 = arith.addi %mul3A_727, %add3A_728 : i32
      %get3A_730 = arith.index_cast %add3A_729 : i32 to index
      %get3A_731 = tpu.vector_load %arg7[%get3A_730] {strides = array<i32>} : memref<25600xf32, #tpu.memory_space<vmem>>, vector<16xf32>,
      %get3A_732 = vector.shape_cast %get3A_731 : vector<16xf32> to vector<16xf32>
      %get3A_733 = arith.index_cast %add3A_729 : i32 to index
      %get3A_734 = tpu.vector_load %arg8[%get3A_733] {strides = array<i32>} : memref<25600xf32, #tpu.memory_space<vmem>>, vector<16xf32>,
      %get3A_735 = vector.shape_cast %get3A_734 : vector<16xf32> to vector<16xf32>
      %max3A_736 = arith.maximumf %max3A_572, %get3A_732 : vector<16xf32>
      %sub3A_737 = arith.subf %max3A_572, %max3A_736 : vector<16xf32>
      %exp3A_738 = math.exp %sub3A_737 : vector<16xf32>
      %sub3A_739 = arith.subf %get3A_732, %max3A_736 : vector<16xf32>
      %exp3A_740 = math.exp %sub3A_739 : vector<16xf32>
      %mul3A_741 = arith.mulf %add3A_579, %exp3A_738 : vector<16xf32>
      %mul3A_742 = arith.mulf %exp3A_740, %get3A_735 : vector<16xf32>
      %add3A_743 = arith.addf %mul3A_741, %mul3A_742 : vector<16xf32>
      %mul3A_744 = arith.mulf %add3A_581, %exp3A_738 : vector<16xf32>
      %add3A_745 = arith.addf %mul3A_744, %exp3A_740 : vector<16xf32>
      %mul3A_746 = arith.constant 128 : i32
      %mul3A_747 = arith.muli %add3A_665, %mul3A_746 : i32
      %add3A_748 = arith.constant 64 : i32
      %add3A_749 = arith.addi %mul3A_747, %add3A_748 : i32
      %get3A_750 = arith.index_cast %add3A_749 : i32 to index
      %get3A_751 = tpu.vector_load %arg7[%get3A_750] {strides = array<i32>} : memref<25600xf32, #tpu.memory_space<vmem>>, vector<16xf32>,
      %get3A_752 = vector.shape_cast %get3A_751 : vector<16xf32> to vector<16xf32>
      %get3A_753 = arith.index_cast %add3A_749 : i32 to index
      %get3A_754 = tpu.vector_load %arg8[%get3A_753] {strides = array<i32>} : memref<25600xf32, #tpu.memory_space<vmem>>, vector<16xf32>,
      %get3A_755 = vector.shape_cast %get3A_754 : vector<16xf32> to vector<16xf32>
      %max3A_756 = arith.maximumf %max3A_592, %get3A_752 : vector<16xf32>
      %sub3A_757 = arith.subf %max3A_592, %max3A_756 : vector<16xf32>
      %exp3A_758 = math.exp %sub3A_757 : vector<16xf32>
      %sub3A_759 = arith.subf %get3A_752, %max3A_756 : vector<16xf32>
      %exp3A_760 = math.exp %sub3A_759 : vector<16xf32>
      %mul3A_761 = arith.mulf %add3A_599, %exp3A_758 : vector<16xf32>
      %mul3A_762 = arith.mulf %exp3A_760, %get3A_755 : vector<16xf32>
      %add3A_763 = arith.addf %mul3A_761, %mul3A_762 : vector<16xf32>
      %mul3A_764 = arith.mulf %add3A_601, %exp3A_758 : vector<16xf32>
      %add3A_765 = arith.addf %mul3A_764, %exp3A_760 : vector<16xf32>
      %mul3A_766 = arith.constant 128 : i32
      %mul3A_767 = arith.muli %add3A_665, %mul3A_766 : i32
      %add3A_768 = arith.constant 80 : i32
      %add3A_769 = arith.addi %mul3A_767, %add3A_768 : i32
      %get3A_770 = arith.index_cast %add3A_769 : i32 to index
      %get3A_771 = tpu.vector_load %arg7[%get3A_770] {strides = array<i32>} : memref<25600xf32, #tpu.memory_space<vmem>>, vector<16xf32>,
      %get3A_772 = vector.shape_cast %get3A_771 : vector<16xf32> to vector<16xf32>
      %get3A_773 = arith.index_cast %add3A_769 : i32 to index
      %get3A_774 = tpu.vector_load %arg8[%get3A_773] {strides = array<i32>} : memref<25600xf32, #tpu.memory_space<vmem>>, vector<16xf32>,
      %get3A_775 = vector.shape_cast %get3A_774 : vector<16xf32> to vector<16xf32>
      %max3A_776 = arith.maximumf %max3A_612, %get3A_772 : vector<16xf32>
      %sub3A_777 = arith.subf %max3A_612, %max3A_776 : vector<16xf32>
      %exp3A_778 = math.exp %sub3A_777 : vector<16xf32>
      %sub3A_779 = arith.subf %get3A_772, %max3A_776 : vector<16xf32>
      %exp3A_780 = math.exp %sub3A_779 : vector<16xf32>
      %mul3A_781 = arith.mulf %add3A_619, %exp3A_778 : vector<16xf32>
      %mul3A_782 = arith.mulf %exp3A_780, %get3A_775 : vector<16xf32>
      %add3A_783 = arith.addf %mul3A_781, %mul3A_782 : vector<16xf32>
      %mul3A_784 = arith.mulf %add3A_621, %exp3A_778 : vector<16xf32>
      %add3A_785 = arith.addf %mul3A_784, %exp3A_780 : vector<16xf32>
      %mul3A_786 = arith.constant 128 : i32
      %mul3A_787 = arith.muli %add3A_665, %mul3A_786 : i32
      %add3A_788 = arith.constant 96 : i32
      %add3A_789 = arith.addi %mul3A_787, %add3A_788 : i32
      %get3A_790 = arith.index_cast %add3A_789 : i32 to index
      %get3A_791 = tpu.vector_load %arg7[%get3A_790] {strides = array<i32>} : memref<25600xf32, #tpu.memory_space<vmem>>, vector<16xf32>,
      %get3A_792 = vector.shape_cast %get3A_791 : vector<16xf32> to vector<16xf32>
      %get3A_793 = arith.index_cast %add3A_789 : i32 to index
      %get3A_794 = tpu.vector_load %arg8[%get3A_793] {strides = array<i32>} : memref<25600xf32, #tpu.memory_space<vmem>>, vector<16xf32>,
      %get3A_795 = vector.shape_cast %get3A_794 : vector<16xf32> to vector<16xf32>
      %max3A_796 = arith.maximumf %max3A_632, %get3A_792 : vector<16xf32>
      %sub3A_797 = arith.subf %max3A_632, %max3A_796 : vector<16xf32>
      %exp3A_798 = math.exp %sub3A_797 : vector<16xf32>
      %sub3A_799 = arith.subf %get3A_792, %max3A_796 : vector<16xf32>
      %exp3A_800 = math.exp %sub3A_799 : vector<16xf32>
      %mul3A_801 = arith.mulf %add3A_639, %exp3A_798 : vector<16xf32>
      %mul3A_802 = arith.mulf %exp3A_800, %get3A_795 : vector<16xf32>
      %add3A_803 = arith.addf %mul3A_801, %mul3A_802 : vector<16xf32>
      %mul3A_804 = arith.mulf %add3A_641, %exp3A_798 : vector<16xf32>
      %add3A_805 = arith.addf %mul3A_804, %exp3A_800 : vector<16xf32>
      %mul3A_806 = arith.constant 128 : i32
      %mul3A_807 = arith.muli %add3A_665, %mul3A_806 : i32
      %add3A_808 = arith.constant 112 : i32
      %add3A_809 = arith.addi %mul3A_807, %add3A_808 : i32
      %get3A_810 = arith.index_cast %add3A_809 : i32 to index
      %get3A_811 = tpu.vector_load %arg7[%get3A_810] {strides = array<i32>} : memref<25600xf32, #tpu.memory_space<vmem>>, vector<16xf32>,
      %get3A_812 = vector.shape_cast %get3A_811 : vector<16xf32> to vector<16xf32>
      %get3A_813 = arith.index_cast %add3A_809 : i32 to index
      %get3A_814 = tpu.vector_load %arg8[%get3A_813] {strides = array<i32>} : memref<25600xf32, #tpu.memory_space<vmem>>, vector<16xf32>,
      %get3A_815 = vector.shape_cast %get3A_814 : vector<16xf32> to vector<16xf32>
      %max3A_816 = arith.maximumf %max3A_652, %get3A_812 : vector<16xf32>
      %sub3A_817 = arith.subf %max3A_652, %max3A_816 : vector<16xf32>
      %exp3A_818 = math.exp %sub3A_817 : vector<16xf32>
      %sub3A_819 = arith.subf %get3A_812, %max3A_816 : vector<16xf32>
      %exp3A_820 = math.exp %sub3A_819 : vector<16xf32>
      %mul3A_821 = arith.mulf %add3A_659, %exp3A_818 : vector<16xf32>
      %mul3A_822 = arith.mulf %exp3A_820, %get3A_815 : vector<16xf32>
      %add3A_823 = arith.addf %mul3A_821, %mul3A_822 : vector<16xf32>
      %mul3A_824 = arith.mulf %add3A_661, %exp3A_818 : vector<16xf32>
      %add3A_825 = arith.addf %mul3A_824, %exp3A_820 : vector<16xf32>
      %mul3A_826 = arith.constant 8 : i32
      %mul3A_827 = arith.muli %scan3A_59, %mul3A_826 : i32
      %add3A_828 = arith.constant 3 : i32
      %add3A_829 = arith.addi %mul3A_827, %add3A_828 : i32
      %mul3A_830 = arith.constant 128 : i32
      %mul3A_831 = arith.muli %add3A_829, %mul3A_830 : i32
      %add3A_832 = arith.constant 0 : i32
      %add3A_833 = arith.addi %mul3A_831, %add3A_832 : i32
      %get3A_834 = arith.index_cast %add3A_833 : i32 to index
      %get3A_835 = tpu.vector_load %arg7[%get3A_834] {strides = array<i32>} : memref<25600xf32, #tpu.memory_space<vmem>>, vector<16xf32>,
      %get3A_836 = vector.shape_cast %get3A_835 : vector<16xf32> to vector<16xf32>
      %get3A_837 = arith.index_cast %add3A_833 : i32 to index
      %get3A_838 = tpu.vector_load %arg8[%get3A_837] {strides = array<i32>} : memref<25600xf32, #tpu.memory_space<vmem>>, vector<16xf32>,
      %get3A_839 = vector.shape_cast %get3A_838 : vector<16xf32> to vector<16xf32>
      %max3A_840 = arith.maximumf %max3A_676, %get3A_836 : vector<16xf32>
      %sub3A_841 = arith.subf %max3A_676, %max3A_840 : vector<16xf32>
      %exp3A_842 = math.exp %sub3A_841 : vector<16xf32>
      %sub3A_843 = arith.subf %get3A_836, %max3A_840 : vector<16xf32>
      %exp3A_844 = math.exp %sub3A_843 : vector<16xf32>
      %mul3A_845 = arith.mulf %add3A_683, %exp3A_842 : vector<16xf32>
      %mul3A_846 = arith.mulf %exp3A_844, %get3A_839 : vector<16xf32>
      %add3A_847 = arith.addf %mul3A_845, %mul3A_846 : vector<16xf32>
      %mul3A_848 = arith.mulf %add3A_685, %exp3A_842 : vector<16xf32>
      %add3A_849 = arith.addf %mul3A_848, %exp3A_844 : vector<16xf32>
      %mul3A_850 = arith.constant 128 : i32
      %mul3A_851 = arith.muli %add3A_829, %mul3A_850 : i32
      %add3A_852 = arith.constant 16 : i32
      %add3A_853 = arith.addi %mul3A_851, %add3A_852 : i32
      %get3A_854 = arith.index_cast %add3A_853 : i32 to index
      %get3A_855 = tpu.vector_load %arg7[%get3A_854] {strides = array<i32>} : memref<25600xf32, #tpu.memory_space<vmem>>, vector<16xf32>,
      %get3A_856 = vector.shape_cast %get3A_855 : vector<16xf32> to vector<16xf32>
      %get3A_857 = arith.index_cast %add3A_853 : i32 to index
      %get3A_858 = tpu.vector_load %arg8[%get3A_857] {strides = array<i32>} : memref<25600xf32, #tpu.memory_space<vmem>>, vector<16xf32>,
      %get3A_859 = vector.shape_cast %get3A_858 : vector<16xf32> to vector<16xf32>
      %max3A_860 = arith.maximumf %max3A_696, %get3A_856 : vector<16xf32>
      %sub3A_861 = arith.subf %max3A_696, %max3A_860 : vector<16xf32>
      %exp3A_862 = math.exp %sub3A_861 : vector<16xf32>
      %sub3A_863 = arith.subf %get3A_856, %max3A_860 : vector<16xf32>
      %exp3A_864 = math.exp %sub3A_863 : vector<16xf32>
      %mul3A_865 = arith.mulf %add3A_703, %exp3A_862 : vector<16xf32>
      %mul3A_866 = arith.mulf %exp3A_864, %get3A_859 : vector<16xf32>
      %add3A_867 = arith.addf %mul3A_865, %mul3A_866 : vector<16xf32>
      %mul3A_868 = arith.mulf %add3A_705, %exp3A_862 : vector<16xf32>
      %add3A_869 = arith.addf %mul3A_868, %exp3A_864 : vector<16xf32>
      %mul3A_870 = arith.constant 128 : i32
      %mul3A_871 = arith.muli %add3A_829, %mul3A_870 : i32
      %add3A_872 = arith.constant 32 : i32
      %add3A_873 = arith.addi %mul3A_871, %add3A_872 : i32
      %get3A_874 = arith.index_cast %add3A_873 : i32 to index
      %get3A_875 = tpu.vector_load %arg7[%get3A_874] {strides = array<i32>} : memref<25600xf32, #tpu.memory_space<vmem>>, vector<16xf32>,
      %get3A_876 = vector.shape_cast %get3A_875 : vector<16xf32> to vector<16xf32>
      %get3A_877 = arith.index_cast %add3A_873 : i32 to index
      %get3A_878 = tpu.vector_load %arg8[%get3A_877] {strides = array<i32>} : memref<25600xf32, #tpu.memory_space<vmem>>, vector<16xf32>,
      %get3A_879 = vector.shape_cast %get3A_878 : vector<16xf32> to vector<16xf32>
      %max3A_880 = arith.maximumf %max3A_716, %get3A_876 : vector<16xf32>
      %sub3A_881 = arith.subf %max3A_716, %max3A_880 : vector<16xf32>
      %exp3A_882 = math.exp %sub3A_881 : vector<16xf32>
      %sub3A_883 = arith.subf %get3A_876, %max3A_880 : vector<16xf32>
      %exp3A_884 = math.exp %sub3A_883 : vector<16xf32>
      %mul3A_885 = arith.mulf %add3A_723, %exp3A_882 : vector<16xf32>
      %mul3A_886 = arith.mulf %exp3A_884, %get3A_879 : vector<16xf32>
      %add3A_887 = arith.addf %mul3A_885, %mul3A_886 : vector<16xf32>
      %mul3A_888 = arith.mulf %add3A_725, %exp3A_882 : vector<16xf32>
      %add3A_889 = arith.addf %mul3A_888, %exp3A_884 : vector<16xf32>
      %mul3A_890 = arith.constant 128 : i32
      %mul3A_891 = arith.muli %add3A_829, %mul3A_890 : i32
      %add3A_892 = arith.constant 48 : i32
      %add3A_893 = arith.addi %mul3A_891, %add3A_892 : i32
      %get3A_894 = arith.index_cast %add3A_893 : i32 to index
      %get3A_895 = tpu.vector_load %arg7[%get3A_894] {strides = array<i32>} : memref<25600xf32, #tpu.memory_space<vmem>>, vector<16xf32>,
      %get3A_896 = vector.shape_cast %get3A_895 : vector<16xf32> to vector<16xf32>
      %get3A_897 = arith.index_cast %add3A_893 : i32 to index
      %get3A_898 = tpu.vector_load %arg8[%get3A_897] {strides = array<i32>} : memref<25600xf32, #tpu.memory_space<vmem>>, vector<16xf32>,
      %get3A_899 = vector.shape_cast %get3A_898 : vector<16xf32> to vector<16xf32>
      %max3A_900 = arith.maximumf %max3A_736, %get3A_896 : vector<16xf32>
      %sub3A_901 = arith.subf %max3A_736, %max3A_900 : vector<16xf32>
      %exp3A_902 = math.exp %sub3A_901 : vector<16xf32>
      %sub3A_903 = arith.subf %get3A_896, %max3A_900 : vector<16xf32>
      %exp3A_904 = math.exp %sub3A_903 : vector<16xf32>
      %mul3A_905 = arith.mulf %add3A_743, %exp3A_902 : vector<16xf32>
      %mul3A_906 = arith.mulf %exp3A_904, %get3A_899 : vector<16xf32>
      %add3A_907 = arith.addf %mul3A_905, %mul3A_906 : vector<16xf32>
      %mul3A_908 = arith.mulf %add3A_745, %exp3A_902 : vector<16xf32>
      %add3A_909 = arith.addf %mul3A_908, %exp3A_904 : vector<16xf32>
      %mul3A_910 = arith.constant 128 : i32
      %mul3A_911 = arith.muli %add3A_829, %mul3A_910 : i32
      %add3A_912 = arith.constant 64 : i32
      %add3A_913 = arith.addi %mul3A_911, %add3A_912 : i32
      %get3A_914 = arith.index_cast %add3A_913 : i32 to index
      %get3A_915 = tpu.vector_load %arg7[%get3A_914] {strides = array<i32>} : memref<25600xf32, #tpu.memory_space<vmem>>, vector<16xf32>,
      %get3A_916 = vector.shape_cast %get3A_915 : vector<16xf32> to vector<16xf32>
      %get3A_917 = arith.index_cast %add3A_913 : i32 to index
      %get3A_918 = tpu.vector_load %arg8[%get3A_917] {strides = array<i32>} : memref<25600xf32, #tpu.memory_space<vmem>>, vector<16xf32>,
      %get3A_919 = vector.shape_cast %get3A_918 : vector<16xf32> to vector<16xf32>
      %max3A_920 = arith.maximumf %max3A_756, %get3A_916 : vector<16xf32>
      %sub3A_921 = arith.subf %max3A_756, %max3A_920 : vector<16xf32>
      %exp3A_922 = math.exp %sub3A_921 : vector<16xf32>
      %sub3A_923 = arith.subf %get3A_916, %max3A_920 : vector<16xf32>
      %exp3A_924 = math.exp %sub3A_923 : vector<16xf32>
      %mul3A_925 = arith.mulf %add3A_763, %exp3A_922 : vector<16xf32>
      %mul3A_926 = arith.mulf %exp3A_924, %get3A_919 : vector<16xf32>
      %add3A_927 = arith.addf %mul3A_925, %mul3A_926 : vector<16xf32>
      %mul3A_928 = arith.mulf %add3A_765, %exp3A_922 : vector<16xf32>
      %add3A_929 = arith.addf %mul3A_928, %exp3A_924 : vector<16xf32>
      %mul3A_930 = arith.constant 128 : i32
      %mul3A_931 = arith.muli %add3A_829, %mul3A_930 : i32
      %add3A_932 = arith.constant 80 : i32
      %add3A_933 = arith.addi %mul3A_931, %add3A_932 : i32
      %get3A_934 = arith.index_cast %add3A_933 : i32 to index
      %get3A_935 = tpu.vector_load %arg7[%get3A_934] {strides = array<i32>} : memref<25600xf32, #tpu.memory_space<vmem>>, vector<16xf32>,
      %get3A_936 = vector.shape_cast %get3A_935 : vector<16xf32> to vector<16xf32>
      %get3A_937 = arith.index_cast %add3A_933 : i32 to index
      %get3A_938 = tpu.vector_load %arg8[%get3A_937] {strides = array<i32>} : memref<25600xf32, #tpu.memory_space<vmem>>, vector<16xf32>,
      %get3A_939 = vector.shape_cast %get3A_938 : vector<16xf32> to vector<16xf32>
      %max3A_940 = arith.maximumf %max3A_776, %get3A_936 : vector<16xf32>
      %sub3A_941 = arith.subf %max3A_776, %max3A_940 : vector<16xf32>
      %exp3A_942 = math.exp %sub3A_941 : vector<16xf32>
      %sub3A_943 = arith.subf %get3A_936, %max3A_940 : vector<16xf32>
      %exp3A_944 = math.exp %sub3A_943 : vector<16xf32>
      %mul3A_945 = arith.mulf %add3A_783, %exp3A_942 : vector<16xf32>
      %mul3A_946 = arith.mulf %exp3A_944, %get3A_939 : vector<16xf32>
      %add3A_947 = arith.addf %mul3A_945, %mul3A_946 : vector<16xf32>
      %mul3A_948 = arith.mulf %add3A_785, %exp3A_942 : vector<16xf32>
      %add3A_949 = arith.addf %mul3A_948, %exp3A_944 : vector<16xf32>
      %mul3A_950 = arith.constant 128 : i32
      %mul3A_951 = arith.muli %add3A_829, %mul3A_950 : i32
      %add3A_952 = arith.constant 96 : i32
      %add3A_953 = arith.addi %mul3A_951, %add3A_952 : i32
      %get3A_954 = arith.index_cast %add3A_953 : i32 to index
      %get3A_955 = tpu.vector_load %arg7[%get3A_954] {strides = array<i32>} : memref<25600xf32, #tpu.memory_space<vmem>>, vector<16xf32>,
      %get3A_956 = vector.shape_cast %get3A_955 : vector<16xf32> to vector<16xf32>
      %get3A_957 = arith.index_cast %add3A_953 : i32 to index
      %get3A_958 = tpu.vector_load %arg8[%get3A_957] {strides = array<i32>} : memref<25600xf32, #tpu.memory_space<vmem>>, vector<16xf32>,
      %get3A_959 = vector.shape_cast %get3A_958 : vector<16xf32> to vector<16xf32>
      %max3A_960 = arith.maximumf %max3A_796, %get3A_956 : vector<16xf32>
      %sub3A_961 = arith.subf %max3A_796, %max3A_960 : vector<16xf32>
      %exp3A_962 = math.exp %sub3A_961 : vector<16xf32>
      %sub3A_963 = arith.subf %get3A_956, %max3A_960 : vector<16xf32>
      %exp3A_964 = math.exp %sub3A_963 : vector<16xf32>
      %mul3A_965 = arith.mulf %add3A_803, %exp3A_962 : vector<16xf32>
      %mul3A_966 = arith.mulf %exp3A_964, %get3A_959 : vector<16xf32>
      %add3A_967 = arith.addf %mul3A_965, %mul3A_966 : vector<16xf32>
      %mul3A_968 = arith.mulf %add3A_805, %exp3A_962 : vector<16xf32>
      %add3A_969 = arith.addf %mul3A_968, %exp3A_964 : vector<16xf32>
      %mul3A_970 = arith.constant 128 : i32
      %mul3A_971 = arith.muli %add3A_829, %mul3A_970 : i32
      %add3A_972 = arith.constant 112 : i32
      %add3A_973 = arith.addi %mul3A_971, %add3A_972 : i32
      %get3A_974 = arith.index_cast %add3A_973 : i32 to index
      %get3A_975 = tpu.vector_load %arg7[%get3A_974] {strides = array<i32>} : memref<25600xf32, #tpu.memory_space<vmem>>, vector<16xf32>,
      %get3A_976 = vector.shape_cast %get3A_975 : vector<16xf32> to vector<16xf32>
      %get3A_977 = arith.index_cast %add3A_973 : i32 to index
      %get3A_978 = tpu.vector_load %arg8[%get3A_977] {strides = array<i32>} : memref<25600xf32, #tpu.memory_space<vmem>>, vector<16xf32>,
      %get3A_979 = vector.shape_cast %get3A_978 : vector<16xf32> to vector<16xf32>
      %max3A_980 = arith.maximumf %max3A_816, %get3A_976 : vector<16xf32>
      %sub3A_981 = arith.subf %max3A_816, %max3A_980 : vector<16xf32>
      %exp3A_982 = math.exp %sub3A_981 : vector<16xf32>
      %sub3A_983 = arith.subf %get3A_976, %max3A_980 : vector<16xf32>
      %exp3A_984 = math.exp %sub3A_983 : vector<16xf32>
      %mul3A_985 = arith.mulf %add3A_823, %exp3A_982 : vector<16xf32>
      %mul3A_986 = arith.mulf %exp3A_984, %get3A_979 : vector<16xf32>
      %add3A_987 = arith.addf %mul3A_985, %mul3A_986 : vector<16xf32>
      %mul3A_988 = arith.mulf %add3A_825, %exp3A_982 : vector<16xf32>
      %add3A_989 = arith.addf %mul3A_988, %exp3A_984 : vector<16xf32>
      %mul3A_990 = arith.constant 8 : i32
      %mul3A_991 = arith.muli %scan3A_59, %mul3A_990 : i32
      %add3A_992 = arith.constant 4 : i32
      %add3A_993 = arith.addi %mul3A_991, %add3A_992 : i32
      %mul3A_994 = arith.constant 128 : i32
      %mul3A_995 = arith.muli %add3A_993, %mul3A_994 : i32
      %add3A_996 = arith.constant 0 : i32
      %add3A_997 = arith.addi %mul3A_995, %add3A_996 : i32
      %get3A_998 = arith.index_cast %add3A_997 : i32 to index
      %get3A_999 = tpu.vector_load %arg7[%get3A_998] {strides = array<i32>} : memref<25600xf32, #tpu.memory_space<vmem>>, vector<16xf32>,
      %get3A_1000 = vector.shape_cast %get3A_999 : vector<16xf32> to vector<16xf32>
      %get3A_1001 = arith.index_cast %add3A_997 : i32 to index
      %get3A_1002 = tpu.vector_load %arg8[%get3A_1001] {strides = array<i32>} : memref<25600xf32, #tpu.memory_space<vmem>>, vector<16xf32>,
      %get3A_1003 = vector.shape_cast %get3A_1002 : vector<16xf32> to vector<16xf32>
      %max3A_1004 = arith.maximumf %max3A_840, %get3A_1000 : vector<16xf32>
      %sub3A_1005 = arith.subf %max3A_840, %max3A_1004 : vector<16xf32>
      %exp3A_1006 = math.exp %sub3A_1005 : vector<16xf32>
      %sub3A_1007 = arith.subf %get3A_1000, %max3A_1004 : vector<16xf32>
      %exp3A_1008 = math.exp %sub3A_1007 : vector<16xf32>
      %mul3A_1009 = arith.mulf %add3A_847, %exp3A_1006 : vector<16xf32>
      %mul3A_1010 = arith.mulf %exp3A_1008, %get3A_1003 : vector<16xf32>
      %add3A_1011 = arith.addf %mul3A_1009, %mul3A_1010 : vector<16xf32>
      %mul3A_1012 = arith.mulf %add3A_849, %exp3A_1006 : vector<16xf32>
      %add3A_1013 = arith.addf %mul3A_1012, %exp3A_1008 : vector<16xf32>
      %mul3A_1014 = arith.constant 128 : i32
      %mul3A_1015 = arith.muli %add3A_993, %mul3A_1014 : i32
      %add3A_1016 = arith.constant 16 : i32
      %add3A_1017 = arith.addi %mul3A_1015, %add3A_1016 : i32
      %get3A_1018 = arith.index_cast %add3A_1017 : i32 to index
      %get3A_1019 = tpu.vector_load %arg7[%get3A_1018] {strides = array<i32>} : memref<25600xf32, #tpu.memory_space<vmem>>, vector<16xf32>,
      %get3A_1020 = vector.shape_cast %get3A_1019 : vector<16xf32> to vector<16xf32>
      %get3A_1021 = arith.index_cast %add3A_1017 : i32 to index
      %get3A_1022 = tpu.vector_load %arg8[%get3A_1021] {strides = array<i32>} : memref<25600xf32, #tpu.memory_space<vmem>>, vector<16xf32>,
      %get3A_1023 = vector.shape_cast %get3A_1022 : vector<16xf32> to vector<16xf32>
      %max3A_1024 = arith.maximumf %max3A_860, %get3A_1020 : vector<16xf32>
      %sub3A_1025 = arith.subf %max3A_860, %max3A_1024 : vector<16xf32>
      %exp3A_1026 = math.exp %sub3A_1025 : vector<16xf32>
      %sub3A_1027 = arith.subf %get3A_1020, %max3A_1024 : vector<16xf32>
      %exp3A_1028 = math.exp %sub3A_1027 : vector<16xf32>
      %mul3A_1029 = arith.mulf %add3A_867, %exp3A_1026 : vector<16xf32>
      %mul3A_1030 = arith.mulf %exp3A_1028, %get3A_1023 : vector<16xf32>
      %add3A_1031 = arith.addf %mul3A_1029, %mul3A_1030 : vector<16xf32>
      %mul3A_1032 = arith.mulf %add3A_869, %exp3A_1026 : vector<16xf32>
      %add3A_1033 = arith.addf %mul3A_1032, %exp3A_1028 : vector<16xf32>
      %mul3A_1034 = arith.constant 128 : i32
      %mul3A_1035 = arith.muli %add3A_993, %mul3A_1034 : i32
      %add3A_1036 = arith.constant 32 : i32
      %add3A_1037 = arith.addi %mul3A_1035, %add3A_1036 : i32
      %get3A_1038 = arith.index_cast %add3A_1037 : i32 to index
      %get3A_1039 = tpu.vector_load %arg7[%get3A_1038] {strides = array<i32>} : memref<25600xf32, #tpu.memory_space<vmem>>, vector<16xf32>,
      %get3A_1040 = vector.shape_cast %get3A_1039 : vector<16xf32> to vector<16xf32>
      %get3A_1041 = arith.index_cast %add3A_1037 : i32 to index
      %get3A_1042 = tpu.vector_load %arg8[%get3A_1041] {strides = array<i32>} : memref<25600xf32, #tpu.memory_space<vmem>>, vector<16xf32>,
      %get3A_1043 = vector.shape_cast %get3A_1042 : vector<16xf32> to vector<16xf32>
      %max3A_1044 = arith.maximumf %max3A_880, %get3A_1040 : vector<16xf32>
      %sub3A_1045 = arith.subf %max3A_880, %max3A_1044 : vector<16xf32>
      %exp3A_1046 = math.exp %sub3A_1045 : vector<16xf32>
      %sub3A_1047 = arith.subf %get3A_1040, %max3A_1044 : vector<16xf32>
      %exp3A_1048 = math.exp %sub3A_1047 : vector<16xf32>
      %mul3A_1049 = arith.mulf %add3A_887, %exp3A_1046 : vector<16xf32>
      %mul3A_1050 = arith.mulf %exp3A_1048, %get3A_1043 : vector<16xf32>
      %add3A_1051 = arith.addf %mul3A_1049, %mul3A_1050 : vector<16xf32>
      %mul3A_1052 = arith.mulf %add3A_889, %exp3A_1046 : vector<16xf32>
      %add3A_1053 = arith.addf %mul3A_1052, %exp3A_1048 : vector<16xf32>
      %mul3A_1054 = arith.constant 128 : i32
      %mul3A_1055 = arith.muli %add3A_993, %mul3A_1054 : i32
      %add3A_1056 = arith.constant 48 : i32
      %add3A_1057 = arith.addi %mul3A_1055, %add3A_1056 : i32
      %get3A_1058 = arith.index_cast %add3A_1057 : i32 to index
      %get3A_1059 = tpu.vector_load %arg7[%get3A_1058] {strides = array<i32>} : memref<25600xf32, #tpu.memory_space<vmem>>, vector<16xf32>,
      %get3A_1060 = vector.shape_cast %get3A_1059 : vector<16xf32> to vector<16xf32>
      %get3A_1061 = arith.index_cast %add3A_1057 : i32 to index
      %get3A_1062 = tpu.vector_load %arg8[%get3A_1061] {strides = array<i32>} : memref<25600xf32, #tpu.memory_space<vmem>>, vector<16xf32>,
      %get3A_1063 = vector.shape_cast %get3A_1062 : vector<16xf32> to vector<16xf32>
      %max3A_1064 = arith.maximumf %max3A_900, %get3A_1060 : vector<16xf32>
      %sub3A_1065 = arith.subf %max3A_900, %max3A_1064 : vector<16xf32>
      %exp3A_1066 = math.exp %sub3A_1065 : vector<16xf32>
      %sub3A_1067 = arith.subf %get3A_1060, %max3A_1064 : vector<16xf32>
      %exp3A_1068 = math.exp %sub3A_1067 : vector<16xf32>
      %mul3A_1069 = arith.mulf %add3A_907, %exp3A_1066 : vector<16xf32>
      %mul3A_1070 = arith.mulf %exp3A_1068, %get3A_1063 : vector<16xf32>
      %add3A_1071 = arith.addf %mul3A_1069, %mul3A_1070 : vector<16xf32>
      %mul3A_1072 = arith.mulf %add3A_909, %exp3A_1066 : vector<16xf32>
      %add3A_1073 = arith.addf %mul3A_1072, %exp3A_1068 : vector<16xf32>
      %mul3A_1074 = arith.constant 128 : i32
      %mul3A_1075 = arith.muli %add3A_993, %mul3A_1074 : i32
      %add3A_1076 = arith.constant 64 : i32
      %add3A_1077 = arith.addi %mul3A_1075, %add3A_1076 : i32
      %get3A_1078 = arith.index_cast %add3A_1077 : i32 to index
      %get3A_1079 = tpu.vector_load %arg7[%get3A_1078] {strides = array<i32>} : memref<25600xf32, #tpu.memory_space<vmem>>, vector<16xf32>,
      %get3A_1080 = vector.shape_cast %get3A_1079 : vector<16xf32> to vector<16xf32>
      %get3A_1081 = arith.index_cast %add3A_1077 : i32 to index
      %get3A_1082 = tpu.vector_load %arg8[%get3A_1081] {strides = array<i32>} : memref<25600xf32, #tpu.memory_space<vmem>>, vector<16xf32>,
      %get3A_1083 = vector.shape_cast %get3A_1082 : vector<16xf32> to vector<16xf32>
      %max3A_1084 = arith.maximumf %max3A_920, %get3A_1080 : vector<16xf32>
      %sub3A_1085 = arith.subf %max3A_920, %max3A_1084 : vector<16xf32>
      %exp3A_1086 = math.exp %sub3A_1085 : vector<16xf32>
      %sub3A_1087 = arith.subf %get3A_1080, %max3A_1084 : vector<16xf32>
      %exp3A_1088 = math.exp %sub3A_1087 : vector<16xf32>
      %mul3A_1089 = arith.mulf %add3A_927, %exp3A_1086 : vector<16xf32>
      %mul3A_1090 = arith.mulf %exp3A_1088, %get3A_1083 : vector<16xf32>
      %add3A_1091 = arith.addf %mul3A_1089, %mul3A_1090 : vector<16xf32>
      %mul3A_1092 = arith.mulf %add3A_929, %exp3A_1086 : vector<16xf32>
      %add3A_1093 = arith.addf %mul3A_1092, %exp3A_1088 : vector<16xf32>
      %mul3A_1094 = arith.constant 128 : i32
      %mul3A_1095 = arith.muli %add3A_993, %mul3A_1094 : i32
      %add3A_1096 = arith.constant 80 : i32
      %add3A_1097 = arith.addi %mul3A_1095, %add3A_1096 : i32
      %get3A_1098 = arith.index_cast %add3A_1097 : i32 to index
      %get3A_1099 = tpu.vector_load %arg7[%get3A_1098] {strides = array<i32>} : memref<25600xf32, #tpu.memory_space<vmem>>, vector<16xf32>,
      %get3A_1100 = vector.shape_cast %get3A_1099 : vector<16xf32> to vector<16xf32>
      %get3A_1101 = arith.index_cast %add3A_1097 : i32 to index
      %get3A_1102 = tpu.vector_load %arg8[%get3A_1101] {strides = array<i32>} : memref<25600xf32, #tpu.memory_space<vmem>>, vector<16xf32>,
      %get3A_1103 = vector.shape_cast %get3A_1102 : vector<16xf32> to vector<16xf32>
      %max3A_1104 = arith.maximumf %max3A_940, %get3A_1100 : vector<16xf32>
      %sub3A_1105 = arith.subf %max3A_940, %max3A_1104 : vector<16xf32>
      %exp3A_1106 = math.exp %sub3A_1105 : vector<16xf32>
      %sub3A_1107 = arith.subf %get3A_1100, %max3A_1104 : vector<16xf32>
      %exp3A_1108 = math.exp %sub3A_1107 : vector<16xf32>
      %mul3A_1109 = arith.mulf %add3A_947, %exp3A_1106 : vector<16xf32>
      %mul3A_1110 = arith.mulf %exp3A_1108, %get3A_1103 : vector<16xf32>
      %add3A_1111 = arith.addf %mul3A_1109, %mul3A_1110 : vector<16xf32>
      %mul3A_1112 = arith.mulf %add3A_949, %exp3A_1106 : vector<16xf32>
      %add3A_1113 = arith.addf %mul3A_1112, %exp3A_1108 : vector<16xf32>
      %mul3A_1114 = arith.constant 128 : i32
      %mul3A_1115 = arith.muli %add3A_993, %mul3A_1114 : i32
      %add3A_1116 = arith.constant 96 : i32
      %add3A_1117 = arith.addi %mul3A_1115, %add3A_1116 : i32
      %get3A_1118 = arith.index_cast %add3A_1117 : i32 to index
      %get3A_1119 = tpu.vector_load %arg7[%get3A_1118] {strides = array<i32>} : memref<25600xf32, #tpu.memory_space<vmem>>, vector<16xf32>,
      %get3A_1120 = vector.shape_cast %get3A_1119 : vector<16xf32> to vector<16xf32>
      %get3A_1121 = arith.index_cast %add3A_1117 : i32 to index
      %get3A_1122 = tpu.vector_load %arg8[%get3A_1121] {strides = array<i32>} : memref<25600xf32, #tpu.memory_space<vmem>>, vector<16xf32>,
      %get3A_1123 = vector.shape_cast %get3A_1122 : vector<16xf32> to vector<16xf32>
      %max3A_1124 = arith.maximumf %max3A_960, %get3A_1120 : vector<16xf32>
      %sub3A_1125 = arith.subf %max3A_960, %max3A_1124 : vector<16xf32>
      %exp3A_1126 = math.exp %sub3A_1125 : vector<16xf32>
      %sub3A_1127 = arith.subf %get3A_1120, %max3A_1124 : vector<16xf32>
      %exp3A_1128 = math.exp %sub3A_1127 : vector<16xf32>
      %mul3A_1129 = arith.mulf %add3A_967, %exp3A_1126 : vector<16xf32>
      %mul3A_1130 = arith.mulf %exp3A_1128, %get3A_1123 : vector<16xf32>
      %add3A_1131 = arith.addf %mul3A_1129, %mul3A_1130 : vector<16xf32>
      %mul3A_1132 = arith.mulf %add3A_969, %exp3A_1126 : vector<16xf32>
      %add3A_1133 = arith.addf %mul3A_1132, %exp3A_1128 : vector<16xf32>
      %mul3A_1134 = arith.constant 128 : i32
      %mul3A_1135 = arith.muli %add3A_993, %mul3A_1134 : i32
      %add3A_1136 = arith.constant 112 : i32
      %add3A_1137 = arith.addi %mul3A_1135, %add3A_1136 : i32
      %get3A_1138 = arith.index_cast %add3A_1137 : i32 to index
      %get3A_1139 = tpu.vector_load %arg7[%get3A_1138] {strides = array<i32>} : memref<25600xf32, #tpu.memory_space<vmem>>, vector<16xf32>,
      %get3A_1140 = vector.shape_cast %get3A_1139 : vector<16xf32> to vector<16xf32>
      %get3A_1141 = arith.index_cast %add3A_1137 : i32 to index
      %get3A_1142 = tpu.vector_load %arg8[%get3A_1141] {strides = array<i32>} : memref<25600xf32, #tpu.memory_space<vmem>>, vector<16xf32>,
      %get3A_1143 = vector.shape_cast %get3A_1142 : vector<16xf32> to vector<16xf32>
      %max3A_1144 = arith.maximumf %max3A_980, %get3A_1140 : vector<16xf32>
      %sub3A_1145 = arith.subf %max3A_980, %max3A_1144 : vector<16xf32>
      %exp3A_1146 = math.exp %sub3A_1145 : vector<16xf32>
      %sub3A_1147 = arith.subf %get3A_1140, %max3A_1144 : vector<16xf32>
      %exp3A_1148 = math.exp %sub3A_1147 : vector<16xf32>
      %mul3A_1149 = arith.mulf %add3A_987, %exp3A_1146 : vector<16xf32>
      %mul3A_1150 = arith.mulf %exp3A_1148, %get3A_1143 : vector<16xf32>
      %add3A_1151 = arith.addf %mul3A_1149, %mul3A_1150 : vector<16xf32>
      %mul3A_1152 = arith.mulf %add3A_989, %exp3A_1146 : vector<16xf32>
      %add3A_1153 = arith.addf %mul3A_1152, %exp3A_1148 : vector<16xf32>
      %mul3A_1154 = arith.constant 8 : i32
      %mul3A_1155 = arith.muli %scan3A_59, %mul3A_1154 : i32
      %add3A_1156 = arith.constant 5 : i32
      %add3A_1157 = arith.addi %mul3A_1155, %add3A_1156 : i32
      %mul3A_1158 = arith.constant 128 : i32
      %mul3A_1159 = arith.muli %add3A_1157, %mul3A_1158 : i32
      %add3A_1160 = arith.constant 0 : i32
      %add3A_1161 = arith.addi %mul3A_1159, %add3A_1160 : i32
      %get3A_1162 = arith.index_cast %add3A_1161 : i32 to index
      %get3A_1163 = tpu.vector_load %arg7[%get3A_1162] {strides = array<i32>} : memref<25600xf32, #tpu.memory_space<vmem>>, vector<16xf32>,
      %get3A_1164 = vector.shape_cast %get3A_1163 : vector<16xf32> to vector<16xf32>
      %get3A_1165 = arith.index_cast %add3A_1161 : i32 to index
      %get3A_1166 = tpu.vector_load %arg8[%get3A_1165] {strides = array<i32>} : memref<25600xf32, #tpu.memory_space<vmem>>, vector<16xf32>,
      %get3A_1167 = vector.shape_cast %get3A_1166 : vector<16xf32> to vector<16xf32>
      %max3A_1168 = arith.maximumf %max3A_1004, %get3A_1164 : vector<16xf32>
      %sub3A_1169 = arith.subf %max3A_1004, %max3A_1168 : vector<16xf32>
      %exp3A_1170 = math.exp %sub3A_1169 : vector<16xf32>
      %sub3A_1171 = arith.subf %get3A_1164, %max3A_1168 : vector<16xf32>
      %exp3A_1172 = math.exp %sub3A_1171 : vector<16xf32>
      %mul3A_1173 = arith.mulf %add3A_1011, %exp3A_1170 : vector<16xf32>
      %mul3A_1174 = arith.mulf %exp3A_1172, %get3A_1167 : vector<16xf32>
      %add3A_1175 = arith.addf %mul3A_1173, %mul3A_1174 : vector<16xf32>
      %mul3A_1176 = arith.mulf %add3A_1013, %exp3A_1170 : vector<16xf32>
      %add3A_1177 = arith.addf %mul3A_1176, %exp3A_1172 : vector<16xf32>
      %mul3A_1178 = arith.constant 128 : i32
      %mul3A_1179 = arith.muli %add3A_1157, %mul3A_1178 : i32
      %add3A_1180 = arith.constant 16 : i32
      %add3A_1181 = arith.addi %mul3A_1179, %add3A_1180 : i32
      %get3A_1182 = arith.index_cast %add3A_1181 : i32 to index
      %get3A_1183 = tpu.vector_load %arg7[%get3A_1182] {strides = array<i32>} : memref<25600xf32, #tpu.memory_space<vmem>>, vector<16xf32>,
      %get3A_1184 = vector.shape_cast %get3A_1183 : vector<16xf32> to vector<16xf32>
      %get3A_1185 = arith.index_cast %add3A_1181 : i32 to index
      %get3A_1186 = tpu.vector_load %arg8[%get3A_1185] {strides = array<i32>} : memref<25600xf32, #tpu.memory_space<vmem>>, vector<16xf32>,
      %get3A_1187 = vector.shape_cast %get3A_1186 : vector<16xf32> to vector<16xf32>
      %max3A_1188 = arith.maximumf %max3A_1024, %get3A_1184 : vector<16xf32>
      %sub3A_1189 = arith.subf %max3A_1024, %max3A_1188 : vector<16xf32>
      %exp3A_1190 = math.exp %sub3A_1189 : vector<16xf32>
      %sub3A_1191 = arith.subf %get3A_1184, %max3A_1188 : vector<16xf32>
      %exp3A_1192 = math.exp %sub3A_1191 : vector<16xf32>
      %mul3A_1193 = arith.mulf %add3A_1031, %exp3A_1190 : vector<16xf32>
      %mul3A_1194 = arith.mulf %exp3A_1192, %get3A_1187 : vector<16xf32>
      %add3A_1195 = arith.addf %mul3A_1193, %mul3A_1194 : vector<16xf32>
      %mul3A_1196 = arith.mulf %add3A_1033, %exp3A_1190 : vector<16xf32>
      %add3A_1197 = arith.addf %mul3A_1196, %exp3A_1192 : vector<16xf32>
      %mul3A_1198 = arith.constant 128 : i32
      %mul3A_1199 = arith.muli %add3A_1157, %mul3A_1198 : i32
      %add3A_1200 = arith.constant 32 : i32
      %add3A_1201 = arith.addi %mul3A_1199, %add3A_1200 : i32
      %get3A_1202 = arith.index_cast %add3A_1201 : i32 to index
      %get3A_1203 = tpu.vector_load %arg7[%get3A_1202] {strides = array<i32>} : memref<25600xf32, #tpu.memory_space<vmem>>, vector<16xf32>,
      %get3A_1204 = vector.shape_cast %get3A_1203 : vector<16xf32> to vector<16xf32>
      %get3A_1205 = arith.index_cast %add3A_1201 : i32 to index
      %get3A_1206 = tpu.vector_load %arg8[%get3A_1205] {strides = array<i32>} : memref<25600xf32, #tpu.memory_space<vmem>>, vector<16xf32>,
      %get3A_1207 = vector.shape_cast %get3A_1206 : vector<16xf32> to vector<16xf32>
      %max3A_1208 = arith.maximumf %max3A_1044, %get3A_1204 : vector<16xf32>
      %sub3A_1209 = arith.subf %max3A_1044, %max3A_1208 : vector<16xf32>
      %exp3A_1210 = math.exp %sub3A_1209 : vector<16xf32>
      %sub3A_1211 = arith.subf %get3A_1204, %max3A_1208 : vector<16xf32>
      %exp3A_1212 = math.exp %sub3A_1211 : vector<16xf32>
      %mul3A_1213 = arith.mulf %add3A_1051, %exp3A_1210 : vector<16xf32>
      %mul3A_1214 = arith.mulf %exp3A_1212, %get3A_1207 : vector<16xf32>
      %add3A_1215 = arith.addf %mul3A_1213, %mul3A_1214 : vector<16xf32>
      %mul3A_1216 = arith.mulf %add3A_1053, %exp3A_1210 : vector<16xf32>
      %add3A_1217 = arith.addf %mul3A_1216, %exp3A_1212 : vector<16xf32>
      %mul3A_1218 = arith.constant 128 : i32
      %mul3A_1219 = arith.muli %add3A_1157, %mul3A_1218 : i32
      %add3A_1220 = arith.constant 48 : i32
      %add3A_1221 = arith.addi %mul3A_1219, %add3A_1220 : i32
      %get3A_1222 = arith.index_cast %add3A_1221 : i32 to index
      %get3A_1223 = tpu.vector_load %arg7[%get3A_1222] {strides = array<i32>} : memref<25600xf32, #tpu.memory_space<vmem>>, vector<16xf32>,
      %get3A_1224 = vector.shape_cast %get3A_1223 : vector<16xf32> to vector<16xf32>
      %get3A_1225 = arith.index_cast %add3A_1221 : i32 to index
      %get3A_1226 = tpu.vector_load %arg8[%get3A_1225] {strides = array<i32>} : memref<25600xf32, #tpu.memory_space<vmem>>, vector<16xf32>,
      %get3A_1227 = vector.shape_cast %get3A_1226 : vector<16xf32> to vector<16xf32>
      %max3A_1228 = arith.maximumf %max3A_1064, %get3A_1224 : vector<16xf32>
      %sub3A_1229 = arith.subf %max3A_1064, %max3A_1228 : vector<16xf32>
      %exp3A_1230 = math.exp %sub3A_1229 : vector<16xf32>
      %sub3A_1231 = arith.subf %get3A_1224, %max3A_1228 : vector<16xf32>
      %exp3A_1232 = math.exp %sub3A_1231 : vector<16xf32>
      %mul3A_1233 = arith.mulf %add3A_1071, %exp3A_1230 : vector<16xf32>
      %mul3A_1234 = arith.mulf %exp3A_1232, %get3A_1227 : vector<16xf32>
      %add3A_1235 = arith.addf %mul3A_1233, %mul3A_1234 : vector<16xf32>
      %mul3A_1236 = arith.mulf %add3A_1073, %exp3A_1230 : vector<16xf32>
      %add3A_1237 = arith.addf %mul3A_1236, %exp3A_1232 : vector<16xf32>
      %mul3A_1238 = arith.constant 128 : i32
      %mul3A_1239 = arith.muli %add3A_1157, %mul3A_1238 : i32
      %add3A_1240 = arith.constant 64 : i32
      %add3A_1241 = arith.addi %mul3A_1239, %add3A_1240 : i32
      %get3A_1242 = arith.index_cast %add3A_1241 : i32 to index
      %get3A_1243 = tpu.vector_load %arg7[%get3A_1242] {strides = array<i32>} : memref<25600xf32, #tpu.memory_space<vmem>>, vector<16xf32>,
      %get3A_1244 = vector.shape_cast %get3A_1243 : vector<16xf32> to vector<16xf32>
      %get3A_1245 = arith.index_cast %add3A_1241 : i32 to index
      %get3A_1246 = tpu.vector_load %arg8[%get3A_1245] {strides = array<i32>} : memref<25600xf32, #tpu.memory_space<vmem>>, vector<16xf32>,
      %get3A_1247 = vector.shape_cast %get3A_1246 : vector<16xf32> to vector<16xf32>
      %max3A_1248 = arith.maximumf %max3A_1084, %get3A_1244 : vector<16xf32>
      %sub3A_1249 = arith.subf %max3A_1084, %max3A_1248 : vector<16xf32>
      %exp3A_1250 = math.exp %sub3A_1249 : vector<16xf32>
      %sub3A_1251 = arith.subf %get3A_1244, %max3A_1248 : vector<16xf32>
      %exp3A_1252 = math.exp %sub3A_1251 : vector<16xf32>
      %mul3A_1253 = arith.mulf %add3A_1091, %exp3A_1250 : vector<16xf32>
      %mul3A_1254 = arith.mulf %exp3A_1252, %get3A_1247 : vector<16xf32>
      %add3A_1255 = arith.addf %mul3A_1253, %mul3A_1254 : vector<16xf32>
      %mul3A_1256 = arith.mulf %add3A_1093, %exp3A_1250 : vector<16xf32>
      %add3A_1257 = arith.addf %mul3A_1256, %exp3A_1252 : vector<16xf32>
      %mul3A_1258 = arith.constant 128 : i32
      %mul3A_1259 = arith.muli %add3A_1157, %mul3A_1258 : i32
      %add3A_1260 = arith.constant 80 : i32
      %add3A_1261 = arith.addi %mul3A_1259, %add3A_1260 : i32
      %get3A_1262 = arith.index_cast %add3A_1261 : i32 to index
      %get3A_1263 = tpu.vector_load %arg7[%get3A_1262] {strides = array<i32>} : memref<25600xf32, #tpu.memory_space<vmem>>, vector<16xf32>,
      %get3A_1264 = vector.shape_cast %get3A_1263 : vector<16xf32> to vector<16xf32>
      %get3A_1265 = arith.index_cast %add3A_1261 : i32 to index
      %get3A_1266 = tpu.vector_load %arg8[%get3A_1265] {strides = array<i32>} : memref<25600xf32, #tpu.memory_space<vmem>>, vector<16xf32>,
      %get3A_1267 = vector.shape_cast %get3A_1266 : vector<16xf32> to vector<16xf32>
      %max3A_1268 = arith.maximumf %max3A_1104, %get3A_1264 : vector<16xf32>
      %sub3A_1269 = arith.subf %max3A_1104, %max3A_1268 : vector<16xf32>
      %exp3A_1270 = math.exp %sub3A_1269 : vector<16xf32>
      %sub3A_1271 = arith.subf %get3A_1264, %max3A_1268 : vector<16xf32>
      %exp3A_1272 = math.exp %sub3A_1271 : vector<16xf32>
      %mul3A_1273 = arith.mulf %add3A_1111, %exp3A_1270 : vector<16xf32>
      %mul3A_1274 = arith.mulf %exp3A_1272, %get3A_1267 : vector<16xf32>
      %add3A_1275 = arith.addf %mul3A_1273, %mul3A_1274 : vector<16xf32>
      %mul3A_1276 = arith.mulf %add3A_1113, %exp3A_1270 : vector<16xf32>
      %add3A_1277 = arith.addf %mul3A_1276, %exp3A_1272 : vector<16xf32>
      %mul3A_1278 = arith.constant 128 : i32
      %mul3A_1279 = arith.muli %add3A_1157, %mul3A_1278 : i32
      %add3A_1280 = arith.constant 96 : i32
      %add3A_1281 = arith.addi %mul3A_1279, %add3A_1280 : i32
      %get3A_1282 = arith.index_cast %add3A_1281 : i32 to index
      %get3A_1283 = tpu.vector_load %arg7[%get3A_1282] {strides = array<i32>} : memref<25600xf32, #tpu.memory_space<vmem>>, vector<16xf32>,
      %get3A_1284 = vector.shape_cast %get3A_1283 : vector<16xf32> to vector<16xf32>
      %get3A_1285 = arith.index_cast %add3A_1281 : i32 to index
      %get3A_1286 = tpu.vector_load %arg8[%get3A_1285] {strides = array<i32>} : memref<25600xf32, #tpu.memory_space<vmem>>, vector<16xf32>,
      %get3A_1287 = vector.shape_cast %get3A_1286 : vector<16xf32> to vector<16xf32>
      %max3A_1288 = arith.maximumf %max3A_1124, %get3A_1284 : vector<16xf32>
      %sub3A_1289 = arith.subf %max3A_1124, %max3A_1288 : vector<16xf32>
      %exp3A_1290 = math.exp %sub3A_1289 : vector<16xf32>
      %sub3A_1291 = arith.subf %get3A_1284, %max3A_1288 : vector<16xf32>
      %exp3A_1292 = math.exp %sub3A_1291 : vector<16xf32>
      %mul3A_1293 = arith.mulf %add3A_1131, %exp3A_1290 : vector<16xf32>
      %mul3A_1294 = arith.mulf %exp3A_1292, %get3A_1287 : vector<16xf32>
      %add3A_1295 = arith.addf %mul3A_1293, %mul3A_1294 : vector<16xf32>
      %mul3A_1296 = arith.mulf %add3A_1133, %exp3A_1290 : vector<16xf32>
      %add3A_1297 = arith.addf %mul3A_1296, %exp3A_1292 : vector<16xf32>
      %mul3A_1298 = arith.constant 128 : i32
      %mul3A_1299 = arith.muli %add3A_1157, %mul3A_1298 : i32
      %add3A_1300 = arith.constant 112 : i32
      %add3A_1301 = arith.addi %mul3A_1299, %add3A_1300 : i32
      %get3A_1302 = arith.index_cast %add3A_1301 : i32 to index
      %get3A_1303 = tpu.vector_load %arg7[%get3A_1302] {strides = array<i32>} : memref<25600xf32, #tpu.memory_space<vmem>>, vector<16xf32>,
      %get3A_1304 = vector.shape_cast %get3A_1303 : vector<16xf32> to vector<16xf32>
      %get3A_1305 = arith.index_cast %add3A_1301 : i32 to index
      %get3A_1306 = tpu.vector_load %arg8[%get3A_1305] {strides = array<i32>} : memref<25600xf32, #tpu.memory_space<vmem>>, vector<16xf32>,
      %get3A_1307 = vector.shape_cast %get3A_1306 : vector<16xf32> to vector<16xf32>
      %max3A_1308 = arith.maximumf %max3A_1144, %get3A_1304 : vector<16xf32>
      %sub3A_1309 = arith.subf %max3A_1144, %max3A_1308 : vector<16xf32>
      %exp3A_1310 = math.exp %sub3A_1309 : vector<16xf32>
      %sub3A_1311 = arith.subf %get3A_1304, %max3A_1308 : vector<16xf32>
      %exp3A_1312 = math.exp %sub3A_1311 : vector<16xf32>
      %mul3A_1313 = arith.mulf %add3A_1151, %exp3A_1310 : vector<16xf32>
      %mul3A_1314 = arith.mulf %exp3A_1312, %get3A_1307 : vector<16xf32>
      %add3A_1315 = arith.addf %mul3A_1313, %mul3A_1314 : vector<16xf32>
      %mul3A_1316 = arith.mulf %add3A_1153, %exp3A_1310 : vector<16xf32>
      %add3A_1317 = arith.addf %mul3A_1316, %exp3A_1312 : vector<16xf32>
      %mul3A_1318 = arith.constant 8 : i32
      %mul3A_1319 = arith.muli %scan3A_59, %mul3A_1318 : i32
      %add3A_1320 = arith.constant 6 : i32
      %add3A_1321 = arith.addi %mul3A_1319, %add3A_1320 : i32
      %mul3A_1322 = arith.constant 128 : i32
      %mul3A_1323 = arith.muli %add3A_1321, %mul3A_1322 : i32
      %add3A_1324 = arith.constant 0 : i32
      %add3A_1325 = arith.addi %mul3A_1323, %add3A_1324 : i32
      %get3A_1326 = arith.index_cast %add3A_1325 : i32 to index
      %get3A_1327 = tpu.vector_load %arg7[%get3A_1326] {strides = array<i32>} : memref<25600xf32, #tpu.memory_space<vmem>>, vector<16xf32>,
      %get3A_1328 = vector.shape_cast %get3A_1327 : vector<16xf32> to vector<16xf32>
      %get3A_1329 = arith.index_cast %add3A_1325 : i32 to index
      %get3A_1330 = tpu.vector_load %arg8[%get3A_1329] {strides = array<i32>} : memref<25600xf32, #tpu.memory_space<vmem>>, vector<16xf32>,
      %get3A_1331 = vector.shape_cast %get3A_1330 : vector<16xf32> to vector<16xf32>
      %max3A_1332 = arith.maximumf %max3A_1168, %get3A_1328 : vector<16xf32>
      %sub3A_1333 = arith.subf %max3A_1168, %max3A_1332 : vector<16xf32>
      %exp3A_1334 = math.exp %sub3A_1333 : vector<16xf32>
      %sub3A_1335 = arith.subf %get3A_1328, %max3A_1332 : vector<16xf32>
      %exp3A_1336 = math.exp %sub3A_1335 : vector<16xf32>
      %mul3A_1337 = arith.mulf %add3A_1175, %exp3A_1334 : vector<16xf32>
      %mul3A_1338 = arith.mulf %exp3A_1336, %get3A_1331 : vector<16xf32>
      %add3A_1339 = arith.addf %mul3A_1337, %mul3A_1338 : vector<16xf32>
      %mul3A_1340 = arith.mulf %add3A_1177, %exp3A_1334 : vector<16xf32>
      %add3A_1341 = arith.addf %mul3A_1340, %exp3A_1336 : vector<16xf32>
      %mul3A_1342 = arith.constant 128 : i32
      %mul3A_1343 = arith.muli %add3A_1321, %mul3A_1342 : i32
      %add3A_1344 = arith.constant 16 : i32
      %add3A_1345 = arith.addi %mul3A_1343, %add3A_1344 : i32
      %get3A_1346 = arith.index_cast %add3A_1345 : i32 to index
      %get3A_1347 = tpu.vector_load %arg7[%get3A_1346] {strides = array<i32>} : memref<25600xf32, #tpu.memory_space<vmem>>, vector<16xf32>,
      %get3A_1348 = vector.shape_cast %get3A_1347 : vector<16xf32> to vector<16xf32>
      %get3A_1349 = arith.index_cast %add3A_1345 : i32 to index
      %get3A_1350 = tpu.vector_load %arg8[%get3A_1349] {strides = array<i32>} : memref<25600xf32, #tpu.memory_space<vmem>>, vector<16xf32>,
      %get3A_1351 = vector.shape_cast %get3A_1350 : vector<16xf32> to vector<16xf32>
      %max3A_1352 = arith.maximumf %max3A_1188, %get3A_1348 : vector<16xf32>
      %sub3A_1353 = arith.subf %max3A_1188, %max3A_1352 : vector<16xf32>
      %exp3A_1354 = math.exp %sub3A_1353 : vector<16xf32>
      %sub3A_1355 = arith.subf %get3A_1348, %max3A_1352 : vector<16xf32>
      %exp3A_1356 = math.exp %sub3A_1355 : vector<16xf32>
      %mul3A_1357 = arith.mulf %add3A_1195, %exp3A_1354 : vector<16xf32>
      %mul3A_1358 = arith.mulf %exp3A_1356, %get3A_1351 : vector<16xf32>
      %add3A_1359 = arith.addf %mul3A_1357, %mul3A_1358 : vector<16xf32>
      %mul3A_1360 = arith.mulf %add3A_1197, %exp3A_1354 : vector<16xf32>
      %add3A_1361 = arith.addf %mul3A_1360, %exp3A_1356 : vector<16xf32>
      %mul3A_1362 = arith.constant 128 : i32
      %mul3A_1363 = arith.muli %add3A_1321, %mul3A_1362 : i32
      %add3A_1364 = arith.constant 32 : i32
      %add3A_1365 = arith.addi %mul3A_1363, %add3A_1364 : i32
      %get3A_1366 = arith.index_cast %add3A_1365 : i32 to index
      %get3A_1367 = tpu.vector_load %arg7[%get3A_1366] {strides = array<i32>} : memref<25600xf32, #tpu.memory_space<vmem>>, vector<16xf32>,
      %get3A_1368 = vector.shape_cast %get3A_1367 : vector<16xf32> to vector<16xf32>
      %get3A_1369 = arith.index_cast %add3A_1365 : i32 to index
      %get3A_1370 = tpu.vector_load %arg8[%get3A_1369] {strides = array<i32>} : memref<25600xf32, #tpu.memory_space<vmem>>, vector<16xf32>,
      %get3A_1371 = vector.shape_cast %get3A_1370 : vector<16xf32> to vector<16xf32>
      %max3A_1372 = arith.maximumf %max3A_1208, %get3A_1368 : vector<16xf32>
      %sub3A_1373 = arith.subf %max3A_1208, %max3A_1372 : vector<16xf32>
      %exp3A_1374 = math.exp %sub3A_1373 : vector<16xf32>
      %sub3A_1375 = arith.subf %get3A_1368, %max3A_1372 : vector<16xf32>
      %exp3A_1376 = math.exp %sub3A_1375 : vector<16xf32>
      %mul3A_1377 = arith.mulf %add3A_1215, %exp3A_1374 : vector<16xf32>
      %mul3A_1378 = arith.mulf %exp3A_1376, %get3A_1371 : vector<16xf32>
      %add3A_1379 = arith.addf %mul3A_1377, %mul3A_1378 : vector<16xf32>
      %mul3A_1380 = arith.mulf %add3A_1217, %exp3A_1374 : vector<16xf32>
      %add3A_1381 = arith.addf %mul3A_1380, %exp3A_1376 : vector<16xf32>
      %mul3A_1382 = arith.constant 128 : i32
      %mul3A_1383 = arith.muli %add3A_1321, %mul3A_1382 : i32
      %add3A_1384 = arith.constant 48 : i32
      %add3A_1385 = arith.addi %mul3A_1383, %add3A_1384 : i32
      %get3A_1386 = arith.index_cast %add3A_1385 : i32 to index
      %get3A_1387 = tpu.vector_load %arg7[%get3A_1386] {strides = array<i32>} : memref<25600xf32, #tpu.memory_space<vmem>>, vector<16xf32>,
      %get3A_1388 = vector.shape_cast %get3A_1387 : vector<16xf32> to vector<16xf32>
      %get3A_1389 = arith.index_cast %add3A_1385 : i32 to index
      %get3A_1390 = tpu.vector_load %arg8[%get3A_1389] {strides = array<i32>} : memref<25600xf32, #tpu.memory_space<vmem>>, vector<16xf32>,
      %get3A_1391 = vector.shape_cast %get3A_1390 : vector<16xf32> to vector<16xf32>
      %max3A_1392 = arith.maximumf %max3A_1228, %get3A_1388 : vector<16xf32>
      %sub3A_1393 = arith.subf %max3A_1228, %max3A_1392 : vector<16xf32>
      %exp3A_1394 = math.exp %sub3A_1393 : vector<16xf32>
      %sub3A_1395 = arith.subf %get3A_1388, %max3A_1392 : vector<16xf32>
      %exp3A_1396 = math.exp %sub3A_1395 : vector<16xf32>
      %mul3A_1397 = arith.mulf %add3A_1235, %exp3A_1394 : vector<16xf32>
      %mul3A_1398 = arith.mulf %exp3A_1396, %get3A_1391 : vector<16xf32>
      %add3A_1399 = arith.addf %mul3A_1397, %mul3A_1398 : vector<16xf32>
      %mul3A_1400 = arith.mulf %add3A_1237, %exp3A_1394 : vector<16xf32>
      %add3A_1401 = arith.addf %mul3A_1400, %exp3A_1396 : vector<16xf32>
      %mul3A_1402 = arith.constant 128 : i32
      %mul3A_1403 = arith.muli %add3A_1321, %mul3A_1402 : i32
      %add3A_1404 = arith.constant 64 : i32
      %add3A_1405 = arith.addi %mul3A_1403, %add3A_1404 : i32
      %get3A_1406 = arith.index_cast %add3A_1405 : i32 to index
      %get3A_1407 = tpu.vector_load %arg7[%get3A_1406] {strides = array<i32>} : memref<25600xf32, #tpu.memory_space<vmem>>, vector<16xf32>,
      %get3A_1408 = vector.shape_cast %get3A_1407 : vector<16xf32> to vector<16xf32>
      %get3A_1409 = arith.index_cast %add3A_1405 : i32 to index
      %get3A_1410 = tpu.vector_load %arg8[%get3A_1409] {strides = array<i32>} : memref<25600xf32, #tpu.memory_space<vmem>>, vector<16xf32>,
      %get3A_1411 = vector.shape_cast %get3A_1410 : vector<16xf32> to vector<16xf32>
      %max3A_1412 = arith.maximumf %max3A_1248, %get3A_1408 : vector<16xf32>
      %sub3A_1413 = arith.subf %max3A_1248, %max3A_1412 : vector<16xf32>
      %exp3A_1414 = math.exp %sub3A_1413 : vector<16xf32>
      %sub3A_1415 = arith.subf %get3A_1408, %max3A_1412 : vector<16xf32>
      %exp3A_1416 = math.exp %sub3A_1415 : vector<16xf32>
      %mul3A_1417 = arith.mulf %add3A_1255, %exp3A_1414 : vector<16xf32>
      %mul3A_1418 = arith.mulf %exp3A_1416, %get3A_1411 : vector<16xf32>
      %add3A_1419 = arith.addf %mul3A_1417, %mul3A_1418 : vector<16xf32>
      %mul3A_1420 = arith.mulf %add3A_1257, %exp3A_1414 : vector<16xf32>
      %add3A_1421 = arith.addf %mul3A_1420, %exp3A_1416 : vector<16xf32>
      %mul3A_1422 = arith.constant 128 : i32
      %mul3A_1423 = arith.muli %add3A_1321, %mul3A_1422 : i32
      %add3A_1424 = arith.constant 80 : i32
      %add3A_1425 = arith.addi %mul3A_1423, %add3A_1424 : i32
      %get3A_1426 = arith.index_cast %add3A_1425 : i32 to index
      %get3A_1427 = tpu.vector_load %arg7[%get3A_1426] {strides = array<i32>} : memref<25600xf32, #tpu.memory_space<vmem>>, vector<16xf32>,
      %get3A_1428 = vector.shape_cast %get3A_1427 : vector<16xf32> to vector<16xf32>
      %get3A_1429 = arith.index_cast %add3A_1425 : i32 to index
      %get3A_1430 = tpu.vector_load %arg8[%get3A_1429] {strides = array<i32>} : memref<25600xf32, #tpu.memory_space<vmem>>, vector<16xf32>,
      %get3A_1431 = vector.shape_cast %get3A_1430 : vector<16xf32> to vector<16xf32>
      %max3A_1432 = arith.maximumf %max3A_1268, %get3A_1428 : vector<16xf32>
      %sub3A_1433 = arith.subf %max3A_1268, %max3A_1432 : vector<16xf32>
      %exp3A_1434 = math.exp %sub3A_1433 : vector<16xf32>
      %sub3A_1435 = arith.subf %get3A_1428, %max3A_1432 : vector<16xf32>
      %exp3A_1436 = math.exp %sub3A_1435 : vector<16xf32>
      %mul3A_1437 = arith.mulf %add3A_1275, %exp3A_1434 : vector<16xf32>
      %mul3A_1438 = arith.mulf %exp3A_1436, %get3A_1431 : vector<16xf32>
      %add3A_1439 = arith.addf %mul3A_1437, %mul3A_1438 : vector<16xf32>
      %mul3A_1440 = arith.mulf %add3A_1277, %exp3A_1434 : vector<16xf32>
      %add3A_1441 = arith.addf %mul3A_1440, %exp3A_1436 : vector<16xf32>
      %mul3A_1442 = arith.constant 128 : i32
      %mul3A_1443 = arith.muli %add3A_1321, %mul3A_1442 : i32
      %add3A_1444 = arith.constant 96 : i32
      %add3A_1445 = arith.addi %mul3A_1443, %add3A_1444 : i32
      %get3A_1446 = arith.index_cast %add3A_1445 : i32 to index
      %get3A_1447 = tpu.vector_load %arg7[%get3A_1446] {strides = array<i32>} : memref<25600xf32, #tpu.memory_space<vmem>>, vector<16xf32>,
      %get3A_1448 = vector.shape_cast %get3A_1447 : vector<16xf32> to vector<16xf32>
      %get3A_1449 = arith.index_cast %add3A_1445 : i32 to index
      %get3A_1450 = tpu.vector_load %arg8[%get3A_1449] {strides = array<i32>} : memref<25600xf32, #tpu.memory_space<vmem>>, vector<16xf32>,
      %get3A_1451 = vector.shape_cast %get3A_1450 : vector<16xf32> to vector<16xf32>
      %max3A_1452 = arith.maximumf %max3A_1288, %get3A_1448 : vector<16xf32>
      %sub3A_1453 = arith.subf %max3A_1288, %max3A_1452 : vector<16xf32>
      %exp3A_1454 = math.exp %sub3A_1453 : vector<16xf32>
      %sub3A_1455 = arith.subf %get3A_1448, %max3A_1452 : vector<16xf32>
      %exp3A_1456 = math.exp %sub3A_1455 : vector<16xf32>
      %mul3A_1457 = arith.mulf %add3A_1295, %exp3A_1454 : vector<16xf32>
      %mul3A_1458 = arith.mulf %exp3A_1456, %get3A_1451 : vector<16xf32>
      %add3A_1459 = arith.addf %mul3A_1457, %mul3A_1458 : vector<16xf32>
      %mul3A_1460 = arith.mulf %add3A_1297, %exp3A_1454 : vector<16xf32>
      %add3A_1461 = arith.addf %mul3A_1460, %exp3A_1456 : vector<16xf32>
      %mul3A_1462 = arith.constant 128 : i32
      %mul3A_1463 = arith.muli %add3A_1321, %mul3A_1462 : i32
      %add3A_1464 = arith.constant 112 : i32
      %add3A_1465 = arith.addi %mul3A_1463, %add3A_1464 : i32
      %get3A_1466 = arith.index_cast %add3A_1465 : i32 to index
      %get3A_1467 = tpu.vector_load %arg7[%get3A_1466] {strides = array<i32>} : memref<25600xf32, #tpu.memory_space<vmem>>, vector<16xf32>,
      %get3A_1468 = vector.shape_cast %get3A_1467 : vector<16xf32> to vector<16xf32>
      %get3A_1469 = arith.index_cast %add3A_1465 : i32 to index
      %get3A_1470 = tpu.vector_load %arg8[%get3A_1469] {strides = array<i32>} : memref<25600xf32, #tpu.memory_space<vmem>>, vector<16xf32>,
      %get3A_1471 = vector.shape_cast %get3A_1470 : vector<16xf32> to vector<16xf32>
      %max3A_1472 = arith.maximumf %max3A_1308, %get3A_1468 : vector<16xf32>
      %sub3A_1473 = arith.subf %max3A_1308, %max3A_1472 : vector<16xf32>
      %exp3A_1474 = math.exp %sub3A_1473 : vector<16xf32>
      %sub3A_1475 = arith.subf %get3A_1468, %max3A_1472 : vector<16xf32>
      %exp3A_1476 = math.exp %sub3A_1475 : vector<16xf32>
      %mul3A_1477 = arith.mulf %add3A_1315, %exp3A_1474 : vector<16xf32>
      %mul3A_1478 = arith.mulf %exp3A_1476, %get3A_1471 : vector<16xf32>
      %add3A_1479 = arith.addf %mul3A_1477, %mul3A_1478 : vector<16xf32>
      %mul3A_1480 = arith.mulf %add3A_1317, %exp3A_1474 : vector<16xf32>
      %add3A_1481 = arith.addf %mul3A_1480, %exp3A_1476 : vector<16xf32>
      %mul3A_1482 = arith.constant 8 : i32
      %mul3A_1483 = arith.muli %scan3A_59, %mul3A_1482 : i32
      %add3A_1484 = arith.constant 7 : i32
      %add3A_1485 = arith.addi %mul3A_1483, %add3A_1484 : i32
      %mul3A_1486 = arith.constant 128 : i32
      %mul3A_1487 = arith.muli %add3A_1485, %mul3A_1486 : i32
      %add3A_1488 = arith.constant 0 : i32
      %add3A_1489 = arith.addi %mul3A_1487, %add3A_1488 : i32
      %get3A_1490 = arith.index_cast %add3A_1489 : i32 to index
      %get3A_1491 = tpu.vector_load %arg7[%get3A_1490] {strides = array<i32>} : memref<25600xf32, #tpu.memory_space<vmem>>, vector<16xf32>,
      %get3A_1492 = vector.shape_cast %get3A_1491 : vector<16xf32> to vector<16xf32>
      %get3A_1493 = arith.index_cast %add3A_1489 : i32 to index
      %get3A_1494 = tpu.vector_load %arg8[%get3A_1493] {strides = array<i32>} : memref<25600xf32, #tpu.memory_space<vmem>>, vector<16xf32>,
      %get3A_1495 = vector.shape_cast %get3A_1494 : vector<16xf32> to vector<16xf32>
      %max3A_1496 = arith.maximumf %max3A_1332, %get3A_1492 : vector<16xf32>
      %sub3A_1497 = arith.subf %max3A_1332, %max3A_1496 : vector<16xf32>
      %exp3A_1498 = math.exp %sub3A_1497 : vector<16xf32>
      %sub3A_1499 = arith.subf %get3A_1492, %max3A_1496 : vector<16xf32>
      %exp3A_1500 = math.exp %sub3A_1499 : vector<16xf32>
      %mul3A_1501 = arith.mulf %add3A_1339, %exp3A_1498 : vector<16xf32>
      %mul3A_1502 = arith.mulf %exp3A_1500, %get3A_1495 : vector<16xf32>
      %add3A_1503 = arith.addf %mul3A_1501, %mul3A_1502 : vector<16xf32>
      %mul3A_1504 = arith.mulf %add3A_1341, %exp3A_1498 : vector<16xf32>
      %add3A_1505 = arith.addf %mul3A_1504, %exp3A_1500 : vector<16xf32>
      %mul3A_1506 = arith.constant 128 : i32
      %mul3A_1507 = arith.muli %add3A_1485, %mul3A_1506 : i32
      %add3A_1508 = arith.constant 16 : i32
      %add3A_1509 = arith.addi %mul3A_1507, %add3A_1508 : i32
      %get3A_1510 = arith.index_cast %add3A_1509 : i32 to index
      %get3A_1511 = tpu.vector_load %arg7[%get3A_1510] {strides = array<i32>} : memref<25600xf32, #tpu.memory_space<vmem>>, vector<16xf32>,
      %get3A_1512 = vector.shape_cast %get3A_1511 : vector<16xf32> to vector<16xf32>
      %get3A_1513 = arith.index_cast %add3A_1509 : i32 to index
      %get3A_1514 = tpu.vector_load %arg8[%get3A_1513] {strides = array<i32>} : memref<25600xf32, #tpu.memory_space<vmem>>, vector<16xf32>,
      %get3A_1515 = vector.shape_cast %get3A_1514 : vector<16xf32> to vector<16xf32>
      %max3A_1516 = arith.maximumf %max3A_1352, %get3A_1512 : vector<16xf32>
      %sub3A_1517 = arith.subf %max3A_1352, %max3A_1516 : vector<16xf32>
      %exp3A_1518 = math.exp %sub3A_1517 : vector<16xf32>
      %sub3A_1519 = arith.subf %get3A_1512, %max3A_1516 : vector<16xf32>
      %exp3A_1520 = math.exp %sub3A_1519 : vector<16xf32>
      %mul3A_1521 = arith.mulf %add3A_1359, %exp3A_1518 : vector<16xf32>
      %mul3A_1522 = arith.mulf %exp3A_1520, %get3A_1515 : vector<16xf32>
      %add3A_1523 = arith.addf %mul3A_1521, %mul3A_1522 : vector<16xf32>
      %mul3A_1524 = arith.mulf %add3A_1361, %exp3A_1518 : vector<16xf32>
      %add3A_1525 = arith.addf %mul3A_1524, %exp3A_1520 : vector<16xf32>
      %mul3A_1526 = arith.constant 128 : i32
      %mul3A_1527 = arith.muli %add3A_1485, %mul3A_1526 : i32
      %add3A_1528 = arith.constant 32 : i32
      %add3A_1529 = arith.addi %mul3A_1527, %add3A_1528 : i32
      %get3A_1530 = arith.index_cast %add3A_1529 : i32 to index
      %get3A_1531 = tpu.vector_load %arg7[%get3A_1530] {strides = array<i32>} : memref<25600xf32, #tpu.memory_space<vmem>>, vector<16xf32>,
      %get3A_1532 = vector.shape_cast %get3A_1531 : vector<16xf32> to vector<16xf32>
      %get3A_1533 = arith.index_cast %add3A_1529 : i32 to index
      %get3A_1534 = tpu.vector_load %arg8[%get3A_1533] {strides = array<i32>} : memref<25600xf32, #tpu.memory_space<vmem>>, vector<16xf32>,
      %get3A_1535 = vector.shape_cast %get3A_1534 : vector<16xf32> to vector<16xf32>
      %max3A_1536 = arith.maximumf %max3A_1372, %get3A_1532 : vector<16xf32>
      %sub3A_1537 = arith.subf %max3A_1372, %max3A_1536 : vector<16xf32>
      %exp3A_1538 = math.exp %sub3A_1537 : vector<16xf32>
      %sub3A_1539 = arith.subf %get3A_1532, %max3A_1536 : vector<16xf32>
      %exp3A_1540 = math.exp %sub3A_1539 : vector<16xf32>
      %mul3A_1541 = arith.mulf %add3A_1379, %exp3A_1538 : vector<16xf32>
      %mul3A_1542 = arith.mulf %exp3A_1540, %get3A_1535 : vector<16xf32>
      %add3A_1543 = arith.addf %mul3A_1541, %mul3A_1542 : vector<16xf32>
      %mul3A_1544 = arith.mulf %add3A_1381, %exp3A_1538 : vector<16xf32>
      %add3A_1545 = arith.addf %mul3A_1544, %exp3A_1540 : vector<16xf32>
      %mul3A_1546 = arith.constant 128 : i32
      %mul3A_1547 = arith.muli %add3A_1485, %mul3A_1546 : i32
      %add3A_1548 = arith.constant 48 : i32
      %add3A_1549 = arith.addi %mul3A_1547, %add3A_1548 : i32
      %get3A_1550 = arith.index_cast %add3A_1549 : i32 to index
      %get3A_1551 = tpu.vector_load %arg7[%get3A_1550] {strides = array<i32>} : memref<25600xf32, #tpu.memory_space<vmem>>, vector<16xf32>,
      %get3A_1552 = vector.shape_cast %get3A_1551 : vector<16xf32> to vector<16xf32>
      %get3A_1553 = arith.index_cast %add3A_1549 : i32 to index
      %get3A_1554 = tpu.vector_load %arg8[%get3A_1553] {strides = array<i32>} : memref<25600xf32, #tpu.memory_space<vmem>>, vector<16xf32>,
      %get3A_1555 = vector.shape_cast %get3A_1554 : vector<16xf32> to vector<16xf32>
      %max3A_1556 = arith.maximumf %max3A_1392, %get3A_1552 : vector<16xf32>
      %sub3A_1557 = arith.subf %max3A_1392, %max3A_1556 : vector<16xf32>
      %exp3A_1558 = math.exp %sub3A_1557 : vector<16xf32>
      %sub3A_1559 = arith.subf %get3A_1552, %max3A_1556 : vector<16xf32>
      %exp3A_1560 = math.exp %sub3A_1559 : vector<16xf32>
      %mul3A_1561 = arith.mulf %add3A_1399, %exp3A_1558 : vector<16xf32>
      %mul3A_1562 = arith.mulf %exp3A_1560, %get3A_1555 : vector<16xf32>
      %add3A_1563 = arith.addf %mul3A_1561, %mul3A_1562 : vector<16xf32>
      %mul3A_1564 = arith.mulf %add3A_1401, %exp3A_1558 : vector<16xf32>
      %add3A_1565 = arith.addf %mul3A_1564, %exp3A_1560 : vector<16xf32>
      %mul3A_1566 = arith.constant 128 : i32
      %mul3A_1567 = arith.muli %add3A_1485, %mul3A_1566 : i32
      %add3A_1568 = arith.constant 64 : i32
      %add3A_1569 = arith.addi %mul3A_1567, %add3A_1568 : i32
      %get3A_1570 = arith.index_cast %add3A_1569 : i32 to index
      %get3A_1571 = tpu.vector_load %arg7[%get3A_1570] {strides = array<i32>} : memref<25600xf32, #tpu.memory_space<vmem>>, vector<16xf32>,
      %get3A_1572 = vector.shape_cast %get3A_1571 : vector<16xf32> to vector<16xf32>
      %get3A_1573 = arith.index_cast %add3A_1569 : i32 to index
      %get3A_1574 = tpu.vector_load %arg8[%get3A_1573] {strides = array<i32>} : memref<25600xf32, #tpu.memory_space<vmem>>, vector<16xf32>,
      %get3A_1575 = vector.shape_cast %get3A_1574 : vector<16xf32> to vector<16xf32>
      %max3A_1576 = arith.maximumf %max3A_1412, %get3A_1572 : vector<16xf32>
      %sub3A_1577 = arith.subf %max3A_1412, %max3A_1576 : vector<16xf32>
      %exp3A_1578 = math.exp %sub3A_1577 : vector<16xf32>
      %sub3A_1579 = arith.subf %get3A_1572, %max3A_1576 : vector<16xf32>
      %exp3A_1580 = math.exp %sub3A_1579 : vector<16xf32>
      %mul3A_1581 = arith.mulf %add3A_1419, %exp3A_1578 : vector<16xf32>
      %mul3A_1582 = arith.mulf %exp3A_1580, %get3A_1575 : vector<16xf32>
      %add3A_1583 = arith.addf %mul3A_1581, %mul3A_1582 : vector<16xf32>
      %mul3A_1584 = arith.mulf %add3A_1421, %exp3A_1578 : vector<16xf32>
      %add3A_1585 = arith.addf %mul3A_1584, %exp3A_1580 : vector<16xf32>
      %mul3A_1586 = arith.constant 128 : i32
      %mul3A_1587 = arith.muli %add3A_1485, %mul3A_1586 : i32
      %add3A_1588 = arith.constant 80 : i32
      %add3A_1589 = arith.addi %mul3A_1587, %add3A_1588 : i32
      %get3A_1590 = arith.index_cast %add3A_1589 : i32 to index
      %get3A_1591 = tpu.vector_load %arg7[%get3A_1590] {strides = array<i32>} : memref<25600xf32, #tpu.memory_space<vmem>>, vector<16xf32>,
      %get3A_1592 = vector.shape_cast %get3A_1591 : vector<16xf32> to vector<16xf32>
      %get3A_1593 = arith.index_cast %add3A_1589 : i32 to index
      %get3A_1594 = tpu.vector_load %arg8[%get3A_1593] {strides = array<i32>} : memref<25600xf32, #tpu.memory_space<vmem>>, vector<16xf32>,
      %get3A_1595 = vector.shape_cast %get3A_1594 : vector<16xf32> to vector<16xf32>
      %max3A_1596 = arith.maximumf %max3A_1432, %get3A_1592 : vector<16xf32>
      %sub3A_1597 = arith.subf %max3A_1432, %max3A_1596 : vector<16xf32>
      %exp3A_1598 = math.exp %sub3A_1597 : vector<16xf32>
      %sub3A_1599 = arith.subf %get3A_1592, %max3A_1596 : vector<16xf32>
      %exp3A_1600 = math.exp %sub3A_1599 : vector<16xf32>
      %mul3A_1601 = arith.mulf %add3A_1439, %exp3A_1598 : vector<16xf32>
      %mul3A_1602 = arith.mulf %exp3A_1600, %get3A_1595 : vector<16xf32>
      %add3A_1603 = arith.addf %mul3A_1601, %mul3A_1602 : vector<16xf32>
      %mul3A_1604 = arith.mulf %add3A_1441, %exp3A_1598 : vector<16xf32>
      %add3A_1605 = arith.addf %mul3A_1604, %exp3A_1600 : vector<16xf32>
      %mul3A_1606 = arith.constant 128 : i32
      %mul3A_1607 = arith.muli %add3A_1485, %mul3A_1606 : i32
      %add3A_1608 = arith.constant 96 : i32
      %add3A_1609 = arith.addi %mul3A_1607, %add3A_1608 : i32
      %get3A_1610 = arith.index_cast %add3A_1609 : i32 to index
      %get3A_1611 = tpu.vector_load %arg7[%get3A_1610] {strides = array<i32>} : memref<25600xf32, #tpu.memory_space<vmem>>, vector<16xf32>,
      %get3A_1612 = vector.shape_cast %get3A_1611 : vector<16xf32> to vector<16xf32>
      %get3A_1613 = arith.index_cast %add3A_1609 : i32 to index
      %get3A_1614 = tpu.vector_load %arg8[%get3A_1613] {strides = array<i32>} : memref<25600xf32, #tpu.memory_space<vmem>>, vector<16xf32>,
      %get3A_1615 = vector.shape_cast %get3A_1614 : vector<16xf32> to vector<16xf32>
      %max3A_1616 = arith.maximumf %max3A_1452, %get3A_1612 : vector<16xf32>
      %sub3A_1617 = arith.subf %max3A_1452, %max3A_1616 : vector<16xf32>
      %exp3A_1618 = math.exp %sub3A_1617 : vector<16xf32>
      %sub3A_1619 = arith.subf %get3A_1612, %max3A_1616 : vector<16xf32>
      %exp3A_1620 = math.exp %sub3A_1619 : vector<16xf32>
      %mul3A_1621 = arith.mulf %add3A_1459, %exp3A_1618 : vector<16xf32>
      %mul3A_1622 = arith.mulf %exp3A_1620, %get3A_1615 : vector<16xf32>
      %add3A_1623 = arith.addf %mul3A_1621, %mul3A_1622 : vector<16xf32>
      %mul3A_1624 = arith.mulf %add3A_1461, %exp3A_1618 : vector<16xf32>
      %add3A_1625 = arith.addf %mul3A_1624, %exp3A_1620 : vector<16xf32>
      %mul3A_1626 = arith.constant 128 : i32
      %mul3A_1627 = arith.muli %add3A_1485, %mul3A_1626 : i32
      %add3A_1628 = arith.constant 112 : i32
      %add3A_1629 = arith.addi %mul3A_1627, %add3A_1628 : i32
      %get3A_1630 = arith.index_cast %add3A_1629 : i32 to index
      %get3A_1631 = tpu.vector_load %arg7[%get3A_1630] {strides = array<i32>} : memref<25600xf32, #tpu.memory_space<vmem>>, vector<16xf32>,
      %get3A_1632 = vector.shape_cast %get3A_1631 : vector<16xf32> to vector<16xf32>
      %get3A_1633 = arith.index_cast %add3A_1629 : i32 to index
      %get3A_1634 = tpu.vector_load %arg8[%get3A_1633] {strides = array<i32>} : memref<25600xf32, #tpu.memory_space<vmem>>, vector<16xf32>,
      %get3A_1635 = vector.shape_cast %get3A_1634 : vector<16xf32> to vector<16xf32>
      %max3A_1636 = arith.maximumf %max3A_1472, %get3A_1632 : vector<16xf32>
      %sub3A_1637 = arith.subf %max3A_1472, %max3A_1636 : vector<16xf32>
      %exp3A_1638 = math.exp %sub3A_1637 : vector<16xf32>
      %sub3A_1639 = arith.subf %get3A_1632, %max3A_1636 : vector<16xf32>
      %exp3A_1640 = math.exp %sub3A_1639 : vector<16xf32>
      %mul3A_1641 = arith.mulf %add3A_1479, %exp3A_1638 : vector<16xf32>
      %mul3A_1642 = arith.mulf %exp3A_1640, %get3A_1635 : vector<16xf32>
      %add3A_1643 = arith.addf %mul3A_1641, %mul3A_1642 : vector<16xf32>
      %mul3A_1644 = arith.mulf %add3A_1481, %exp3A_1638 : vector<16xf32>
      %add3A_1645 = arith.addf %mul3A_1644, %exp3A_1640 : vector<16xf32>
      scf.yield %max3A_1496, %max3A_1516, %max3A_1536, %max3A_1556, %max3A_1576, %max3A_1596, %max3A_1616, %max3A_1636, %add3A_1503, %add3A_1523, %add3A_1543, %add3A_1563, %add3A_1583, %add3A_1603, %add3A_1623, %add3A_1643, %add3A_1505, %add3A_1525, %add3A_1545, %add3A_1565, %add3A_1585, %add3A_1605, %add3A_1625, %add3A_1645 : vector<16xf32>, vector<16xf32>, vector<16xf32>, vector<16xf32>, vector<16xf32>, vector<16xf32>, vector<16xf32>, vector<16xf32>, vector<16xf32>, vector<16xf32>, vector<16xf32>, vector<16xf32>, vector<16xf32>, vector<16xf32>, vector<16xf32>, vector<16xf32>, vector<16xf32>, vector<16xf32>, vector<16xf32>, vector<16xf32>, vector<16xf32>, vector<16xf32>, vector<16xf32>, vector<16xf32>
    }
    %scan3A_18 = arith.constant 25 : i32
    %div3A = arith.divf %scan3A_17#8, %scan3A_17#16 : vector<16xf32>
    %swap3A = arith.constant 0 : index
    %swap3A_19 = tpu.vector_load %arg9[%swap3A] {strides = array<i32>} : memref<128xf32, #tpu.memory_space<vmem>>, vector<16xf32>,
    %swap3A_20 = vector.shape_cast %swap3A_19 : vector<16xf32> to vector<16xf32>
    %swap3A_21 = vector.shape_cast %div3A : vector<16xf32> to vector<16xf32>
    tpu.vector_store %arg9[%swap3A], %swap3A_21 {strides = array<i32>} : memref<128xf32, #tpu.memory_space<vmem>>, vector<16xf32>,
    %div3A_22 = arith.divf %scan3A_17#9, %scan3A_17#17 : vector<16xf32>
    %swap3A_23 = arith.constant 16 : index
    %swap3A_24 = tpu.vector_load %arg9[%swap3A_23] {strides = array<i32>} : memref<128xf32, #tpu.memory_space<vmem>>, vector<16xf32>,
    %swap3A_25 = vector.shape_cast %swap3A_24 : vector<16xf32> to vector<16xf32>
    %swap3A_26 = vector.shape_cast %div3A_22 : vector<16xf32> to vector<16xf32>
    tpu.vector_store %arg9[%swap3A_23], %swap3A_26 {strides = array<i32>} : memref<128xf32, #tpu.memory_space<vmem>>, vector<16xf32>,
    %div3A_27 = arith.divf %scan3A_17#10, %scan3A_17#18 : vector<16xf32>
    %swap3A_28 = arith.constant 32 : index
    %swap3A_29 = tpu.vector_load %arg9[%swap3A_28] {strides = array<i32>} : memref<128xf32, #tpu.memory_space<vmem>>, vector<16xf32>,
    %swap3A_30 = vector.shape_cast %swap3A_29 : vector<16xf32> to vector<16xf32>
    %swap3A_31 = vector.shape_cast %div3A_27 : vector<16xf32> to vector<16xf32>
    tpu.vector_store %arg9[%swap3A_28], %swap3A_31 {strides = array<i32>} : memref<128xf32, #tpu.memory_space<vmem>>, vector<16xf32>,
    %div3A_32 = arith.divf %scan3A_17#11, %scan3A_17#19 : vector<16xf32>
    %swap3A_33 = arith.constant 48 : index
    %swap3A_34 = tpu.vector_load %arg9[%swap3A_33] {strides = array<i32>} : memref<128xf32, #tpu.memory_space<vmem>>, vector<16xf32>,
    %swap3A_35 = vector.shape_cast %swap3A_34 : vector<16xf32> to vector<16xf32>
    %swap3A_36 = vector.shape_cast %div3A_32 : vector<16xf32> to vector<16xf32>
    tpu.vector_store %arg9[%swap3A_33], %swap3A_36 {strides = array<i32>} : memref<128xf32, #tpu.memory_space<vmem>>, vector<16xf32>,
    %div3A_37 = arith.divf %scan3A_17#12, %scan3A_17#20 : vector<16xf32>
    %swap3A_38 = arith.constant 64 : index
    %swap3A_39 = tpu.vector_load %arg9[%swap3A_38] {strides = array<i32>} : memref<128xf32, #tpu.memory_space<vmem>>, vector<16xf32>,
    %swap3A_40 = vector.shape_cast %swap3A_39 : vector<16xf32> to vector<16xf32>
    %swap3A_41 = vector.shape_cast %div3A_37 : vector<16xf32> to vector<16xf32>
    tpu.vector_store %arg9[%swap3A_38], %swap3A_41 {strides = array<i32>} : memref<128xf32, #tpu.memory_space<vmem>>, vector<16xf32>,
    %div3A_42 = arith.divf %scan3A_17#13, %scan3A_17#21 : vector<16xf32>
    %swap3A_43 = arith.constant 80 : index
    %swap3A_44 = tpu.vector_load %arg9[%swap3A_43] {strides = array<i32>} : memref<128xf32, #tpu.memory_space<vmem>>, vector<16xf32>,
    %swap3A_45 = vector.shape_cast %swap3A_44 : vector<16xf32> to vector<16xf32>
    %swap3A_46 = vector.shape_cast %div3A_42 : vector<16xf32> to vector<16xf32>
    tpu.vector_store %arg9[%swap3A_43], %swap3A_46 {strides = array<i32>} : memref<128xf32, #tpu.memory_space<vmem>>, vector<16xf32>,
    %div3A_47 = arith.divf %scan3A_17#14, %scan3A_17#22 : vector<16xf32>
    %swap3A_48 = arith.constant 96 : index
    %swap3A_49 = tpu.vector_load %arg9[%swap3A_48] {strides = array<i32>} : memref<128xf32, #tpu.memory_space<vmem>>, vector<16xf32>,
    %swap3A_50 = vector.shape_cast %swap3A_49 : vector<16xf32> to vector<16xf32>
    %swap3A_51 = vector.shape_cast %div3A_47 : vector<16xf32> to vector<16xf32>
    tpu.vector_store %arg9[%swap3A_48], %swap3A_51 {strides = array<i32>} : memref<128xf32, #tpu.memory_space<vmem>>, vector<16xf32>,
    %div3A_52 = arith.divf %scan3A_17#15, %scan3A_17#23 : vector<16xf32>
    %swap3A_53 = arith.constant 112 : index
    %swap3A_54 = tpu.vector_load %arg9[%swap3A_53] {strides = array<i32>} : memref<128xf32, #tpu.memory_space<vmem>>, vector<16xf32>,
    %swap3A_55 = vector.shape_cast %swap3A_54 : vector<16xf32> to vector<16xf32>
    %swap3A_56 = vector.shape_cast %div3A_52 : vector<16xf32> to vector<16xf32>
    tpu.vector_store %arg9[%swap3A_53], %swap3A_56 {strides = array<i32>} : memref<128xf32, #tpu.memory_space<vmem>>, vector<16xf32>,
    %mul3A_57 = arith.constant 128 : i32
    %mul3A_58 = arith.muli %add3A, %mul3A_57 : i32
    "tpu.region"() ({
      %run_scoped3A = tpu.sem_alloc : memref<!tpu.dma_semaphore, #tpu.memory_space<semaphore_mem>>
      %dma_start3A = tpu.memref_slice %arg5[%mul3A_58] : memref<4096xf32, #tpu.memory_space<hbm>> -> memref<128xf32, #tpu.memory_space<hbm>>
      %dma_start3A_59 = tpu.memref_slice %arg5[%mul3A_58] : memref<4096xf32, #tpu.memory_space<hbm>> -> memref<128xf32, #tpu.memory_space<hbm>>
      tpu.enqueue_dma source(%arg9 : memref<128xf32, #tpu.memory_space<vmem>>) target(%dma_start3A_59 : memref<128xf32, #tpu.memory_space<hbm>>) target_semaphore(%run_scoped3A : memref<!tpu.dma_semaphore, #tpu.memory_space<semaphore_mem>>)
      %dma_wait3A = tpu.memref_slice %arg5[%mul3A_58] : memref<4096xf32, #tpu.memory_space<hbm>> -> memref<128xf32, #tpu.memory_space<hbm>>
      %dma_wait3A_60 = tpu.memref_slice %arg5[%mul3A_58] : memref<4096xf32, #tpu.memory_space<hbm>> -> memref<128xf32, #tpu.memory_space<hbm>>
      tpu.wait_dma2 semaphore(%run_scoped3A : memref<!tpu.dma_semaphore, #tpu.memory_space<semaphore_mem>>) src(%arg9 : memref<128xf32, #tpu.memory_space<vmem>>) dst(%dma_wait3A_60 : memref<128xf32, #tpu.memory_space<hbm>>)
      tpu.yield
    }) : () -> ()
    return
  }
}

module attributes {stable_mosaic.version = 14 : i64} {
  func.func @_proj_body(%arg0: i32, %arg1: memref<16384x128xf32, #tpu.memory_space<vmem>>, %arg2: memref<2x128xf32, #tpu.memory_space<vmem>>, %arg3: memref<16384xf32, #tpu.memory_space<vmem>>, %arg4: memref<16384xf32, #tpu.memory_space<vmem>>) attributes {dimension_semantics = [#tpu.dimension_semantics<arbitrary>], iteration_bounds = array<i64: 16>, scalar_prefetch = 0 : i64, scratch_operands = 0 : i64, tpu.core_type = #tpu.core_type<tc>, window_params = [{transform_indices = @transform_0, window_bounds = array<i64: 16384, 128>}, {pipeline_mode = #tpu.pipeline_mode<synchronous>, transform_indices = @transform_1, window_bounds = array<i64: 2, 128>}, {transform_indices = @transform_2, window_bounds = array<i64: 16384>}, {transform_indices = @transform_3, window_bounds = array<i64: 16384>}]} {
    %get3A = arith.constant 0 : index
    %get3A_0 = arith.constant 0 : index
    %get3A_1 = vector.load %arg1[%get3A, %get3A_0] : memref<16384x128xf32, #tpu.memory_space<vmem>>, vector<16384x128xf32>
    %get3A_2 = arith.constant 0 : index
    %get3A_3 = arith.constant 0 : index
    %get3A_4 = vector.load %arg2[%get3A_2, %get3A_3] : memref<2x128xf32, #tpu.memory_space<vmem>>, vector<2x128xf32>
    %dot_general3A = arith.constant dense<0.000000e+00> : vector<2x16384xf32>
    %dot_general3A_5 = tpu.matmul %get3A_4, %get3A_1, %dot_general3A {dimension_numbers = #tpu.dot_dimension_numbers<[1], [1], [0], [0], [0, 0, 1, 0], [], []>, transpose_lhs_hint = false} : vector<2x128xf32>, vector<16384x128xf32>, vector<2x16384xf32> -> vector<2x16384xf32>
    %slice3A = vector.extract_strided_slice %dot_general3A_5 {offsets = [0, 0], sizes = [1, 16384], strides = [1, 1]} : vector<2x16384xf32> to vector<1x16384xf32>
    %squeeze3A = vector.shape_cast %slice3A : vector<1x16384xf32> to vector<16384xf32>
    %swap3A = arith.constant 0 : index
    %swap3A_6 = vector.load %arg3[%swap3A] : memref<16384xf32, #tpu.memory_space<vmem>>, vector<16384xf32>
    tpu.vector_store %arg3[%swap3A], %squeeze3A {strides = array<i32>} : memref<16384xf32, #tpu.memory_space<vmem>>, vector<16384xf32>,
    %slice3A_7 = vector.extract_strided_slice %dot_general3A_5 {offsets = [1, 0], sizes = [1, 16384], strides = [1, 1]} : vector<2x16384xf32> to vector<1x16384xf32>
    %squeeze3A_8 = vector.shape_cast %slice3A_7 : vector<1x16384xf32> to vector<16384xf32>
    %swap3A_9 = arith.constant 0 : index
    %swap3A_10 = vector.load %arg4[%swap3A_9] : memref<16384xf32, #tpu.memory_space<vmem>>, vector<16384xf32>
    tpu.vector_store %arg4[%swap3A_9], %squeeze3A_8 {strides = array<i32>} : memref<16384xf32, #tpu.memory_space<vmem>>, vector<16384xf32>,
    return
  }
  func.func @transform_0(%arg0: i32) -> (i32, i32) {
    %c0_i32 = arith.constant 0 : i32
    %c0_i32_0 = arith.constant 0 : i32
    return %arg0, %c0_i32 : i32, i32
  }
  func.func @transform_1(%arg0: i32) -> (i32, i32) {
    %c0_i32 = arith.constant 0 : i32
    %c0_i32_0 = arith.constant 0 : i32
    %c0_i32_1 = arith.constant 0 : i32
    return %c0_i32, %c0_i32_0 : i32, i32
  }
  func.func @transform_2(%arg0: i32) -> i32 {
    %c0_i32 = arith.constant 0 : i32
    return %arg0 : i32
  }
  func.func @transform_3(%arg0: i32) -> i32 {
    %c0_i32 = arith.constant 0 : i32
    return %arg0 : i32
  }
}

</mosaic_0001>

<sc_bundles>
// kernel: kernel.4.cloned.1.call-start
scs
__scs_entry_jumppad:
0x0: {  	(pc) =	sbr.rel $0x88, $3  }
0x1: {  	(tag) =	ssettag $0x0;
	lr =	simm.s32 $0x1  }
0x2: {  	[smem:$0x3F9C] =	sst lr;
	_ =	strace $0xD0000000  }
0x3: {  	_ = 	snop  }
0x4: {  	_ = 	snop  }
0x5: {  	_ = 	snop  }
0x6: {  	_ = 	snop  }
0x7: {  	_ = 	snop  }
__scs_overlays_trampoline_lowered:
0x8: {  	[smem:$0x3FAB] =	sst s0  }
0x9: {  	[smem:$0x3FAC] =	sst s1  }
0xa: {  	[smem:$0x3FAD] =	sst s2  }
0xb: {  	[smem:$0x3FAE] =	sst s3  }
0xc: {  	[smem:$0x3FAF] =	sst s4  }
0xd: {  	[smem:$0x3FB0] =	sst s5  }
0xe: {  	[smem:$0x3FB1] =	sst s6  }
0xf: {  	[smem:$0x3FB2] =	sst s7  }
0x10: {  	[smem:$0x3FB3] =	sst s8  }
0x11: {  	[smem:$0x3FB4] =	sst s9;
	s0 =	simm.s32 @!p0 $0x0  }
0x12: {  	s1 =	sld [smem:$0x3F9A];
	s0 =	simm.s32 @p0 $0x1  }
0x13: {  	[smem:$0x3FB5] =	sst s0;
	s0 =	simm.s32 @!p1 $0x0  }
0x14: {  	s2 =	sld [smem:$0x3F99];
	s0 =	simm.s32 @p1 $0x1  }
0x15: {  	[smem:$0x3FB6] =	sst s0;
	s0 =	simm.s32 @!p2 $0x0  }
0x16: {  	s3 =	sld [smem:$0x3FDB];
	s0 =	simm.s32 @p2 $0x1  }
0x17: {  	s4 =	simm.s32 $0x1BF5;
	[smem:$0x3FB8] =	sst s0  }
0x18: {  	s0 =	sld [smem:$0x3F9B];
	_ =	swait.ge [sflag:s4], $0x0  }
0x19: {  	s7 =	sld [smem:$0x3F9C]  }
0x1a: {  	s8 =	sadd.s32 $0xFFFFE003, lr  }
0x1b: {  	s9 =	sadd.s32 $0xFFFFFEF7, lr;
	s5 =	simm.s32 $0xFFFFFFFF;
	p2 =	slt.u32 s8, $0xFFFFF086  }
0x1c: {  	p1 =	slt.u32 s9, $0xF7A;
	s5 =	simm.s32 @!p2 $0x0  }
0x1d: {  	s5 =	simm.s32 @p1 $0x1;
	p0 =	seq.s32 s7, s2  }
0x1e: {  	s7 =	smul.u32 @!p0 $0xF7A, s2;
	p2 =	seq.s32 @!p0 s5, $0x0  }
0x1f: {  	s9 =	smul.u32 $0xF7A, s1;
	s8 =	simm.s32 @!p0 $0x1BF5;
	p2 =	por !p2, p0  }
0x20: {  	[sflag:s8] =	ssyncset.s32 @!p0 $0xFFFFF086;
	s6 =	sadd.s32 @!p0 s3, s7;
	s7 =	simm.s32 @!p0 $0x108  }
0x21: {  	s3 =	sadd.s32 s3, s9;
	s6 =	sadd.s32 @!p0 $0x88, s6;
	s7 =	simm.s32 @p2 $0x1082  }
0x22: {  	[simem:s7], [sflag:s8] =	dma.local @!p0 [hbm:s6], $0xF7A  }
0x23: {  	s9 =	sor.u32 $0xD0000000, s2;
	s6 =	simm.s32 $0x108;
	_ =	swait.ge @!p0 [sflag:s8], $0x0  }
0x24: {  	s3 =	sadd.s32 $0x88, s3;
	s6 =	simm.s32 @!p1 $0x1082;
	[sflag:s4] =	ssyncset.s32 $0xFFFFF086  }
0x25: {  	[simem:s6], [sflag:s4] =	dma.local [hbm:s3], $0xF7A  }
0x26: {  	[smem:$0x3F9C] =	sst s1;
	(tag) =	ssettag s2;
	_ =	strace s9  }
0x27: {  	s1 =	sld [smem:$0x3FAC]  }
0x28: {  	s2 =	sld [smem:$0x3FAD]  }
0x29: {  	s4 =	sld [smem:$0x3FAF]  }
0x2a: {  	p0 =	seq.s32 s5, $0x0;
	s5 =	sld [smem:$0x3FB0]  }
0x2b: {  	s6 =	sld [smem:$0x3FB1]  }
0x2c: {  	s7 =	sld [smem:$0x3FB2]  }
0x2d: {  	s3 =	simm.s32 $0x108;
	s8 =	sld [smem:$0x3FB3]  }
0x2e: {  	s3 =	simm.s32 @!p0 $0x1082;
	s9 =	sld [smem:$0x3FB4]  }
0x2f: {  	lr =	sadd.s32 s0, s3;
	s0 =	sld [smem:$0x3FAB]  }
0x30: {  	s3 =	sld [smem:$0x3FAE]  }
0x31: {  	[smem:$0x3FB7] =	sst s10  }
0x32: {  	s10 =	sld [smem:$0x3FB5];
	_ =	sdelay $0x3  }
0x33: {  	p0 =	seq.s32 s10, $0x1;
	s10 =	sld [smem:$0x3FB7];
	_ =	sdelay $0x3  }
0x34: {  	[smem:$0x3FB7] =	sst s10  }
0x35: {  	s10 =	sld [smem:$0x3FB6];
	_ =	sdelay $0x3  }
0x36: {  	p1 =	seq.s32 s10, $0x1;
	s10 =	sld [smem:$0x3FB7];
	_ =	sdelay $0x3  }
0x37: {  	[smem:$0x3FB7] =	sst s10  }
0x38: {  	s10 =	sld [smem:$0x3FB8]  }
0x39: {  	_ = 	snop;
	(pc) =	sbr.ind lr, $3  }
0x3a: {  	_ = 	snop  }
0x3b: {  	_ = 	snop  }
0x3c: {  	p2 =	seq.s32 s10, $0x1;
	s10 =	sld [smem:$0x3FB7]  }
0x3d: {  	_ =	shalt  }
0x3e: {  	_ =	shalt  }
0x3f: {  	_ =	shalt  }
0x40: {  	_ =	shalt  }
0x41: {  	_ =	shalt  }
0x42: {  	_ =	shalt  }
0x43: {  	_ =	shalt  }
0x44: {  	_ =	shalt  }
0x45: {  	_ =	shalt  }
0x46: {  	_ =	shalt  }
0x47: {  	_ =	shalt  }
0x48: {  	_ =	shalt  }
0x49: {  	_ =	shalt  }
0x4a: {  	_ =	shalt  }
0x4b: {  	_ =	shalt  }
0x4c: {  	_ =	shalt  }
0x4d: {  	_ =	shalt  }
0x4e: {  	_ =	shalt  }
0x4f: {  	_ =	shalt  }
0x50: {  	_ =	shalt  }
0x51: {  	_ =	shalt  }
0x52: {  	_ =	shalt  }
0x53: {  	_ =	shalt  }
0x54: {  	_ =	shalt  }
0x55: {  	_ =	shalt  }
0x56: {  	_ =	shalt  }
0x57: {  	_ =	shalt  }
0x58: {  	_ =	shalt  }
0x59: {  	_ =	shalt  }
0x5a: {  	_ =	shalt  }
0x5b: {  	_ =	shalt  }
0x5c: {  	_ =	shalt  }
0x5d: {  	_ =	shalt  }
0x5e: {  	_ =	shalt  }
0x5f: {  	_ =	shalt  }
0x60: {  	_ =	shalt  }
0x61: {  	_ =	shalt  }
0x62: {  	_ =	shalt  }
0x63: {  	_ =	shalt  }
0x64: {  	_ =	shalt  }
0x65: {  	_ =	shalt  }
0x66: {  	_ =	shalt  }
0x67: {  	_ =	shalt  }
0x68: {  	_ =	shalt  }
0x69: {  	_ =	shalt  }
0x6a: {  	_ =	shalt  }
0x6b: {  	_ =	shalt  }
0x6c: {  	_ =	shalt  }
0x6d: {  	_ =	shalt  }
0x6e: {  	_ =	shalt  }
0x6f: {  	_ =	shalt  }
0x70: {  	_ =	shalt  }
0x71: {  	_ =	shalt  }
0x72: {  	_ =	shalt  }
0x73: {  	_ =	shalt  }
0x74: {  	_ =	shalt  }
0x75: {  	_ =	shalt  }
0x76: {  	_ =	shalt  }
0x77: {  	_ =	shalt  }
0x78: {  	_ =	shalt  }
0x79: {  	_ =	shalt  }
0x7a: {  	_ =	shalt  }
0x7b: {  	_ =	shalt  }
0x7c: {  	_ =	shalt  }
0x7d: {  	_ =	shalt  }
0x7e: {  	_ =	shalt  }
0x7f: {  	_ =	shalt  }
0x80: {  	_ =	shalt  }
0x81: {  	_ =	shalt  }
0x82: {  	_ =	shalt  }
0x83: {  	_ =	shalt  }
0x84: {  	_ =	shalt  }
0x85: {  	_ =	shalt  }
0x86: {  	_ =	shalt  }
0x87: {  	_ =	shalt  }
.Lfunc_end0:
.L_simem_size_0:
called_computation_lowered:
.L_overlay_start_0:
0x88: {  	s2 =	sld [smem:$0x3FD9]  }
0x89: {  	s3 =	sld [smem:$0x3FFE];
	_ =	sdelay $0x1  }
0x8a: {  	s1 =	srdreg.scid  }
0x8b: {  	s0 =	sand.u32 $0x1, s1  }
0x8c: {  	s17 =	sshll.u32 s0, $0xA;
	s2 =	sadd.s32 s3, s2  }
0x8d: {  	s2 =	sadd.s32 s2, s17  }
0x8e: {  	[smem:$0x3FC3] =	sst s2  }
0x8f: {  	_ = 	snop  }
0x90: {  	s2 =	sld [smem:$0x3FD0];
	(tm) =	ssettm $0x1  }
0x91: {  	s18 =	sld [smem:$0x3FFB];
	_ =	sdelay $0x3  }
0x92: {  	_ =	strace s18  }
0x93: {  	s3 =	sld [smem:$0x3FFC];
	_ =	sdelay $0x3  }
0x94: {  	_ =	strace s3  }
0x95: {  	s3 =	sld [smem:$0x3FFD];
	_ =	sdelay $0x3  }
0x96: {  	_ =	strace s3  }
0x97: {  	_ =	strace $0x8FFFFFFF  }
0x98: {  	s19 =	sld [smem:$0x3FDB];
	_ =	sdelay $0x1  }
0x99: {  	s4 =	simm.s32 $_scs_section_size  }
0x9a: {  	s5 =	simm.s32 $_size__tile_overlayer_lowered;
	s6 =	simm.s32 $_tile_overlayer_lowered  }
0x9b: {  	s22 =	simm.s32 $0x1BFF;
	s21 =	sshll.u32 s6, $0x1;
	s3 =	sadd.s32 s4, s19  }
0x9c: {  	s7 =	simm.s32 $0x0;
	s20 =	sshll.u32 s5, $0x1;
	s5 =	sadd.s32 s21, s3  }
0x9d: {  	[timem:s7], [sflag:s22] =	dma.local [hbm:s5], s20  }
0x9e: {  	_ =	swait.ge [sflag:s22], s20  }
0x9f: {  	s4 =	ssub.s32 $0x0, s20;
	[sflag:s22] =	ssyncset.done $0x0  }
0xa0: {  	[sflag:s22] =	ssyncadd.s32 s4;
	_ =	sdelay $0x1  }
0xa1: {  	s23 =	simm.s32 $0x1B8B  }
0xa2: {  	_ =	swait.ge [sflag:s23], $0x1  }
0xa3: {  	[sflag:s23] =	ssyncset.done $0x0  }
0xa4: {  	s25 =	simm.s32 $0x1B8E;
	s24 =	sld [smem:$0x3FFE];
	[sflag:s23] =	ssyncadd.s32 $0xFFFFFFFF  }
0xa5: {  	s26 =	simm.s32 $execute0_lowered;
	[smem:$0x3FD2] =	sst s25  }
0xa6: {  	s5 =	sshll.u32 s26, $0x1;
	_ =	strace $0x80000046;
	[dreg:$0x1] =	wrdreg $0xFFFFFFFF  }
0xa7: {  	s28 =	simm.s32 $_size_execute0_lowered;
	s3 =	sadd.s32 s3, s5;
	[dreg:$0x0] =	wrdreg $0x0  }
0xa8: {  	s5 =	sshll.u32 s28, $0x1;
	[dreg:$0x2] =	wrdreg s3  }
0xa9: {  	[dreg:$0x3] =	wrdreg s5  }
0xaa: {  	[dreg:$0x4] =	wrdreg $0xC0  }
0xab: {  	_ =	task [dreg:s7], $0x5FFFF  }
0xac: {  	[dreg:$0x1] =	wrdreg $0xFFFFFFFF  }
0xad: {  	[dreg:$0x0] =	wrdreg $0x60  }
0xae: {  	[dreg:$0x2] =	wrdreg s24  }
0xaf: {  	[dreg:$0x3] =	wrdreg s2  }
0xb0: {  	[dreg:$0x4] =	wrdreg $0x12C800  }
0xb1: {  	[dreg:$0x5] =	wrdreg $0x16C800  }
0xb2: {  	[dreg:$0x6] =	wrdreg $0x9  }
0xb3: {  	_ =	task.clear_ibuf [dreg:s7], $0x7FFFF;
	_ =	strace $0x90000046  }
0xb4: {  	s29 =	simm.s32 $0x9;
	_ =	strace $0x80000048  }
0xb5: {  	_ =	swait.ge [sflag:s29], $0x1  }
0xb6: {  	[sflag:s29] =	ssyncadd.s32 $0xFFFFFFFF  }
0xb7: {  	_ =	strace $0x90000048  }
0xb8: {  	_ =	sfence  }
0xb9: {  	s30 =	sld [smem:$0x0];
	_ =	sdelay $0x2  }
0xba: {  	s31 =	sshll.u32 s1, $0xD;
	s1 =	sshrl.u32 s1, $0x2  }
0xbb: {  	s3 =	sand.u32 $0x4000, s31;
	s1 =	sadd.s32 s1, s30  }
0xbc: {  	s0 =	sor.u32 s3, s0;
	s1 =	sshll.u32 s1, $0x11  }
0xbd: {  	s0 =	sor.u32 s1, s0  }
0xbe: {  	s0 =	sadd.s32 $0x8F2B, s0  }
0xbf: {  	[sflag:s0] =	ssyncadd.remote.s32 $0x1  }
0xc0: {  	_ =	sfence.sel $0xFFFF  }
0xc1: {  	[dreg:$0x0] =	wrdreg $0xFFFFFFFF;
	(pc) =	sbr.abs _section_cstart, $3  }
0xc2: {  	[dreg:$0x1] =	wrdreg $0xFFFFFFFF  }
0xc3: {  	_ =	task.clear_ibuf [dreg:s7], $0x2FFFF;
	_ =	strace $0x9FFFFFFF  }
0xc4: {  	(tm) =	ssettm $0x7FFFFFFF  }
0xc5: {  	_ =	shalt  }
tec
execute0_lowered:
.L_overlay_start_1:
0x0: {  	(tag) =	ssettag $0x1  }
0x1: {  	s5 =	rddreg [dreg:$0x0]  }
0x2: {  	s8 =	rddreg [dreg:$0x1]  }
0x3: {  	s2 =	rddreg [dreg:$0x2]  }
0x4: {  	s3 =	rddreg [dreg:$0x3]  }
0x5: {  	s0 =	rddreg [dreg:$0x4];
	s1 =	stileid.u32  }
0x6: {  	s6 =	srdreg.scid;
	s4 =	simm.s32 $0x0;
	s14 =	simm.s32 $0x80  }
0x7: {  	s15 =	simm.s32 $0x1;
	s16 =	simm.s32 $0x2;
	s17 =	simm.s32 $0x12C00  }
0x8: {  	s18 =	simm.s32 $0x0;
	s6 =	sand.u32 $0x1, s6;
	s7 =	sshll.u32 s1, $0x1  }
0x9: {  	[smem:$0x7FF] =	sst s4;
	s28 =	sshll.u32 s1, $0xB;
	s30 =	sshll.u32 s1, $0xE  }
0xa: {  	s31 =	sshll.u32 s1, $0x6;
	s9 =	sor.u32 s6, s7;
	s6 =	ssub.s32 $0x2, s6  }
0xb: {  	_ =	strace $0x80000047;
	s7 =	sadd.s32 s28, s5;
	s12 =	sadd.s32 s30, s2  }
0xc: {  	s13 =	sadd.s32 s30, s3;
	s10 =	smul.u32 $0xC80, s9;
	s11 =	sshrl.u32 s6, $0x1  }
0xd: {  	s9 =	sshll.u32 s9, $0x4;
	s12 =	sshrl.u32 s12, $0x3;
	s13 =	sshrl.u32 s13, $0x3  }
0xe: {  	s29 =	ssub.s32 s6, s11;
	s6 =	sadd.s32 $0x1A000, s7;
	s7 =	sadd.s32 $0x22000, s7  }
0xf: {  	s8 =	sadd.s32 s8, s9;
	s11 =	sor.u32 $0x1C03, s31;
	s5 =	sadd.s32 s10, s5  }
0x10: {  	s9 =	smax.u32 s29, $0x1;
	s10 =	simm.s32 $0x3;
	s5 =	sadd.s32 $0x1000, s5  }
.LBB2_1:
0x11: {  	[tilespmem:s4], [sflag:$0x3] =	stream.linear.gather [hbm4b:s5+s4], $0x6400, $0x38;
	[tilespmem:$0x1AC80] =	vst v63  }
0x12: {  	_ =	swait.ge [sflag:s10], $0x6400  }
0x13: {  	[sflag:s10] =	ssyncset.done $0x0  }
0x14: {  	[sflag:s10] =	ssyncadd.s32 $0xFFFF9C00  }
0x15: {  	[spmem:s12], [sflag:s11] =	dma.local [hbm:s6], $0x800  }
0x16: {  	v2 =	vimm.f32 $-Inf;
	v1 =	vimm.f32 $0.0e+00;
	v5 =	vimm.f32 $0.0e+00;
	_ =	swait.ge [sflag:s10], $0x800  }
0x17: {  	v8 =	vimm.f32 $0.0e+00;
	v13 =	vimm.f32 $0.0e+00;
	v14 =	vimm.f32 $0.0e+00;
	[sflag:s10] =	ssyncset.done $0x0  }
0x18: {  	v16 =	vimm.f32 $0.0e+00;
	v20 =	vimm.f32 $0.0e+00;
	v21 =	vimm.f32 $0.0e+00;
	[sflag:s10] =	ssyncadd.s32 $0xFFFFF800  }
0x19: {  	v0 =	vimm.f32 $0.0e+00;
	v4 =	vimm.f32 $0.0e+00;
	v6 =	vimm.f32 $0.0e+00;
	[spmem:s13], [sflag:s11] =	dma.local [hbm:s7], $0x800  }
0x1a: {  	v7 =	vimm.f32 $0.0e+00;
	v9 =	vimm.f32 $0.0e+00;
	v19 =	vimm.f32 $0.0e+00;
	_ =	swait.ge [sflag:s10], $0x800  }
0x1b: {  	v22 =	vimm.f32 $0.0e+00;
	v23 =	vimm.f32 $0.0e+00;
	v12 =	vimm.f32 $-Inf;
	[sflag:s10] =	ssyncset.done $0x0  }
0x1c: {  	v10 =	vimm.f32 $-Inf;
	v11 =	vimm.f32 $-Inf;
	v15 =	vimm.f32 $-Inf;
	[sflag:s10] =	ssyncadd.s32 $0xFFFFF800  }
0x1d: {  	s19 =	simm.s32 $0x0;
	v17 =	vimm.f32 $-Inf;
	v18 =	vimm.f32 $-Inf;
	v3 =	vimm.f32 $-Inf;
	[bflag:$0x0] =	sbarrier.arrive $0xFFFF  }
.LBB2_2:
0x1e: {  	s20 =	sshra.s32 s19, $0x2  }
0x1f: {  	s21 =	sadd.s32 $0x6400, s20  }
0x20: {  	[tilespmem:s21], [sflag:$0x1] =	stream.indirect.gather [spmem:s2], $0x1, s20, s14, $0xb8;
	[tilespmem:$0x1AC80] =	vst v63  }
0x21: {  	s29 =	sadd.s32 $0xC800, s20  }
0x22: {  	[tilespmem:s29], [sflag:$0x2] =	stream.indirect.gather [spmem:s3], $0x1, s20, s14, $0xb8;
	[tilespmem:$0x1AC80] =	vst v63  }
0x23: {  	s30 =	sadd.s32 $0x6480, s20;
	s22 =	sadd.s32 $0x80, s20  }
0x24: {  	[tilespmem:s30], [sflag:$0x1] =	stream.indirect.gather [spmem:s2], $0x1, s22, s14, $0xb8;
	[tilespmem:$0x1AC80] =	vst v63  }
0x25: {  	s31 =	sadd.s32 $0xC880, s20  }
0x26: {  	[tilespmem:s31], [sflag:$0x2] =	stream.indirect.gather [spmem:s3], $0x1, s22, s14, $0xb8;
	[tilespmem:$0x1AC80] =	vst v63  }
0x27: {  	s23 =	sadd.s32 $0x100, s20;
	s22 =	sadd.s32 $0x6500, s20  }
0x28: {  	[tilespmem:s22], [sflag:$0x1] =	stream.indirect.gather [spmem:s2], $0x1, s23, s14, $0xb8;
	[tilespmem:$0x1AC80] =	vst v63  }
0x29: {  	s24 =	sadd.s32 $0xC900, s20  }
0x2a: {  	[tilespmem:s24], [sflag:$0x2] =	stream.indirect.gather [spmem:s3], $0x1, s23, s14, $0xb8;
	[tilespmem:$0x1AC80] =	vst v63  }
0x2b: {  	s25 =	sadd.s32 $0x6580, s20;
	s26 =	sadd.s32 $0x180, s20  }
0x2c: {  	[tilespmem:s25], [sflag:$0x1] =	stream.indirect.gather [spmem:s2], $0x1, s26, s14, $0xb8;
	[tilespmem:$0x1AC80] =	vst v63  }
0x2d: {  	s28 =	sadd.s32 $0xC980, s20  }
0x2e: {  	[tilespmem:s28], [sflag:$0x2] =	stream.indirect.gather [spmem:s3], $0x1, s26, s14, $0xb8;
	[tilespmem:$0x1AC80] =	vst v63  }
0x2f: {  	s29 =	sadd.s32 $0x6600, s20;
	s30 =	sadd.s32 $0x200, s20  }
0x30: {  	[tilespmem:s29], [sflag:$0x1] =	stream.indirect.gather [spmem:s2], $0x1, s30, s14, $0xb8;
	[tilespmem:$0x1AC80] =	vst v63  }
0x31: {  	s31 =	sadd.s32 $0xCA00, s20  }
0x32: {  	[tilespmem:s31], [sflag:$0x2] =	stream.indirect.gather [spmem:s3], $0x1, s30, s14, $0xb8;
	[tilespmem:$0x1AC80] =	vst v63  }
0x33: {  	s22 =	sadd.s32 $0x6680, s20;
	s23 =	sadd.s32 $0x280, s20  }
0x34: {  	[tilespmem:s22], [sflag:$0x1] =	stream.indirect.gather [spmem:s2], $0x1, s23, s14, $0xb8;
	[tilespmem:$0x1AC80] =	vst v63  }
0x35: {  	s24 =	sadd.s32 $0xCA80, s20  }
0x36: {  	[tilespmem:s24], [sflag:$0x2] =	stream.indirect.gather [spmem:s3], $0x1, s23, s14, $0xb8;
	[tilespmem:$0x1AC80] =	vst v63  }
0x37: {  	s25 =	sadd.s32 $0x6700, s20;
	s26 =	sadd.s32 $0x300, s20  }
0x38: {  	[tilespmem:s25], [sflag:$0x1] =	stream.indirect.gather [spmem:s2], $0x1, s26, s14, $0xb8;
	[tilespmem:$0x1AC80] =	vst v63  }
0x39: {  	s28 =	sadd.s32 $0xCB00, s20  }
0x3a: {  	[tilespmem:s28], [sflag:$0x2] =	stream.indirect.gather [spmem:s3], $0x1, s26, s14, $0xb8;
	[tilespmem:$0x1AC80] =	vst v63  }
0x3b: {  	s29 =	sadd.s32 $0x6780, s20;
	s30 =	sadd.s32 $0x380, s20  }
0x3c: {  	[tilespmem:s29], [sflag:$0x1] =	stream.indirect.gather [spmem:s2], $0x1, s30, s14, $0xb8;
	[tilespmem:$0x1AC80] =	vst v63  }
0x3d: {  	s31 =	sadd.s32 $0xCB80, s20  }
0x3e: {  	[tilespmem:s31], [sflag:$0x2] =	stream.indirect.gather [spmem:s3], $0x1, s30, s14, $0xb8;
	[tilespmem:$0x1AC80] =	vst v63  }
0x3f: {  	_ =	swait.ge [sflag:s15], $0x80  }
0x40: {  	[sflag:s15] =	ssyncset.done $0x0  }
0x41: {  	[sflag:s15] =	ssyncadd.s32 $0xFFFFFF80  }
0x42: {  	_ =	swait.ge [sflag:s16], $0x80  }
0x43: {  	[sflag:s16] =	ssyncset.done $0x0  }
0x44: {  	[sflag:s16] =	ssyncadd.s32 $0xFFFFFF80  }
0x45: {  	_ =	swait.ge [sflag:s15], $0x80  }
0x46: {  	[sflag:s15] =	ssyncset.done $0x0  }
0x47: {  	[sflag:s15] =	ssyncadd.s32 $0xFFFFFF80  }
0x48: {  	_ =	swait.ge [sflag:s16], $0x80  }
0x49: {  	[sflag:s16] =	ssyncset.done $0x0  }
0x4a: {  	[sflag:s16] =	ssyncadd.s32 $0xFFFFFF80  }
0x4b: {  	_ =	swait.ge [sflag:s15], $0x80  }
0x4c: {  	[sflag:s15] =	ssyncset.done $0x0  }
0x4d: {  	[sflag:s15] =	ssyncadd.s32 $0xFFFFFF80  }
0x4e: {  	_ =	swait.ge [sflag:s16], $0x80  }
0x4f: {  	[sflag:s16] =	ssyncset.done $0x0  }
0x50: {  	[sflag:s16] =	ssyncadd.s32 $0xFFFFFF80  }
0x51: {  	_ =	swait.ge [sflag:s15], $0x80  }
0x52: {  	[sflag:s15] =	ssyncset.done $0x0  }
0x53: {  	[sflag:s15] =	ssyncadd.s32 $0xFFFFFF80  }
0x54: {  	_ =	swait.ge [sflag:s16], $0x80  }
0x55: {  	[sflag:s16] =	ssyncset.done $0x0  }
0x56: {  	[sflag:s16] =	ssyncadd.s32 $0xFFFFFF80  }
0x57: {  	_ =	swait.ge [sflag:s15], $0x80  }
0x58: {  	[sflag:s15] =	ssyncset.done $0x0  }
0x59: {  	[sflag:s15] =	ssyncadd.s32 $0xFFFFFF80  }
0x5a: {  	_ =	swait.ge [sflag:s16], $0x80  }
0x5b: {  	[sflag:s16] =	ssyncset.done $0x0  }
0x5c: {  	[sflag:s16] =	ssyncadd.s32 $0xFFFFFF80  }
0x5d: {  	_ =	swait.ge [sflag:s15], $0x80  }
0x5e: {  	[sflag:s15] =	ssyncset.done $0x0  }
0x5f: {  	[sflag:s15] =	ssyncadd.s32 $0xFFFFFF80  }
0x60: {  	_ =	swait.ge [sflag:s16], $0x80  }
0x61: {  	[sflag:s16] =	ssyncset.done $0x0  }
0x62: {  	[sflag:s16] =	ssyncadd.s32 $0xFFFFFF80  }
0x63: {  	_ =	swait.ge [sflag:s15], $0x80  }
0x64: {  	[sflag:s15] =	ssyncset.done $0x0  }
0x65: {  	[sflag:s15] =	ssyncadd.s32 $0xFFFFFF80  }
0x66: {  	_ =	swait.ge [sflag:s16], $0x80  }
0x67: {  	[sflag:s16] =	ssyncset.done $0x0  }
0x68: {  	[sflag:s16] =	ssyncadd.s32 $0xFFFFFF80  }
0x69: {  	_ =	swait.ge [sflag:s15], $0x80  }
0x6a: {  	[sflag:s15] =	ssyncset.done $0x0  }
0x6b: {  	[sflag:s15] =	ssyncadd.s32 $0xFFFFFF80  }
0x6c: {  	_ =	swait.ge [sflag:s16], $0x80  }
0x6d: {  	[sflag:s16] =	ssyncset.done $0x0  }
0x6e: {  	[sflag:s16] =	ssyncadd.s32 $0xFFFFFF80  }
0x6f: {  	v24 =	vld [tilespmem:s20+$0x6400];
	_ =	sdelay $0x1  }
0x70: {  	v25 =	vld [tilespmem:s20+$0x6410];
	_ =	sdelay $0x2  }
0x71: {  	v27 =	vld [tilespmem:s20+$0x6420];
	v26 =	vmax.f32 v3, v24  }
0x72: {  	v3 =	vsub.f32 v3, v26  }
0x73: {  	v48 =	vmax.f32 v18, v25;
	v28 =	vsub.f32 v24, v26  }
0x74: {  	v18 =	vsub.f32 v18, v48;
	v3 =	vmul.f32 $1.442695020e+00, v3  }
0x75: {  	v25 =	vsub.f32 v25, v48;
	v28 =	vmul.f32 $1.442695020e+00, v28  }
0x76: {  	(erf) = vpow2.f32 v3;
	v3 =	vmul.f32 $1.442695020e+00, v18;
	v18 =	vmax.f32 v17, v27  }
0x77: {  	v17 =	vsub.f32 v17, v18  }
0x78: {  	v25 =	vmul.f32 $1.442695020e+00, v25;
	(erf) = vpow2.f32 v28  }
0x79: {  	(erf) = vpow2.f32 v3;
	v3 =	vmul.f32 $1.442695020e+00, v17  }
0x7a: {  	(erf) = vpow2.f32 v25  }
0x7b: {  	(erf) = vpow2.f32 v3;
	v3 =	vld [tilespmem:s20+$0x6430];
	_ =	sdelay $0x1  }
0x7c: {  	v29 =	vld [tilespmem:s20+$0x6440]  }
0x7d: {  	v33 =	vld [tilespmem:s20+$0x6450];
	v27 =	vsub.f32 v27, v18;
	_ =	sdelay $0x1  }
0x7e: {  	v17 =	vld [tilespmem:s20+$0xC800];
	v27 =	vmul.f32 $1.442695020e+00, v27;
	v32 =	vmax.f32 v15, v3  }
0x7f: {  	v15 =	vsub.f32 v15, v32  }
0x80: {  	v34 =	vmax.f32 v11, v29;
	(erf) = vpow2.f32 v27;
	v50 =	vpop (erf);
	v3 =	vsub.f32 v3, v32  }
0x81: {  	v52 =	vld [tilespmem:s20+$0x6460];
	v54 =	vmax.f32 v10, v33;
	v23 =	vmul.f32 v50, v23;
	v15 =	vmul.f32 $1.442695020e+00, v15  }
0x82: {  	v11 =	vsub.f32 v11, v34;
	v30 =	vpop (erf);
	v21 =	vmul.f32 v50, v21;
	v3 =	vmul.f32 $1.442695020e+00, v3  }
0x83: {  	v17 =	vmul.f32 v30, v17;
	(erf) = vpow2.f32 v15;
	v15 =	vsub.f32 v29, v34  }
0x84: {  	v35 =	vld [tilespmem:s20+$0x6470];
	v33 =	vsub.f32 v33, v54;
	v31 =	vpop (erf);
	(erf) = vpow2.f32 v3;
	v3 =	vmul.f32 $1.442695020e+00, v11  }
0x85: {  	v22 =	vmul.f32 v31, v22;
	v11 =	vsub.f32 v10, v54;
	v15 =	vmul.f32 $1.442695020e+00, v15  }
0x86: {  	v36 =	vld [tilespmem:s20+$0xC820];
	v51 =	vpop (erf);
	v20 =	vmul.f32 v31, v20;
	v10 =	vmax.f32 v12, v52;
	(erf) = vpow2.f32 v3  }
0x87: {  	v53 =	vpop (erf);
	v3 =	vmul.f32 $1.442695020e+00, v11;
	v11 =	vsub.f32 v12, v10;
	(erf) = vpow2.f32 v15  }
0x88: {  	v49 =	vld [tilespmem:s20+$0xC810];
	v19 =	vmul.f32 v53, v19;
	v12 =	vmul.f32 $1.442695020e+00, v33;
	v15 =	vsub.f32 v52, v10  }
0x89: {  	(erf) = vpow2.f32 v3;
	v11 =	vmul.f32 $1.442695020e+00, v11;
	v3 =	vmax.f32 v2, v35  }
0x8a: {  	v56 =	vld [tilespmem:s20+$0xC830];
	v55 =	vpop (erf);
	(erf) = vpow2.f32 v12;
	v12 =	vmul.f32 $1.442695020e+00, v15;
	v2 =	vsub.f32 v2, v3  }
0x8b: {  	v57 =	vld [tilespmem:s20+$0x6480];
	v15 =	vmul.f32 v55, v36;
	(erf) = vpow2.f32 v11;
	v11 =	vsub.f32 v35, v3  }
0x8c: {  	(erf) = vpow2.f32 v12;
	v2 =	vmul.f32 $1.442695020e+00, v2;
	v12 =	vadd.f32 v21, v30;
	v21 =	vld [tilespmem:s20+$0xC840]  }
0x8d: {  	v25 =	vmul.f32 v51, v49;
	v17 =	vadd.f32 v17, v23;
	v11 =	vmul.f32 $1.442695020e+00, v11;
	v23 =	vpop (erf)  }
0x8e: {  	v15 =	vadd.f32 v15, v19;
	(erf) = vpow2.f32 v2;
	v19 =	vpop (erf);
	v9 =	vmul.f32 v23, v9  }
0x8f: {  	v58 =	vld [tilespmem:s20+$0xC850];
	(erf) = vpow2.f32 v11;
	v11 =	vmul.f32 v19, v56;
	v59 =	vpop (erf)  }
0x90: {  	v60 =	vld [tilespmem:s20+$0xC860];
	v20 =	vadd.f32 v20, v51;
	v2 =	vmax.f32 v26, v57;
	v14 =	vmul.f32 v23, v14;
	v23 =	vpop (erf)  }
0x91: {  	v63 =	vld [tilespmem:s20+$0x6490];
	v26 =	vsub.f32 v26, v2;
	v9 =	vadd.f32 v11, v9;
	v11 =	vmul.f32 v23, v21  }
0x92: {  	v36 =	vld [tilespmem:s20+$0x64A0];
	v62 =	vsub.f32 v57, v2;
	v7 =	vmul.f32 v59, v7;
	v13 =	vmul.f32 v59, v13;
	v21 =	vpop (erf)  }
0x93: {  	v22 =	vadd.f32 v25, v22;
	v26 =	vmul.f32 $1.442695020e+00, v26;
	v61 =	vpop (erf);
	v6 =	vmul.f32 v21, v6  }
0x94: {  	v33 =	vld [tilespmem:s20+$0xC870];
	v14 =	vadd.f32 v14, v19;
	v35 =	vmul.f32 $1.442695020e+00, v62;
	v8 =	vmul.f32 v21, v8;
	v21 =	vpop (erf)  }
0x95: {  	(erf) = vpow2.f32 v26;
	v19 =	vmul.f32 v61, v58;
	v7 =	vadd.f32 v11, v7;
	v11 =	vpop (erf)  }
0x96: {  	v13 =	vadd.f32 v13, v23;
	v4 =	vmul.f32 v21, v4;
	v23 =	vmul.f32 v11, v60  }
0x97: {  	v28 =	vmax.f32 v18, v36;
	v26 =	vmax.f32 v48, v63;
	v19 =	vadd.f32 v19, v6;
	v6 =	vpop (erf)  }
0x98: {  	(erf) = vpow2.f32 v35;
	v23 =	vadd.f32 v23, v4;
	v4 =	vmul.f32 v21, v5;
	v21 =	vpop (erf);
	v5 =	vld [tilespmem:s20+$0x64B0]  }
0x99: {  	v24 =	vsub.f32 v48, v26;
	v0 =	vmul.f32 v6, v0;
	v25 =	vmul.f32 v21, v33  }
0x9a: {  	v16 =	vmul.f32 v53, v16;
	v18 =	vsub.f32 v18, v28;
	v37 =	vsub.f32 v63, v26  }
0x9b: {  	v38 =	vld [tilespmem:s20+$0x64C0];
	v11 =	vadd.f32 v4, v11;
	v4 =	vadd.f32 v25, v0;
	v0 =	vmul.f32 $1.442695020e+00, v24  }
0x9c: {  	v40 =	vsub.f32 v36, v28;
	v39 =	vmul.f32 $1.442695020e+00, v37;
	v1 =	vmul.f32 v6, v1  }
0x9d: {  	v6 =	vld [tilespmem:s20+$0xC880];
	(erf) = vpow2.f32 v0;
	v0 =	vmul.f32 $1.442695020e+00, v18;
	v18 =	vmax.f32 v32, v5  }
0x9e: {  	v41 =	vld [tilespmem:s20+$0x64D0];
	v16 =	vadd.f32 v16, v55;
	(erf) = vpow2.f32 v39;
	v44 =	vsub.f32 v32, v18  }
0x9f: {  	v43 =	vmul.f32 $1.442695020e+00, v40;
	v42 =	vpop (erf);
	(erf) = vpow2.f32 v0;
	v0 =	vsub.f32 v5, v18  }
0xa0: {  	v25 =	vmax.f32 v34, v38;
	v17 =	vmul.f32 v42, v17;
	v5 =	vmul.f32 $1.442695020e+00, v44  }
0xa1: {  	v45 =	vpop (erf);
	v46 =	vsub.f32 v34, v25;
	(erf) = vpow2.f32 v43;
	v0 =	vmul.f32 $1.442695020e+00, v0  }
0xa2: {  	v24 =	vsub.f32 v38, v25;
	v6 =	vmul.f32 v45, v6;
	(erf) = vpow2.f32 v5  }
0xa3: {  	v47 =	vld [tilespmem:s20+$0x64E0];
	v5 =	vmax.f32 v54, v41;
	(erf) = vpow2.f32 v0;
	v0 =	vmul.f32 $1.442695020e+00, v46  }
0xa4: {  	v40 =	vld [tilespmem:s20+$0x6520];
	v12 =	vmul.f32 v42, v12;
	v49 =	vsub.f32 v54, v5;
	v50 =	vsub.f32 v41, v5  }
0xa5: {  	v57 =	vld [tilespmem:s20+$0x64F0];
	v1 =	vadd.f32 v1, v21;
	v24 =	vmul.f32 $1.442695020e+00, v24;
	(erf) = vpow2.f32 v0  }
0xa6: {  	v21 =	vld [tilespmem:s20+$0xC8A0];
	v17 =	vadd.f32 v6, v17;
	v0 =	vmul.f32 $1.442695020e+00, v49;
	v51 =	vmul.f32 $1.442695020e+00, v50;
	v6 =	vpop (erf)  }
0xa7: {  	v48 =	vld [tilespmem:s20+$0xC890];
	v8 =	vadd.f32 v8, v61;
	(erf) = vpow2.f32 v24;
	v22 =	vmul.f32 v6, v22  }
0xa8: {  	v55 =	vld [tilespmem:s20+$0xC8B0];
	v52 =	vpop (erf);
	(erf) = vpow2.f32 v0;
	v0 =	vmax.f32 v10, v47;
	v6 =	vmul.f32 v6, v20  }
0xa9: {  	v12 =	vadd.f32 v12, v45;
	v32 =	vmax.f32 v28, v40;
	v54 =	vpop (erf);
	v10 =	vsub.f32 v10, v0  }
0xaa: {  	(erf) = vpow2.f32 v51;
	v20 =	vpop (erf);
	v15 =	vmul.f32 v54, v15;
	v27 =	vadd.f32 v6, v52  }
0xab: {  	v6 =	vmax.f32 v3, v57;
	v21 =	vmul.f32 v20, v21;
	v10 =	vmul.f32 $1.442695020e+00, v10;
	v58 =	vpop (erf)  }
0xac: {  	v53 =	vmul.f32 v52, v48;
	v56 =	vsub.f32 v47, v0;
	v3 =	vsub.f32 v3, v6;
	v60 =	vpop (erf)  }
0xad: {  	(erf) = vpow2.f32 v10;
	v10 =	vadd.f32 v21, v15;
	v21 =	vld [tilespmem:s20+$0x6500];
	v15 =	vmul.f32 v60, v55  }
0xae: {  	v59 =	vld [tilespmem:s20+$0xC8C0];
	v30 =	vsub.f32 v40, v32;
	v16 =	vmul.f32 v54, v16;
	v24 =	vmul.f32 $1.442695020e+00, v56  }
0xaf: {  	v37 =	vld [tilespmem:s20+$0x6510];
	v22 =	vadd.f32 v53, v22;
	v9 =	vmul.f32 v58, v9;
	v3 =	vmul.f32 $1.442695020e+00, v3  }
0xb0: {  	v61 =	vld [tilespmem:s20+$0xC8D0];
	v36 =	vsub.f32 v57, v6;
	v16 =	vadd.f32 v16, v20;
	(erf) = vpow2.f32 v24;
	v20 =	vpop (erf)  }
0xb1: {  	v14 =	vmul.f32 v58, v14;
	(erf) = vpow2.f32 v3;
	v9 =	vadd.f32 v15, v9;
	v15 =	vpop (erf)  }
0xb2: {  	v3 =	vmul.f32 $1.442695020e+00, v36;
	v7 =	vmul.f32 v20, v7;
	v34 =	vmax.f32 v2, v21;
	v63 =	vpop (erf)  }
0xb3: {  	v13 =	vmul.f32 v20, v13;
	v2 =	vsub.f32 v2, v34;
	v19 =	vmul.f32 v63, v19  }
0xb4: {  	v24 =	vmax.f32 v26, v37;
	(erf) = vpow2.f32 v3;
	v62 =	vmul.f32 v15, v59;
	v20 =	vpop (erf)  }
0xb5: {  	v14 =	vadd.f32 v14, v60;
	v38 =	vmul.f32 v20, v61;
	v2 =	vmul.f32 $1.442695020e+00, v2  }
0xb6: {  	v13 =	vadd.f32 v13, v15;
	v21 =	vsub.f32 v21, v34;
	v8 =	vmul.f32 v63, v8  }
0xb7: {  	v42 =	vld [tilespmem:s20+$0x6530];
	v15 =	vadd.f32 v38, v19;
	(erf) = vpow2.f32 v2;
	v2 =	vsub.f32 v26, v24;
	v19 =	vpop (erf)  }
0xb8: {  	v43 =	vld [tilespmem:s20+$0x6540];
	v31 =	vsub.f32 v37, v24;
	v21 =	vmul.f32 $1.442695020e+00, v21;
	v23 =	vmul.f32 v19, v23  }
0xb9: {  	v39 =	vld [tilespmem:s20+$0xC8E0];
	v11 =	vmul.f32 v19, v11;
	v2 =	vmul.f32 $1.442695020e+00, v2;
	v19 =	vsub.f32 v28, v32  }
0xba: {  	v7 =	vadd.f32 v62, v7;
	(erf) = vpow2.f32 v21;
	v21 =	vmul.f32 $1.442695020e+00, v31  }
0xbb: {  	v8 =	vadd.f32 v8, v20;
	(erf) = vpow2.f32 v2;
	v2 =	vmul.f32 $1.442695020e+00, v19  }
0xbc: {  	v20 =	vmul.f32 $1.442695020e+00, v30;
	(erf) = vpow2.f32 v21;
	v21 =	vmax.f32 v18, v42  }
0xbd: {  	v44 =	vld [tilespmem:s20+$0xC8F0];
	v26 =	vmax.f32 v25, v43;
	v3 =	vpop (erf);
	(erf) = vpow2.f32 v2;
	v2 =	vsub.f32 v18, v21  }
0xbe: {  	v41 =	vmul.f32 v3, v39;
	v19 =	vpop (erf);
	v18 =	vld [tilespmem:s20+$0x6550];
	(erf) = vpow2.f32 v20;
	v20 =	vsub.f32 v42, v21  }
0xbf: {  	v25 =	vsub.f32 v25, v26;
	v4 =	vmul.f32 v19, v4;
	v2 =	vmul.f32 $1.442695020e+00, v2  }
0xc0: {  	v47 =	vld [tilespmem:s20+$0xC900];
	v49 =	vsub.f32 v43, v26;
	v19 =	vmul.f32 v19, v1;
	v1 =	vmul.f32 $1.442695020e+00, v20  }
0xc1: {  	v11 =	vadd.f32 v11, v3;
	v45 =	vpop (erf);
	(erf) = vpow2.f32 v2;
	v2 =	vmul.f32 $1.442695020e+00, v25  }
0xc2: {  	v48 =	vld [tilespmem:s20+$0xC910];
	v23 =	vadd.f32 v41, v23;
	v46 =	vmul.f32 v45, v44;
	v20 =	vpop (erf);
	(erf) = vpow2.f32 v1  }
0xc3: {  	v1 =	vmax.f32 v5, v18;
	v50 =	vpop (erf);
	(erf) = vpow2.f32 v2;
	v2 =	vmul.f32 $1.442695020e+00, v49  }
0xc4: {  	v51 =	vld [tilespmem:s20+$0xC920];
	v17 =	vmul.f32 v20, v17;
	v5 =	vsub.f32 v5, v1;
	v12 =	vmul.f32 v20, v12;
	v20 =	vpop (erf)  }
0xc5: {  	v25 =	vadd.f32 v46, v4;
	v3 =	vmul.f32 v50, v47;
	v4 =	vpop (erf);
	(erf) = vpow2.f32 v2  }
0xc6: {  	v19 =	vadd.f32 v19, v45;
	v2 =	vmul.f32 $1.442695020e+00, v5;
	v5 =	vmul.f32 v20, v22;
	v52 =	vpop (erf)  }
0xc7: {  	v53 =	vld [tilespmem:s20+$0x6560];
	v22 =	vmul.f32 v4, v48;
	v17 =	vadd.f32 v3, v17;
	v3 =	vmul.f32 v52, v10  }
0xc8: {  	v55 =	vld [tilespmem:s20+$0xC930];
	v20 =	vmul.f32 v20, v27;
	v54 =	vpop (erf);
	(erf) = vpow2.f32 v2;
	v2 =	vsub.f32 v18, v1  }
0xc9: {  	v16 =	vmul.f32 v52, v16;
	v10 =	vmul.f32 v54, v51;
	v18 =	vadd.f32 v22, v5;
	v5 =	vld [tilespmem:s20+$0x6570]  }
0xca: {  	v41 =	vld [tilespmem:s20+$0x65A0];
	v12 =	vadd.f32 v12, v50;
	v20 =	vadd.f32 v20, v4;
	v2 =	vmul.f32 $1.442695020e+00, v2  }
0xcb: {  	v4 =	vld [tilespmem:s20+$0xC940];
	v16 =	vadd.f32 v16, v54;
	v10 =	vadd.f32 v10, v3;
	v3 =	vpop (erf)  }
0xcc: {  	(erf) = vpow2.f32 v2;
	v2 =	vmax.f32 v0, v53;
	v22 =	vpop (erf);
	v9 =	vmul.f32 v3, v9  }
0xcd: {  	v58 =	vld [tilespmem:s20+$0x6580];
	v0 =	vsub.f32 v0, v2;
	v14 =	vmul.f32 v3, v14;
	v30 =	vsub.f32 v53, v2;
	v57 =	vpop (erf)  }
0xce: {  	v56 =	vmul.f32 v22, v55;
	v3 =	vmax.f32 v6, v5;
	v7 =	vmul.f32 v57, v7  }
0xcf: {  	v60 =	vld [tilespmem:s20+$0x6590];
	v59 =	vpop (erf);
	v0 =	vmul.f32 $1.442695020e+00, v0;
	v13 =	vmul.f32 v57, v13;
	v14 =	vadd.f32 v14, v22  }
0xd0: {  	v22 =	vmax.f32 v32, v41;
	v61 =	vmul.f32 v59, v4;
	v4 =	vsub.f32 v6, v3  }
0xd1: {  	v6 =	vsub.f32 v5, v3;
	(erf) = vpow2.f32 v0;
	v0 =	vmul.f32 $1.442695020e+00, v30  }
0xd2: {  	v5 =	vmax.f32 v34, v58;
	v9 =	vadd.f32 v56, v9;
	v4 =	vmul.f32 $1.442695020e+00, v4  }
0xd3: {  	v40 =	vsub.f32 v34, v5;
	(erf) = vpow2.f32 v0;
	v0 =	vmul.f32 $1.442695020e+00, v6  }
0xd4: {  	v6 =	vmax.f32 v24, v60;
	(erf) = vpow2.f32 v4;
	v4 =	vsub.f32 v58, v5  }
0xd5: {  	v43 =	vld [tilespmem:s20+$0x65B0];
	v63 =	vpop (erf);
	v24 =	vsub.f32 v24, v6;
	(erf) = vpow2.f32 v0;
	v0 =	vmul.f32 $1.442695020e+00, v40  }
0xd6: {  	v62 =	vld [tilespmem:s20+$0xC950];
	v34 =	vsub.f32 v41, v22;
	v15 =	vmul.f32 v63, v15;
	v4 =	vmul.f32 $1.442695020e+00, v4  }
0xd7: {  	v36 =	vld [tilespmem:s20+$0x65E0];
	v13 =	vadd.f32 v13, v59;
	(erf) = vpow2.f32 v0;
	v0 =	vmul.f32 $1.442695020e+00, v24  }
0xd8: {  	v8 =	vmul.f32 v63, v8;
	v42 =	vpop (erf);
	(erf) = vpow2.f32 v4;
	v4 =	vsub.f32 v60, v6  }
0xd9: {  	v45 =	vld [tilespmem:s20+$0x65C0];
	v7 =	vadd.f32 v61, v7;
	(erf) = vpow2.f32 v0;
	v0 =	vsub.f32 v32, v22  }
0xda: {  	v48 =	vmul.f32 $1.442695020e+00, v34;
	v33 =	vmul.f32 $1.442695020e+00, v4;
	v4 =	vmax.f32 v21, v43  }
0xdb: {  	v44 =	vmul.f32 v42, v62;
	v0 =	vmul.f32 $1.442695020e+00, v0;
	v21 =	vsub.f32 v21, v4  }
0xdc: {  	v8 =	vadd.f32 v8, v42;
	v62 =	vld [tilespmem:s20+$0x65D0];
	v32 =	vmax.f32 v2, v36;
	(erf) = vpow2.f32 v33  }
0xdd: {  	v46 =	vld [tilespmem:s20+$0xC960];
	v47 =	vpop (erf);
	v2 =	vsub.f32 v2, v32;
	(erf) = vpow2.f32 v0;
	v21 =	vmul.f32 $1.442695020e+00, v21  }
0xde: {  	v30 =	vsub.f32 v43, v4;
	v0 =	vmax.f32 v26, v45;
	(erf) = vpow2.f32 v48  }
0xdf: {  	v23 =	vmul.f32 v47, v23;
	v50 =	vpop (erf);
	(erf) = vpow2.f32 v21;
	v21 =	vsub.f32 v26, v0  }
0xe0: {  	v49 =	vld [tilespmem:s20+$0xC970];
	v15 =	vadd.f32 v44, v15;
	v11 =	vmul.f32 v47, v11;
	v30 =	vmul.f32 $1.442695020e+00, v30  }
0xe1: {  	v31 =	vmax.f32 v1, v62;
	v2 =	vmul.f32 $1.442695020e+00, v2;
	v51 =	vpop (erf);
	v21 =	vmul.f32 $1.442695020e+00, v21  }
0xe2: {  	v1 =	vsub.f32 v1, v31;
	v29 =	vmul.f32 v50, v46;
	v53 =	vpop (erf);
	(erf) = vpow2.f32 v30  }
0xe3: {  	v52 =	vld [tilespmem:s20+$0xC980];
	v24 =	vsub.f32 v45, v0;
	v25 =	vmul.f32 v51, v25;
	v56 =	vpop (erf);
	(erf) = vpow2.f32 v21  }
0xe4: {  	v42 =	vsub.f32 v62, v31;
	v19 =	vmul.f32 v51, v19;
	v1 =	vmul.f32 $1.442695020e+00, v1  }
0xe5: {  	v11 =	vadd.f32 v11, v50;
	v55 =	vmul.f32 v53, v49;
	v24 =	vmul.f32 $1.442695020e+00, v24;
	v57 =	vpop (erf)  }
0xe6: {  	v54 =	vld [tilespmem:s20+$0xC990];
	v26 =	vsub.f32 v36, v32;
	v17 =	vmul.f32 v56, v17;
	v21 =	vadd.f32 v29, v23;
	v23 =	vpop (erf)  }
0xe7: {  	v58 =	vld [tilespmem:s20+$0xC9A0];
	v19 =	vadd.f32 v19, v53;
	v12 =	vmul.f32 v56, v12;
	(erf) = vpow2.f32 v24;
	v61 =	vpop (erf)  }
0xe8: {  	v40 =	vld [tilespmem:s20+$0x65F0];
	v25 =	vadd.f32 v55, v25;
	v60 =	vmul.f32 v57, v52;
	v18 =	vmul.f32 v23, v18;
	v34 =	vpop (erf)  }
0xe9: {  	v12 =	vadd.f32 v12, v57;
	v20 =	vmul.f32 v23, v20;
	(erf) = vpow2.f32 v1;
	v23 =	vpop (erf)  }
0xea: {  	v43 =	vld [tilespmem:s20+$0x6600];
	v17 =	vadd.f32 v60, v17;
	v1 =	vmul.f32 $1.442695020e+00, v42;
	v16 =	vmul.f32 v34, v16;
	v35 =	vpop (erf)  }
0xeb: {  	v63 =	vmul.f32 v61, v54;
	v20 =	vadd.f32 v20, v61;
	v10 =	vmul.f32 v34, v10;
	v38 =	vpop (erf)  }
0xec: {  	v44 =	vld [tilespmem:s20+$0x6610];
	v37 =	vmul.f32 v23, v58;
	v9 =	vmul.f32 v35, v9;
	v16 =	vadd.f32 v16, v23;
	v23 =	vpop (erf)  }
0xed: {  	v7 =	vmul.f32 v23, v7;
	v13 =	vmul.f32 v23, v13;
	v23 =	vmax.f32 v3, v40  }
0xee: {  	(erf) = vpow2.f32 v1;
	v1 =	vmul.f32 $1.442695020e+00, v26;
	v3 =	vsub.f32 v3, v23  }
0xef: {  	v45 =	vld [tilespmem:s20+$0x6620];
	v26 =	vmax.f32 v5, v43;
	(erf) = vpow2.f32 v2;
	v2 =	vsub.f32 v40, v23  }
0xf0: {  	v41 =	vpop (erf);
	(erf) = vpow2.f32 v1;
	v1 =	vmul.f32 $1.442695020e+00, v3;
	v3 =	vsub.f32 v5, v26  }
0xf1: {  	v61 =	vld [tilespmem:s20+$0x6640];
	v33 =	vsub.f32 v43, v26;
	v5 =	vmul.f32 $1.442695020e+00, v2;
	v2 =	vmax.f32 v6, v44  }
0xf2: {  	(erf) = vpow2.f32 v1;
	v1 =	vmul.f32 $1.442695020e+00, v3;
	v3 =	vsub.f32 v6, v2  }
0xf3: {  	v59 =	vld [tilespmem:s20+$0xC9B0];
	v6 =	vsub.f32 v44, v2;
	(erf) = vpow2.f32 v5;
	v5 =	vmul.f32 $1.442695020e+00, v33  }
0xf4: {  	v39 =	vld [tilespmem:s20+$0xC9C0];
	(erf) = vpow2.f32 v1;
	v1 =	vmul.f32 $1.442695020e+00, v3;
	v3 =	vmax.f32 v22, v45  }
0xf5: {  	v47 =	vld [tilespmem:s20+$0x6630];
	(erf) = vpow2.f32 v5;
	v5 =	vmul.f32 $1.442695020e+00, v6;
	v6 =	vsub.f32 v22, v3  }
0xf6: {  	v10 =	vadd.f32 v37, v10;
	v37 =	vmax.f32 v0, v61;
	(erf) = vpow2.f32 v1  }
0xf7: {  	v0 =	vsub.f32 v0, v37;
	v22 =	vld [tilespmem:s20+$0xC9E0];
	(erf) = vpow2.f32 v5;
	v5 =	vmul.f32 $1.442695020e+00, v6  }
0xf8: {  	v46 =	vld [tilespmem:s20+$0xC9D0];
	v14 =	vmul.f32 v35, v14;
	v29 =	vmul.f32 v38, v59;
	v48 =	vpop (erf);
	v1 =	vsub.f32 v45, v3  }
0xf9: {  	v18 =	vadd.f32 v63, v18;
	v30 =	vmul.f32 v41, v39;
	v0 =	vmul.f32 $1.442695020e+00, v0;
	v49 =	vpop (erf)  }
0xfa: {  	v55 =	vld [tilespmem:s20+$0xCA00];
	v15 =	vmul.f32 v48, v15;
	v51 =	vpop (erf);
	v50 =	vmul.f32 $1.442695020e+00, v1;
	v1 =	vmax.f32 v4, v47  }
0xfb: {  	v52 =	vld [tilespmem:s20+$0xC9F0];
	v8 =	vmul.f32 v48, v8;
	(erf) = vpow2.f32 v5;
	v4 =	vsub.f32 v4, v1;
	v5 =	vpop (erf)  }
0xfc: {  	v14 =	vadd.f32 v14, v38;
	v38 =	vld [tilespmem:s20+$0x6660];
	v21 =	vmul.f32 v51, v21;
	v22 =	vmul.f32 v5, v22;
	v54 =	vpop (erf)  }
0xfd: {  	v57 =	vld [tilespmem:s20+$0xCA10];
	v9 =	vadd.f32 v29, v9;
	v6 =	vmul.f32 v49, v46;
	v4 =	vmul.f32 $1.442695020e+00, v4;
	v56 =	vpop (erf)  }
0xfe: {  	v39 =	vld [tilespmem:s20+$0x6670];
	v13 =	vadd.f32 v13, v41;
	v11 =	vmul.f32 v51, v11;
	(erf) = vpow2.f32 v50;
	v58 =	vpop (erf)  }
0xff: {  	v6 =	vadd.f32 v6, v15;
	v15 =	vmul.f32 v54, v25;
	(erf) = vpow2.f32 v4;
	v59 =	vpop (erf)  }
0x100: {  	v4 =	vmul.f32 v56, v52;
	v21 =	vadd.f32 v22, v21;
	v17 =	vmul.f32 v58, v17;
	v22 =	vpop (erf)  }
0x101: {  	v24 =	vmax.f32 v32, v38;
	v5 =	vadd.f32 v11, v5;
	v11 =	vmul.f32 v59, v55;
	v62 =	vpop (erf)  }
0x102: {  	v63 =	vld [tilespmem:s20+$0x6650];
	v15 =	vadd.f32 v4, v15;
	v4 =	vmul.f32 v22, v18;
	v18 =	vmul.f32 v62, v57  }
0x103: {  	v43 =	vsub.f32 v32, v24;
	v32 =	vmax.f32 v23, v39;
	v53 =	vsub.f32 v47, v1  }
0x104: {  	v11 =	vadd.f32 v11, v17;
	v17 =	vpop (erf);
	v18 =	vadd.f32 v18, v4;
	v4 =	vmul.f32 v22, v20  }
0x105: {  	v27 =	vsub.f32 v39, v32;
	v28 =	vmul.f32 $1.442695020e+00, v53;
	v10 =	vmul.f32 v17, v10  }
0x106: {  	v60 =	vld [tilespmem:s20+$0xCA20];
	v25 =	vadd.f32 v4, v62;
	v4 =	vmul.f32 v17, v16;
	v17 =	vsub.f32 v61, v37  }
0x107: {  	v41 =	vmax.f32 v31, v63;
	v7 =	vadd.f32 v30, v7;
	(erf) = vpow2.f32 v28  }
0x108: {  	v31 =	vsub.f32 v31, v41;
	v27 =	vmul.f32 $1.442695020e+00, v27;
	v17 =	vmul.f32 $1.442695020e+00, v17  }
0x109: {  	v30 =	vsub.f32 v38, v24;
	v19 =	vmul.f32 v54, v19;
	(erf) = vpow2.f32 v0  }
0x10a: {  	v42 =	vld [tilespmem:s20+$0x6680];
	v12 =	vmul.f32 v58, v12;
	v0 =	vsub.f32 v63, v41;
	v20 =	vpop (erf);
	(erf) = vpow2.f32 v17  }
0x10b: {  	v8 =	vadd.f32 v8, v49;
	v36 =	vmul.f32 v20, v60;
	v16 =	vpop (erf);
	v17 =	vmul.f32 $1.442695020e+00, v31  }
0x10c: {  	v23 =	vsub.f32 v23, v32;
	v22 =	vld [tilespmem:s20+$0xCA30];
	v0 =	vmul.f32 $1.442695020e+00, v0;
	v9 =	vmul.f32 v16, v9  }
0x10d: {  	v19 =	vadd.f32 v19, v56;
	(erf) = vpow2.f32 v17;
	v17 =	vmul.f32 $1.442695020e+00, v43  }
0x10e: {  	v44 =	vld [tilespmem:s20+$0x6690];
	v12 =	vadd.f32 v12, v59;
	(erf) = vpow2.f32 v0;
	v0 =	vmul.f32 $1.442695020e+00, v30  }
0x10f: {  	v45 =	vld [tilespmem:s20+$0xCA40];
	(erf) = vpow2.f32 v17;
	v17 =	vmul.f32 $1.442695020e+00, v23;
	v23 =	vmax.f32 v26, v42  }
0x110: {  	v40 =	vpop (erf);
	v14 =	vmul.f32 v16, v14;
	v20 =	vadd.f32 v4, v20;
	v26 =	vsub.f32 v26, v23  }
0x111: {  	v22 =	vmul.f32 v40, v22;
	(erf) = vpow2.f32 v0;
	v4 =	vsub.f32 v42, v23  }
0x112: {  	v10 =	vadd.f32 v36, v10;
	v16 =	vpop (erf);
	(erf) = vpow2.f32 v17;
	v17 =	vmul.f32 $1.442695020e+00, v26  }
0x113: {  	v46 =	vld [tilespmem:s20+$0x66A0];
	v0 =	vadd.f32 v22, v9;
	(erf) = vpow2.f32 v27;
	v22 =	vmul.f32 $1.442695020e+00, v4;
	v47 =	vpop (erf)  }
0x114: {  	v9 =	vld [tilespmem:s20+$0xCA50];
	v4 =	vmax.f32 v2, v44;
	(erf) = vpow2.f32 v17;
	v17 =	vmul.f32 v47, v45  }
0x115: {  	v14 =	vadd.f32 v14, v40;
	v13 =	vmul.f32 v16, v13;
	v2 =	vsub.f32 v2, v4  }
0x116: {  	v35 =	vld [tilespmem:s20+$0x6720];
	v7 =	vmul.f32 v16, v7;
	(erf) = vpow2.f32 v22;
	v22 =	vsub.f32 v44, v4;
	v16 =	vpop (erf)  }
0x117: {  	v48 =	vld [tilespmem:s20+$0xCA60];
	v2 =	vmul.f32 $1.442695020e+00, v2;
	v13 =	vadd.f32 v13, v47;
	v6 =	vmul.f32 v16, v6  }
0x118: {  	v7 =	vadd.f32 v17, v7;
	v22 =	vmul.f32 $1.442695020e+00, v22;
	v8 =	vmul.f32 v16, v8;
	v17 =	vpop (erf)  }
0x119: {  	v54 =	vld [tilespmem:s20+$0x66B0];
	v9 =	vmul.f32 v17, v9;
	v50 =	vpop (erf);
	(erf) = vpow2.f32 v2;
	v2 =	vmax.f32 v3, v46  }
0x11a: {  	v49 =	vld [tilespmem:s20+$0xCA70];
	v8 =	vadd.f32 v8, v17;
	v16 =	vpop (erf);
	(erf) = vpow2.f32 v22;
	v3 =	vsub.f32 v3, v2  }
0x11b: {  	v21 =	vmul.f32 v50, v21;
	v5 =	vmul.f32 v50, v5;
	v26 =	vsub.f32 v46, v2  }
0x11c: {  	v39 =	vmax.f32 v2, v35;
	v22 =	vmul.f32 v16, v48;
	v51 =	vpop (erf);
	v9 =	vadd.f32 v9, v6  }
0x11d: {  	v2 =	vsub.f32 v2, v39;
	v3 =	vmul.f32 $1.442695020e+00, v3;
	v6 =	vmul.f32 v51, v15  }
0x11e: {  	v55 =	vld [tilespmem:s20+$0x66C0];
	v53 =	vpop (erf);
	v19 =	vmul.f32 v51, v19;
	v16 =	vadd.f32 v5, v16;
	v5 =	vmax.f32 v1, v54  }
0x11f: {  	v52 =	vld [tilespmem:s20+$0xCA80];
	v15 =	vmul.f32 v53, v49;
	v21 =	vadd.f32 v22, v21;
	v1 =	vsub.f32 v1, v5  }
0x120: {  	v17 =	vpop (erf);
	v59 =	vsub.f32 v54, v5;
	v2 =	vmul.f32 $1.442695020e+00, v2;
	(erf) = vpow2.f32 v3  }
0x121: {  	v3 =	vmul.f32 $1.442695020e+00, v26;
	v11 =	vmul.f32 v17, v11;
	v19 =	vadd.f32 v19, v53  }
0x122: {  	v12 =	vmul.f32 v17, v12;
	v15 =	vadd.f32 v15, v6;
	v6 =	vld [tilespmem:s20+$0x66D0];
	v1 =	vmul.f32 $1.442695020e+00, v1  }
0x123: {  	v56 =	vld [tilespmem:s20+$0xCA90];
	v22 =	vpop (erf);
	v30 =	vmul.f32 $1.442695020e+00, v59;
	(erf) = vpow2.f32 v3;
	v3 =	vmax.f32 v37, v55  }
0x124: {  	v60 =	vld [tilespmem:s20+$0x66E0];
	v57 =	vmul.f32 v22, v52;
	v29 =	vsub.f32 v37, v3;
	(erf) = vpow2.f32 v1  }
0x125: {  	v12 =	vadd.f32 v12, v22;
	v26 =	vsub.f32 v55, v3;
	v17 =	vpop (erf);
	(erf) = vpow2.f32 v30  }
0x126: {  	v11 =	vadd.f32 v57, v11;
	v18 =	vmul.f32 v17, v18;
	v1 =	vmul.f32 $1.442695020e+00, v29  }
0x127: {  	v62 =	vld [tilespmem:s20+$0x66F0];
	v17 =	vmul.f32 v17, v25;
	v26 =	vmul.f32 $1.442695020e+00, v26;
	v29 =	vmax.f32 v41, v6  }
0x128: {  	v58 =	vpop (erf);
	v40 =	vsub.f32 v41, v29;
	(erf) = vpow2.f32 v1;
	v1 =	vsub.f32 v6, v29  }
0x129: {  	v27 =	vmul.f32 v58, v56;
	v41 =	vld [tilespmem:s20+$0x6700];
	(erf) = vpow2.f32 v26;
	v26 =	vmax.f32 v24, v60  }
0x12a: {  	v63 =	vpop (erf);
	v6 =	vmul.f32 $1.442695020e+00, v40;
	v1 =	vmul.f32 $1.442695020e+00, v1;
	v24 =	vsub.f32 v24, v26  }
0x12b: {  	v61 =	vld [tilespmem:s20+$0xCAA0];
	v43 =	vsub.f32 v60, v26;
	v10 =	vmul.f32 v63, v10;
	v20 =	vmul.f32 v63, v20  }
0x12c: {  	(erf) = vpow2.f32 v6;
	v6 =	vmax.f32 v32, v62;
	v24 =	vmul.f32 $1.442695020e+00, v24  }
0x12d: {  	v30 =	vmul.f32 $1.442695020e+00, v43;
	(erf) = vpow2.f32 v1;
	v44 =	vsub.f32 v32, v6  }
0x12e: {  	v47 =	vld [tilespmem:s20+$0x6710];
	v45 =	vsub.f32 v62, v6;
	v1 =	vmax.f32 v23, v41;
	(erf) = vpow2.f32 v24  }
0x12f: {  	v37 =	vld [tilespmem:s20+$0x6730];
	v42 =	vpop (erf);
	v23 =	vsub.f32 v23, v1;
	v46 =	vmul.f32 $1.442695020e+00, v44;
	(erf) = vpow2.f32 v30  }
0x130: {  	v48 =	vld [tilespmem:s20+$0xCAB0];
	v17 =	vadd.f32 v17, v58;
	v25 =	vmul.f32 v42, v61;
	v32 =	vmul.f32 $1.442695020e+00, v45  }
0x131: {  	v18 =	vadd.f32 v27, v18;
	v49 =	vpop (erf);
	v23 =	vmul.f32 $1.442695020e+00, v23;
	(erf) = vpow2.f32 v46  }
0x132: {  	v22 =	vld [tilespmem:s20+$0xCAC0];
	v20 =	vadd.f32 v20, v42;
	v33 =	vsub.f32 v41, v1;
	v51 =	vpop (erf);
	(erf) = vpow2.f32 v32  }
0x133: {  	v53 =	vpop (erf);
	(erf) = vpow2.f32 v23;
	v23 =	vmul.f32 v49, v0;
	v0 =	vmax.f32 v4, v47  }
0x134: {  	v56 =	vld [tilespmem:s20+$0xCAE0];
	v42 =	vmax.f32 v5, v37;
	v14 =	vmul.f32 v49, v14;
	v55 =	vpop (erf);
	v4 =	vsub.f32 v4, v0  }
0x135: {  	v43 =	vld [tilespmem:s20+$0x6750];
	v5 =	vsub.f32 v5, v42;
	v54 =	vmul.f32 v51, v48;
	v50 =	vmul.f32 $1.442695020e+00, v33;
	v57 =	vpop (erf)  }
0x136: {  	v27 =	vsub.f32 v37, v42;
	v45 =	vld [tilespmem:s20+$0x6760];
	v7 =	vmul.f32 v53, v7;
	v58 =	vpop (erf);
	v4 =	vmul.f32 $1.442695020e+00, v4  }
0x137: {  	v52 =	vld [tilespmem:s20+$0xCAD0];
	v10 =	vadd.f32 v25, v10;
	v22 =	vmul.f32 v55, v22;
	(erf) = vpow2.f32 v50;
	v60 =	vpop (erf)  }
0x138: {  	v13 =	vmul.f32 v53, v13;
	v31 =	vsub.f32 v47, v0;
	v62 =	vpop (erf);
	(erf) = vpow2.f32 v4  }
0x139: {  	v4 =	vadd.f32 v22, v7;
	v7 =	vmul.f32 v60, v21;
	v21 =	vmul.f32 v62, v56  }
0x13a: {  	v14 =	vadd.f32 v14, v51;
	v46 =	vmax.f32 v29, v43;
	v13 =	vadd.f32 v13, v55  }
0x13b: {  	v40 =	vld [tilespmem:s20+$0x6740];
	v49 =	vmax.f32 v26, v45;
	v9 =	vmul.f32 v57, v9;
	v41 =	vmul.f32 $1.442695020e+00, v31;
	v22 =	vpop (erf)  }
0x13c: {  	v61 =	vld [tilespmem:s20+$0xCAF0];
	v23 =	vadd.f32 v54, v23;
	v8 =	vmul.f32 v57, v8;
	v59 =	vmul.f32 v58, v52;
	v36 =	vpop (erf)  }
0x13d: {  	v16 =	vmul.f32 v60, v16;
	(erf) = vpow2.f32 v41;
	v7 =	vadd.f32 v21, v7;
	v21 =	vpop (erf)  }
0x13e: {  	v11 =	vmul.f32 v21, v11;
	v12 =	vmul.f32 v21, v12;
	v21 =	vsub.f32 v35, v39  }
0x13f: {  	v63 =	vld [tilespmem:s20+$0xCB00];
	v50 =	vsub.f32 v45, v49;
	v15 =	vmul.f32 v22, v15;
	(erf) = vpow2.f32 v2  }
0x140: {  	v2 =	vmul.f32 $1.442695020e+00, v5;
	v5 =	vmax.f32 v3, v40;
	v21 =	vmul.f32 $1.442695020e+00, v21  }
0x141: {  	v19 =	vmul.f32 v22, v19;
	v38 =	vmul.f32 v36, v61;
	v3 =	vsub.f32 v3, v5  }
0x142: {  	v31 =	vsub.f32 v43, v46;
	v22 =	vpop (erf);
	(erf) = vpow2.f32 v21;
	v21 =	vmul.f32 $1.442695020e+00, v27  }
0x143: {  	v3 =	vmul.f32 $1.442695020e+00, v3;
	(erf) = vpow2.f32 v2;
	v2 =	vsub.f32 v40, v5  }
0x144: {  	v47 =	vld [tilespmem:s20+$0x6770];
	v28 =	vmul.f32 v22, v63;
	v44 =	vpop (erf);
	(erf) = vpow2.f32 v21;
	v21 =	vsub.f32 v29, v46  }
0x145: {  	v8 =	vadd.f32 v8, v58;
	v18 =	vmul.f32 v44, v18;
	v2 =	vmul.f32 $1.442695020e+00, v2  }
0x146: {  	v48 =	vld [tilespmem:s20+$0xCB10];
	(erf) = vpow2.f32 v3;
	v3 =	vmul.f32 $1.442695020e+00, v21;
	v21 =	vsub.f32 v26, v49  }
0x147: {  	v51 =	vld [tilespmem:s20+$0x6780];
	v9 =	vadd.f32 v59, v9;
	(erf) = vpow2.f32 v2;
	v2 =	vmul.f32 $1.442695020e+00, v31  }
0x148: {  	v12 =	vadd.f32 v12, v22;
	v22 =	vld [tilespmem:s20+$0xCB20];
	(erf) = vpow2.f32 v3;
	v3 =	vmul.f32 $1.442695020e+00, v21  }
0x149: {  	v52 =	vmax.f32 v6, v47;
	(erf) = vpow2.f32 v2;
	v2 =	vmul.f32 $1.442695020e+00, v50  }
0x14a: {  	v53 =	vld [tilespmem:s20+$0xCB30];
	v21 =	vpop (erf);
	(erf) = vpow2.f32 v3;
	v3 =	vsub.f32 v6, v52;
	v6 =	vmul.f32 v44, v17  }
0x14b: {  	v16 =	vadd.f32 v16, v62;
	v29 =	vmul.f32 v21, v48;
	v17 =	vpop (erf);
	(erf) = vpow2.f32 v2  }
0x14c: {  	v2 =	vsub.f32 v47, v52;
	v54 =	vpop (erf);
	v10 =	vmul.f32 v17, v10;
	v55 =	vmul.f32 $1.442695020e+00, v3  }
0x14d: {  	v3 =	vmax.f32 v1, v51;
	v17 =	vmul.f32 v17, v20;
	v22 =	vmul.f32 v54, v22;
	v56 =	vpop (erf)  }
0x14e: {  	v57 =	vld [tilespmem:s20+$0xCB40];
	v2 =	vmul.f32 $1.442695020e+00, v2;
	v1 =	vsub.f32 v1, v3;
	v29 =	vadd.f32 v29, v18;
	v18 =	vpop (erf)  }
0x14f: {  	(erf) = vpow2.f32 v55;
	v22 =	vadd.f32 v22, v10;
	v10 =	vmul.f32 v18, v53  }
0x150: {  	v6 =	vadd.f32 v6, v21;
	v21 =	vld [tilespmem:s20+$0xCB50];
	v20 =	vpop (erf);
	(erf) = vpow2.f32 v2;
	v1 =	vmul.f32 $1.442695020e+00, v1  }
0x151: {  	v58 =	vld [tilespmem:s20+$0xCB60];
	v19 =	vadd.f32 v19, v36;
	v15 =	vadd.f32 v38, v15;
	v2 =	vmul.f32 v56, v23;
	v23 =	vpop (erf)  }
0x152: {  	v27 =	vadd.f32 v17, v54;
	v14 =	vmul.f32 v56, v14;
	v17 =	vpop (erf);
	(erf) = vpow2.f32 v1  }
0x153: {  	v1 =	vadd.f32 v10, v2;
	v2 =	vmul.f32 v20, v4;
	v4 =	vmul.f32 v23, v57;
	v10 =	vpop (erf)  }
0x154: {  	v14 =	vadd.f32 v14, v18;
	v13 =	vmul.f32 v20, v13;
	v20 =	vld [tilespmem:s20+$0x6790];
	v9 =	vmul.f32 v17, v9;
	v18 =	vpop (erf)  }
0x155: {  	v8 =	vmul.f32 v17, v8;
	v17 =	vld [tilespmem:s20+$0xCB70];
	v4 =	vadd.f32 v4, v2;
	v2 =	vmul.f32 v10, v21;
	v21 =	vpop (erf)  }
0x156: {  	v59 =	vld [tilespmem:s20+$0x67A0];
	v13 =	vadd.f32 v13, v23;
	v7 =	vmul.f32 v18, v7;
	v23 =	vmul.f32 v21, v58  }
0x157: {  	v60 =	vadd.f32 v2, v9;
	v2 =	vsub.f32 v51, v3  }
0x158: {  	v11 =	vadd.f32 v28, v11;
	v9 =	vpop (erf);
	v61 =	vadd.f32 v23, v7;
	v7 =	vmul.f32 v18, v16  }
0x159: {  	v8 =	vadd.f32 v8, v10;
	v10 =	vld [tilespmem:s20+$0x67B0];
	v16 =	vpop (erf);
	v23 =	vmul.f32 v9, v15;
	v2 =	vmul.f32 $1.442695020e+00, v2  }
0x15a: {  	v18 =	vmax.f32 v0, v20;
	v9 =	vmul.f32 v9, v19;
	v19 =	vld [tilespmem:s20+$0x67C0];
	v62 =	vmul.f32 v16, v17  }
0x15b: {  	v0 =	vsub.f32 v0, v18;
	v17 =	vmax.f32 v39, v59;
	v15 =	vpop (erf);
	(erf) = vpow2.f32 v2  }
0x15c: {  	v2 =	vsub.f32 v20, v18;
	v37 =	vadd.f32 v9, v16;
	v20 =	vmul.f32 v15, v11  }
0x15d: {  	v40 =	vld [tilespmem:s20+$0x67D0];
	v0 =	vmul.f32 $1.442695020e+00, v0;
	v11 =	vsub.f32 v39, v17;
	v63 =	vmul.f32 v15, v12  }
0x15e: {  	v12 =	vsub.f32 v59, v17;
	v15 =	vmax.f32 v42, v10;
	v2 =	vmul.f32 $1.442695020e+00, v2  }
0x15f: {  	(erf) = vpow2.f32 v0;
	v0 =	vmul.f32 $1.442695020e+00, v11;
	v11 =	vmax.f32 v5, v19  }
0x160: {  	v41 =	vld [tilespmem:s20+$0x67E0];
	(erf) = vpow2.f32 v2;
	v2 =	vmul.f32 $1.442695020e+00, v12;
	v12 =	vsub.f32 v42, v15  }
0x161: {  	v5 =	vsub.f32 v5, v11;
	(erf) = vpow2.f32 v0;
	v0 =	vsub.f32 v10, v15  }
0x162: {  	v42 =	vld [tilespmem:s20+$0xCB80];
	v10 =	vmax.f32 v46, v40;
	(erf) = vpow2.f32 v2;
	v2 =	vmul.f32 $1.442695020e+00, v12  }
0x163: {  	v12 =	vsub.f32 v19, v11;
	v19 =	vld [tilespmem:s20+$0x67F0];
	v31 =	vsub.f32 v40, v10;
	v0 =	vmul.f32 $1.442695020e+00, v0  }
0x164: {  	(erf) = vpow2.f32 v2;
	v2 =	vmul.f32 $1.442695020e+00, v5;
	v5 =	vsub.f32 v46, v10  }
0x165: {  	(erf) = vpow2.f32 v0;
	v0 =	vmul.f32 $1.442695020e+00, v12;
	v12 =	vmax.f32 v49, v41  }
0x166: {  	(erf) = vpow2.f32 v2;
	v2 =	vmul.f32 $1.442695020e+00, v5;
	v5 =	vsub.f32 v49, v12  }
0x167: {  	v43 =	vpop (erf);
	v30 =	vsub.f32 v41, v12;
	(erf) = vpow2.f32 v0;
	v0 =	vmul.f32 $1.442695020e+00, v31  }
0x168: {  	v44 =	vld [tilespmem:s20+$0xCB90];
	v25 =	vmul.f32 v43, v42;
	(erf) = vpow2.f32 v2;
	v2 =	vmax.f32 v52, v19  }
0x169: {  	v45 =	vpop (erf);
	(erf) = vpow2.f32 v0;
	v0 =	vmul.f32 $1.442695020e+00, v5;
	v5 =	vsub.f32 v52, v2  }
0x16a: {  	v30 =	vmul.f32 $1.442695020e+00, v30;
	v19 =	vsub.f32 v19, v2;
	v9 =	vmul.f32 v45, v29  }
0x16b: {  	v46 =	vadd.f32 v7, v21;
	v7 =	vpop (erf);
	(erf) = vpow2.f32 v0;
	v0 =	vld [tilespmem:s20+$0xCBA0];
	v5 =	vmul.f32 $1.442695020e+00, v5  }
0x16c: {  	v48 =	vld [tilespmem:s20+$0xCBB0];
	v47 =	vpop (erf);
	v19 =	vmul.f32 $1.442695020e+00, v19;
	(erf) = vpow2.f32 v30  }
0x16d: {  	v16 =	vpop (erf);
	(erf) = vpow2.f32 v5;
	v5 =	vmul.f32 v7, v44  }
0x16e: {  	v50 =	vld [tilespmem:s20+$0xCBC0];
	v34 =	vadd.f32 v62, v23;
	v6 =	vmul.f32 v45, v6;
	v49 =	vpop (erf);
	(erf) = vpow2.f32 v19  }
0x16f: {  	v51 =	vpop (erf);
	v19 =	vmul.f32 v47, v22;
	v22 =	vadd.f32 v5, v9;
	v5 =	vmul.f32 v47, v27  }
0x170: {  	v53 =	vld [tilespmem:s20+$0xCBD0];
	v21 =	vadd.f32 v63, v43;
	v23 =	vadd.f32 v25, v20;
	v52 =	vpop (erf);
	v0 =	vmul.f32 v16, v0  }
0x171: {  	v55 =	vld [tilespmem:s20+$0xCBE0];
	v20 =	vadd.f32 v6, v7;
	v1 =	vmul.f32 v49, v1;
	v6 =	vmul.f32 v51, v48;
	v54 =	vpop (erf)  }
0x172: {  	v56 =	vpop (erf);
	v16 =	vadd.f32 v5, v16;
	v19 =	vadd.f32 v0, v19;
	v0 =	vmul.f32 v49, v14  }
0x173: {  	v57 =	vld [tilespmem:s20+$0xCBF0];
	v9 =	vadd.f32 v6, v1;
	v1 =	vmul.f32 v52, v4;
	v4 =	vmul.f32 v54, v50;
	v5 =	vpop (erf)  }
0x174: {  	v6 =	vmul.f32 v56, v60;
	v58 =	vpop (erf);
	v14 =	vadd.f32 v0, v51;
	v0 =	vmul.f32 v52, v13  }
0x175: {  	p0 =	sne.s32 s19, $0x18000;
	v7 =	vadd.f32 v4, v1;
	v4 =	vmul.f32 v56, v8;
	v1 =	vmul.f32 v5, v53;
	v59 =	vpop (erf)  }
.Ltmp0:
0x176: {  	v60 =	vpop (erf);
	v13 =	vadd.f32 v0, v54;
	v0 =	vmul.f32 v58, v61;
	v61 =	vmul.f32 v59, v55;
	(pc) =	sbr.rel @p0 .LBB2_2-.Ltmp0, $4  }
0x177: {  	v6 =	vadd.f32 v1, v6;
	v1 =	vmul.f32 v58, v46;
	v62 =	vpop (erf);
	v63 =	vmul.f32 v60, v34  }
0x178: {  	v8 =	vadd.f32 v4, v5;
	v26 =	vmul.f32 v60, v37;
	v25 =	vmul.f32 v62, v57  }
0x179: {  	v4 =	vadd.f32 v61, v0;
	v5 =	vadd.f32 v1, v59  }
0x17a: {  	s19 =	sadd.s32 $0x1000, s19;
	v1 =	vadd.f32 v26, v62;
	v0 =	vadd.f32 v25, v63  }
0x17b: {  	(erf) = vrcp.f32 v21  }
0x17c: {  	(erf) = vrcp.f32 v20  }
0x17d: {  	(erf) = vrcp.f32 v16  }
0x17e: {  	(erf) = vrcp.f32 v14  }
0x17f: {  	(erf) = vrcp.f32 v13  }
0x180: {  	(erf) = vrcp.f32 v8  }
0x181: {  	(erf) = vrcp.f32 v5  }
0x182: {  	(erf) = vrcp.f32 v1;
	_ =	sdelay $0x1  }
0x183: {  	v53 =	vpop (erf)  }
0x184: {  	v2 =	vpop (erf);
	v1 =	vmul.f32 v53, v23  }
0x185: {  	v3 =	vpop (erf);
	v2 =	vmul.f32 v2, v22  }
0x186: {  	v54 =	vpop (erf);
	[tilespmem:$0x12C00] =	vst v1;
	v55 =	vmul.f32 v3, v19  }
0x187: {  	v56 =	vpop (erf);
	[tilespmem:$0x12C10] =	vst v2;
	v57 =	vmul.f32 v54, v9  }
0x188: {  	v58 =	vpop (erf);
	[tilespmem:$0x12C20] =	vst v55;
	v59 =	vmul.f32 v56, v7  }
0x189: {  	v60 =	vpop (erf);
	[tilespmem:$0x12C30] =	vst v57;
	v61 =	vmul.f32 v58, v6  }
0x18a: {  	[tilespmem:$0x12C40] =	vst v59;
	v62 =	vmul.f32 v60, v4;
	v63 =	vpop (erf)  }
0x18b: {  	s18 =	sadd.s32 $0x1, s18;
	[tilespmem:$0x12C50] =	vst v61;
	v0 =	vmul.f32 v63, v0  }
0x18c: {  	p0 =	sne.s32 s18, s9;
	[tilespmem:$0x12C60] =	vst v62  }
.Ltmp1:
0x18d: {  	[tilespmem:$0x12C70] =	vst v0;
	(pc) =	sbr.rel @p0 .LBB2_1-.Ltmp1, $4  }
0x18e: {  	[hbm4b:s8+s4] =	stream.linear.scatter [tilespmem:s17], [sflag:$0x3], $0x80, $0x38;
	[tilespmem:$0x1AC80] =	vst v63  }
0x18f: {  	_ =	swait.ge [sflag:s10], $0x80  }
0x190: {  	[sflag:s10] =	ssyncset.done $0x0  }
0x191: {  	[sflag:s10] =	ssyncadd.s32 $0xFFFFFF80  }
0x192: {  	_ =	sfence.sel $0x180000  }
0x193: {  	[bflag:$0x0] =	sbarrier.arrive $0xFFFF  }
0x194: {  	p0 =	sne.s32 s1, $0x0;
	_ =	strace $0x90000047  }
0x195: {  	s0 =	sadd.s32 @!p0 $0x100000, s0;
	[bflag:$0x2] =	sbarrier.arrive $0xFFFF  }
0x196: {  	[sflag:s0] =	ssyncadd.tile.s32 @!p0 $0x1;
	_ =	shalt  }
.Lfunc_end2:
_tile_overlayer_lowered:
.L_overlay_start_2:
0x197: {  	(tag) =	ssettag $0x2  }
0x198: {  	s0 =	rddreg [dreg:$0x0];
	s2 =	stileid.u32  }
0x199: {  	s1 =	rddreg [dreg:$0x1];
	p0 =	sne.s32 s2, $0x0  }
0x19a: {  	s3 =	rddreg [dreg:$0x2];
	[bflag:$0x3] =	sbarrier.arrive $0xFFFF;
	s2 =	simm.s32 @!p0 $0x1C03  }
0x19b: {  	[timem:s3], [sflag:s2] =	dma.local @!p0 [hbm:s0], s1  }
0x19c: {  	s0 =	simm.s32 @!p0 $0x3  }
0x19d: {  	_ =	swait.ge @!p0 [sflag:s0], s1  }
0x19e: {  	s1 =	ssub.s32 @!p0 $0x0, s1;
	[sflag:s0] =	ssyncset.done @!p0 $0x0  }
0x19f: {  	[sflag:s0] =	ssyncadd.s32 @!p0 s1  }
0x1a0: {  	[bflag:$0x3] =	sbarrier.arrive $0xFFFF  }
0x1a1: {  	_ =	shalt  }

</sc_bundles>
